<compile_context>
chip_gen: v7x
topology: tpu7x:2x2x1
jax: 0.10.2.dev20260603
libtpu: 0.0.44.dev20260713+nightly
codegen_flags: <defaults>
</compile_context>

<pallas_src>
import functools

import jax
import jax.numpy as jnp
from jax import lax
from jax.experimental import pallas as pl
from jax.experimental.pallas import tpu as pltpu
from jax.experimental.pallas import tpu_sc as plsc

_NUM_CLASSES = 81
_ROIS_PER_IMAGE = 128
_FG_ROIS = 32
_BG_ROIS = _ROIS_PER_IMAGE - _FG_ROIS
_FG_THRESH = 0.5
_BG_HI = 0.5
_BG_LO = 0.1
_LANES = 128
_BIGI = 2**30
_SCL = 16


def _stage1_kernel(planes_ref, gt_ref, scores_ref, asg_ref, *,
                   nk, rows, k_gt):
    f32 = jnp.float32
    i32 = jnp.int32

    x1 = planes_ref[0, 0]
    y1 = planes_ref[0, 1]
    x2 = planes_ref[0, 2]
    y2 = planes_ref[0, 3]
    area_r = (x2 - x1 + 1.0) * (y2 - y1 + 1.0)

    max_ov = jnp.full((rows, _LANES), -1.0, f32)
    assign = jnp.zeros((rows, _LANES), i32)
    for k in range(k_gt):
        gx1 = gt_ref[0, k:k + 1, 0:1]
        gy1 = gt_ref[0, k:k + 1, 1:2]
        gx2 = gt_ref[0, k:k + 1, 2:3]
        gy2 = gt_ref[0, k:k + 1, 3:4]
        ag = (gx2 - gx1 + 1.0) * (gy2 - gy1 + 1.0)
        nz = jnp.where(jnp.abs(gx1) + jnp.abs(gy1) + jnp.abs(gx2) +
                       jnp.abs(gy2) == 0.0, 0.0, 1.0)
        iw = jnp.minimum(x2, gx2) - jnp.maximum(x1, gx1) + 1.0
        ih = jnp.minimum(y2, gy2) - jnp.maximum(y1, gy1) + 1.0
        inter = jnp.maximum(iw, 0.0) * jnp.maximum(ih, 0.0)
        iou = (inter / ((area_r + ag) - inter)) * nz
        better = iou > max_ov
        assign = jnp.where(better, k, assign)
        max_ov = jnp.maximum(max_ov, iou)

    ridx = lax.broadcasted_iota(i32, (rows, _LANES), 0)
    cidx = lax.broadcasted_iota(i32, (rows, _LANES), 1)
    valid = (ridx * _LANES + cidx) < nk
    scores_ref[0, 0] = jnp.where(
        valid, jnp.where(max_ov >= _FG_THRESH, max_ov, -1.0), -2.0)
    scores_ref[0, 1] = jnp.where(
        valid,
        jnp.where((max_ov < _BG_HI) & (max_ov >= _BG_LO), max_ov, -1.0), -2.0)
    asg_ref[0] = assign


def _sc_select_kernel(scores_hbm, planes_hbm, asg_hbm, gt_hbm,
                      labels_hbm, colt_hbm,
                      scores_v, gt_v, l1_v, l2_v, colt_v, lab_v,
                      keep_v, vbuf_v, idx0_v, idx1_v, idx2_v, idx3_v,
                      idxa_v, gp0_v, gp1_v, gp2_v, gp3_v, ga_v, sem,
                      *, p, k_gt):
    f32 = jnp.float32
    i32 = jnp.int32
    n1 = p // _SCL
    n2 = n1 // _SCL
    b = lax.axis_index("s")
    c = lax.axis_index("c")
    iota = lax.broadcasted_iota(i32, (_SCL,), 0)
    lane0 = iota == 0

    pltpu.sync_copy(scores_hbm.at[b, c], scores_v)
    pltpu.sync_copy(gt_hbm.at[b], gt_v)

    def build_l1(j, _):
        base = j * (_SCL * _SCL)
        acc = plsc.load_gather(scores_v, [base + iota * _SCL])
        for k in range(1, _SCL):
            acc = jnp.maximum(
                acc, plsc.load_gather(scores_v, [base + iota * _SCL + k]))
        l1_v[pl.ds(j * _SCL, _SCL)] = acc
        return 0

    lax.fori_loop(0, n1 // _SCL, build_l1, 0)

    def build_l2(j, _):
        base = j * (_SCL * _SCL)
        acc = plsc.load_gather(l1_v, [base + iota * _SCL])
        for k in range(1, _SCL):
            acc = jnp.maximum(
                acc, plsc.load_gather(l1_v, [base + iota * _SCL + k]))
        l2_v[pl.ds(j * _SCL, _SCL)] = acc
        return 0

    lax.fori_loop(0, n2 // _SCL, build_l2, 0)

    is_fg = c == 0

    def pick(i, _):
        vmax = jnp.float32(-4.0)
        for j in range(n2 // _SCL):
            vmax = jnp.maximum(vmax, jnp.max(l2_v[pl.ds(j * _SCL, _SCL)]))
        c2 = jnp.int32(_BIGI)
        for j in range(n2 // _SCL):
            sl = l2_v[pl.ds(j * _SCL, _SCL)]
            c2 = jnp.minimum(
                c2, jnp.min(jnp.where(sl == vmax, j * _SCL + iota, _BIGI)))
        g1 = plsc.load_gather(l1_v, [c2 * _SCL + iota])
        s1 = jnp.min(jnp.where(g1 == vmax, iota, _BIGI))
        c1 = c2 * _SCL + s1
        g0 = plsc.load_gather(scores_v, [c1 * _SCL + iota])
        s0 = jnp.min(jnp.where(g0 == vmax, iota, _BIGI))
        e = c1 * _SCL + s0
        ng0 = jnp.where(iota == s0, -3.0, g0)
        plsc.store_scatter(scores_v, [jnp.full((_SCL,), e, i32)],
                           jnp.full((_SCL,), -3.0, f32), mask=lane0)
        nv1 = jnp.max(ng0)
        plsc.store_scatter(l1_v, [jnp.full((_SCL,), c1, i32)],
                           jnp.full((_SCL,), nv1, f32), mask=lane0)
        ng1 = jnp.where(iota == s1, nv1, g1)
        nv2 = jnp.max(ng1)
        plsc.store_scatter(l2_v, [jnp.full((_SCL,), c2, i32)],
                           jnp.full((_SCL,), nv2, f32), mask=lane0)
        plsc.store_scatter(keep_v, [jnp.full((_SCL,), i, i32)],
                           jnp.full((_SCL,), e, i32), mask=lane0)
        plsc.store_scatter(vbuf_v, [jnp.full((_SCL,), i, i32)],
                           jnp.full((_SCL,), vmax, f32), mask=lane0)
        return 0

    lax.fori_loop(0, _BG_ROIS, pick, 0)

    def build_idx(t, _):
        kk = keep_v[pl.ds(t * _SCL, _SCL)]
        base = b * (4 * p)
        idx0_v[pl.ds(t * _SCL, _SCL)] = base + kk
        idx1_v[pl.ds(t * _SCL, _SCL)] = base + p + kk
        idx2_v[pl.ds(t * _SCL, _SCL)] = base + 2 * p + kk
        idx3_v[pl.ds(t * _SCL, _SCL)] = base + 3 * p + kk
        idxa_v[pl.ds(t * _SCL, _SCL)] = b * p + kk
        return 0

    lax.fori_loop(0, _BG_ROIS // _SCL, build_idx, 0)

    pltpu.async_copy(planes_hbm.at[idx0_v], gp0_v, sem).wait()
    pltpu.async_copy(planes_hbm.at[idx1_v], gp1_v, sem).wait()
    pltpu.async_copy(planes_hbm.at[idx2_v], gp2_v, sem).wait()
    pltpu.async_copy(planes_hbm.at[idx3_v], gp3_v, sem).wait()
    pltpu.async_copy(asg_hbm.at[idxa_v], ga_v, sem).wait()

    def assemble(i, _):
        ii = jnp.full((_SCL,), i, i32)
        c0 = plsc.load_gather(gp0_v, [ii])
        c1 = plsc.load_gather(gp1_v, [ii])
        c2 = plsc.load_gather(gp2_v, [ii])
        c3 = plsc.load_gather(gp3_v, [ii])
        ga = plsc.load_gather(ga_v, [ii])
        gtv = plsc.load_gather(gt_v, [ga * 5 + jnp.maximum(iota - 4, 0)])
        lab = plsc.load_gather(gt_v, [ga * 5 + 4])
        v = plsc.load_gather(vbuf_v, [ii])
        labv = jnp.where(is_fg & (v >= _FG_THRESH), lab,
                         jnp.zeros((_SCL,), f32))
        row = jnp.where(iota == 0, c0,
                        jnp.where(iota == 1, c1,
                                  jnp.where(iota == 2, c2, c3)))
        row = jnp.where(iota >= 4, gtv, row)
        row = jnp.where(iota == 8, labv, row)
        row = jnp.where(iota > 8, 0.0, row)
        plsc.store_scatter(colt_v, [ii, iota], row)
        plsc.store_scatter(lab_v, [ii], labv, mask=lane0)
        return 0

    lax.fori_loop(0, _BG_ROIS, assemble, 0)

    @pl.when(is_fg)
    def _():
        pltpu.sync_copy(colt_v.at[pl.ds(0, _FG_ROIS)],
                        colt_hbm.at[b, pl.ds(0, _FG_ROIS)])
        pltpu.sync_copy(lab_v.at[pl.ds(0, _FG_ROIS)],
                        labels_hbm.at[b, pl.ds(0, _FG_ROIS)])

    @pl.when(jnp.logical_not(is_fg))
    def _():
        pltpu.sync_copy(colt_v, colt_hbm.at[b, pl.ds(_FG_ROIS, _BG_ROIS)])
        pltpu.sync_copy(lab_v, labels_hbm.at[b, pl.ds(_FG_ROIS, _BG_ROIS)])


def _epilogue_kernel(colt_ref, rois_ref, bbox_ref, inw_ref):
    f32 = jnp.float32
    i32 = jnp.int32
    cb = colt_ref[0]
    ex1 = cb[:, 0:1]
    ey1 = cb[:, 1:2]
    ex2 = cb[:, 2:3]
    ey2 = cb[:, 3:4]
    gx1 = cb[:, 4:5]
    gy1 = cb[:, 5:6]
    gx2 = cb[:, 6:7]
    gy2 = cb[:, 7:8]
    cls = cb[:, 8:9]

    ew = ex2 - ex1 + 1.0
    eh = ey2 - ey1 + 1.0
    ecx = ex1 + 0.5 * ew
    ecy = ey1 + 0.5 * eh
    gw = gx2 - gx1 + 1.0
    gh = gy2 - gy1 + 1.0
    gcx = gx1 + 0.5 * gw
    gcy = gy1 + 0.5 * gh
    tx = ((gcx - ecx) / ew) / 0.1
    ty = ((gcy - ecy) / eh) / 0.1
    tw = jnp.log(gw / ew) / 0.2
    th = jnp.log(gh / eh) / 0.2

    bcol = jnp.full((_ROIS_PER_IMAGE, 1), pl.program_id(0), f32)
    rois_ref[0] = jnp.concatenate([bcol, ex1, ey1, ex2, ey2], axis=1)
    clsi = cls.astype(i32)
    maskc = cls > 0.0
    jj = lax.broadcasted_iota(i32, (_ROIS_PER_IMAGE, 4 * _NUM_CLASSES), 1)
    cj = jj >> 2
    dj = jj & 3
    sel = (cj == clsi) & maskc
    tval = jnp.where(dj == 0, tx,
                     jnp.where(dj == 1, ty, jnp.where(dj == 2, tw, th)))
    bbox_ref[0] = jnp.where(sel, tval, 0.0)
    inw_ref[0] = jnp.where(sel, 1.0, 0.0)


@jax.jit
def kernel(all_rois, gt_boxes, num_boxes):
    del num_boxes
    B, N, _ = all_rois.shape
    K = gt_boxes.shape[1]
    nk = N + K
    rows = -(-nk // _LANES)
    rows = -(-rows // 8) * 8
    p = rows * _LANES

    coords = jnp.concatenate([all_rois[:, :, 1:5], gt_boxes[:, :, :4]], axis=1)
    coords = jnp.pad(coords, ((0, 0), (0, p - nk), (0, 0)))
    planes = coords.transpose(0, 2, 1).reshape(B, 4, rows, _LANES)

    s1 = functools.partial(_stage1_kernel, nk=nk, rows=rows, k_gt=K)
    scores4, asg = pl.pallas_call(
        s1,
        grid=(B,),
        in_specs=[
            pl.BlockSpec((1, 4, rows, _LANES), lambda b: (b, 0, 0, 0)),
            pl.BlockSpec((1, K, 5), lambda b: (b, 0, 0)),
        ],
        out_specs=[
            pl.BlockSpec((1, 2, rows, _LANES), lambda b: (b, 0, 0, 0)),
            pl.BlockSpec((1, rows, _LANES), lambda b: (b, 0, 0)),
        ],
        out_shape=(
            jax.ShapeDtypeStruct((B, 2, rows, _LANES), jnp.float32),
            jax.ShapeDtypeStruct((B, rows, _LANES), jnp.int32),
        ),
    )(planes, gt_boxes)

    scores_all = scores4.reshape(B, 2, p)
    planes1 = planes.reshape(B * 4 * p)
    asg1 = asg.reshape(B * p)
    gtf = jnp.pad(gt_boxes.reshape(B, K * 5), ((0, 0), (0, 128 - K * 5)))

    sc = functools.partial(_sc_select_kernel, p=p, k_gt=K)
    mesh = plsc.VectorSubcoreMesh(core_axis_name="c", subcore_axis_name="s")
    labels, colt = pl.kernel(
        sc,
        out_type=(
            jax.ShapeDtypeStruct((B, _ROIS_PER_IMAGE), jnp.float32),
            jax.ShapeDtypeStruct((B, _ROIS_PER_IMAGE, 16), jnp.float32),
        ),
        mesh=mesh,
        compiler_params=pltpu.CompilerParams(needs_layout_passes=False),
        scratch_types=[
            pltpu.VMEM((p,), jnp.float32),
            pltpu.VMEM((128,), jnp.float32),
            pltpu.VMEM((p // _SCL,), jnp.float32),
            pltpu.VMEM((p // (_SCL * _SCL),), jnp.float32),
            pltpu.VMEM((_BG_ROIS, 16), jnp.float32),
            pltpu.VMEM((_BG_ROIS,), jnp.float32),
            pltpu.VMEM((_BG_ROIS,), jnp.int32),
            pltpu.VMEM((_BG_ROIS,), jnp.float32),
            pltpu.VMEM((_BG_ROIS,), jnp.int32),
            pltpu.VMEM((_BG_ROIS,), jnp.int32),
            pltpu.VMEM((_BG_ROIS,), jnp.int32),
            pltpu.VMEM((_BG_ROIS,), jnp.int32),
            pltpu.VMEM((_BG_ROIS,), jnp.int32),
            pltpu.VMEM((_BG_ROIS,), jnp.float32),
            pltpu.VMEM((_BG_ROIS,), jnp.float32),
            pltpu.VMEM((_BG_ROIS,), jnp.float32),
            pltpu.VMEM((_BG_ROIS,), jnp.float32),
            pltpu.VMEM((_BG_ROIS,), jnp.int32),
            pltpu.SemaphoreType.DMA,
        ],
    )(scores_all, planes1, asg1, gtf)

    rois, bbox, inw = pl.pallas_call(
        _epilogue_kernel,
        grid=(B,),
        in_specs=[pl.BlockSpec((1, _ROIS_PER_IMAGE, 16), lambda b: (b, 0, 0))],
        out_specs=[
            pl.BlockSpec((1, _ROIS_PER_IMAGE, 5), lambda b: (b, 0, 0)),
            pl.BlockSpec((1, _ROIS_PER_IMAGE, 4 * _NUM_CLASSES),
                         lambda b: (b, 0, 0)),
            pl.BlockSpec((1, _ROIS_PER_IMAGE, 4 * _NUM_CLASSES),
                         lambda b: (b, 0, 0)),
        ],
        out_shape=(
            jax.ShapeDtypeStruct((B, _ROIS_PER_IMAGE, 5), jnp.float32),
            jax.ShapeDtypeStruct((B, _ROIS_PER_IMAGE, 4 * _NUM_CLASSES),
                                 jnp.float32),
            jax.ShapeDtypeStruct((B, _ROIS_PER_IMAGE, 4 * _NUM_CLASSES),
                                 jnp.float32),
        ),
    )(colt)
    return rois, labels, bbox, inw

# --- scband reference (transcript-rebuilt; emitter-appended) ---
"""Pipeline reference for scband-proposal-target-layer-58978490909097 (READ-ONLY COPY).

The authoritative reference and input builder live on the scoring server;
editing this copy changes nothing except your own understanding.
"""

import jax, jax.numpy as jnp
import numpy as np

NUM_CLASSES = 81
ROIS_PER_IMAGE = 128
FG_ROIS_PER_IMAGE = 32
FG_THRESH = 0.5
BG_THRESH_HI = 0.5
BG_THRESH_LO = 0.1
BBOX_NORMALIZE_MEANS = jnp.array([0.0, 0.0, 0.0, 0.0], dtype=jnp.float32)
BBOX_NORMALIZE_STDS = jnp.array([0.1, 0.1, 0.2, 0.2], dtype=jnp.float32)
BBOX_INSIDE_WEIGHTS = jnp.array([1.0, 1.0, 1.0, 1.0], dtype=jnp.float32)


def bbox_overlaps_batch(rois, gt):
    # rois: [B, N, 4], gt: [B, K, 4] -> IoU [B, N, K]
    area_r = (rois[..., 2] - rois[..., 0] + 1.0) * (rois[..., 3] - rois[..., 1] + 1.0)
    area_g = (gt[..., 2] - gt[..., 0] + 1.0) * (gt[..., 3] - gt[..., 1] + 1.0)
    lt = jnp.maximum(rois[:, :, None, :2], gt[:, None, :, :2])
    rb = jnp.minimum(rois[:, :, None, 2:4], gt[:, None, :, 2:4])
    wh = jnp.clip(rb - lt + 1.0, 0.0)
    inter = wh[..., 0] * wh[..., 1]
    union = area_r[:, :, None] + area_g[:, None, :] - inter
    iou = inter / union
    gt_zero = (jnp.abs(gt).sum(-1) == 0)
    iou = jnp.where(gt_zero[:, None, :], 0.0, iou)
    return iou


def bbox_transform_batch(ex, gt):
    ew = ex[..., 2] - ex[..., 0] + 1.0
    eh = ex[..., 3] - ex[..., 1] + 1.0
    ecx = ex[..., 0] + 0.5 * ew
    ecy = ex[..., 1] + 0.5 * eh
    gw = gt[..., 2] - gt[..., 0] + 1.0
    gh = gt[..., 3] - gt[..., 1] + 1.0
    gcx = gt[..., 0] + 0.5 * gw
    gcy = gt[..., 1] + 0.5 * gh
    tx = (gcx - ecx) / ew
    ty = (gcy - ecy) / eh
    tw = jnp.log(gw / ew)
    th = jnp.log(gh / eh)
    return jnp.stack([tx, ty, tw, th], -1)


def setup_inputs(seed: int = 0):
    key = jax.random.key(seed)
    k1, k2, k3, k4, k5 = jax.random.split(key, 5)
    B, N, K = 16, 20000, 20
    img = 1024.0
    xy1 = jax.random.uniform(k1, (B, N, 2)) * (img - 200.0)
    wh = jax.random.uniform(k2, (B, N, 2)) * 180.0 + 16.0
    all_rois = jnp.concatenate([jnp.zeros((B, N, 1)), xy1, xy1 + wh], axis=2).astype(jnp.float32)
    gxy1 = jax.random.uniform(k3, (B, K, 2)) * (img - 200.0)
    gwh = jax.random.uniform(k4, (B, K, 2)) * 180.0 + 16.0
    glab = jax.random.randint(k5, (B, K), 1, NUM_CLASSES).astype(jnp.float32)
    gt_boxes = jnp.concatenate([gxy1, gxy1 + gwh, glab[:, :, None]], axis=2).astype(jnp.float32)
    num_boxes = jnp.full((B,), K, dtype=jnp.int32)
    return {"all_rois": all_rois, "gt_boxes": gt_boxes, "num_boxes": num_boxes}


def reference(all_rois, gt_boxes, num_boxes):
    B, N, _ = all_rois.shape
    K = gt_boxes.shape[1]
    # append gt boxes to proposals
    gt_append = jnp.zeros_like(gt_boxes).at[:, :, 1:5].set(gt_boxes[:, :, :4])
    rois_all = jnp.concatenate([all_rois, gt_append], axis=1)  # [B, N+K, 5]
    overlaps = bbox_overlaps_batch(rois_all[:, :, 1:5], gt_boxes[:, :, :4])
    max_ov = overlaps.max(2)
    gt_assign = overlaps.argmax(2)
    offset = jnp.arange(B)[:, None] * K + gt_assign
    labels = jnp.take(gt_boxes[:, :, 4].reshape(-1), offset.reshape(-1)).reshape(B, -1)
    fg_mask = max_ov >= FG_THRESH
    bg_mask = (max_ov < BG_THRESH_HI) & (max_ov >= BG_THRESH_LO)
    # deterministic static-shape sampling (replaces torch.randperm): top-k by overlap within each mask
    fg_score = jnp.where(fg_mask, max_ov, -1.0)
    bg_score = jnp.where(bg_mask, max_ov, -1.0)
    _, fg_inds = jax.lax.top_k(fg_score, FG_ROIS_PER_IMAGE)
    _, bg_inds = jax.lax.top_k(bg_score, ROIS_PER_IMAGE - FG_ROIS_PER_IMAGE)
    keep = jnp.concatenate([fg_inds, bg_inds], axis=1)  # [B, 128]
    fg_valid = jnp.take_along_axis(fg_mask, fg_inds, axis=1)
    valid = jnp.concatenate([fg_valid, jnp.zeros((B, ROIS_PER_IMAGE - FG_ROIS_PER_IMAGE), dtype=bool)], axis=1)
    lab_keep = jnp.take_along_axis(labels, keep, axis=1)
    labels_batch = jnp.where(valid, lab_keep, 0.0)
    rois_batch = jnp.take_along_axis(rois_all, keep[:, :, None], axis=1)
    rois_batch = rois_batch.at[:, :, 0].set(jnp.broadcast_to(jnp.arange(B, dtype=rois_batch.dtype)[:, None], (B, ROIS_PER_IMAGE)))
    ga_keep = jnp.take_along_axis(gt_assign, keep, axis=1)
    gt_rois_batch = jnp.take_along_axis(gt_boxes, ga_keep[:, :, None], axis=1)
    targets = bbox_transform_batch(rois_batch[:, :, 1:5], gt_rois_batch[:, :, :4])
    targets = (targets - BBOX_NORMALIZE_MEANS) / BBOX_NORMALIZE_STDS
    cls = labels_batch.astype(jnp.int32)
    onehot = jax.nn.one_hot(cls, NUM_CLASSES, dtype=targets.dtype)  # [B, R, C]
    mask = (cls > 0).astype(targets.dtype)[:, :, None, None]
    bbox_targets = (onehot[:, :, :, None] * targets[:, :, None, :] * mask).reshape(B, ROIS_PER_IMAGE, 4 * NUM_CLASSES)
    bbox_inside_weights = (onehot[:, :, :, None] * BBOX_INSIDE_WEIGHTS[None, None, None, :] * mask).reshape(B, ROIS_PER_IMAGE, 4 * NUM_CLASSES)
    return (rois_batch, labels_batch, bbox_targets, bbox_inside_weights)

if __name__ == "__main__":
    import jax
    _d = setup_inputs()
    print(jax.jit(kernel)(*tuple(_d.values())))

</pallas_src>

<mosaic_0001>
#map = affine_map<(d0, d1) -> (0, 0, 0)>
#map1 = affine_map<(d0, d1) -> (0)>
#map2 = affine_map<(d0, d1) -> (0, 0)>
module attributes {stable_mosaic.version = 14 : i64} {
  func.func @_sc_select_kernel(%arg0: i32, %arg1: i32, %arg2: memref<16x2x20480xf32, #tpu.memory_space<hbm>>, %arg3: memref<1310720xf32, #tpu.memory_space<hbm>>, %arg4: memref<327680xi32, #tpu.memory_space<hbm>>, %arg5: memref<16x128xf32, #tpu.memory_space<hbm>>, %arg6: memref<16x128xf32, #tpu.memory_space<hbm>>, %arg7: memref<16x128x16xf32, #tpu.memory_space<hbm>>, %arg8: memref<20480xf32, #tpu.memory_space<vmem>>, %arg9: memref<128xf32, #tpu.memory_space<vmem>>, %arg10: memref<1280xf32, #tpu.memory_space<vmem>>, %arg11: memref<80xf32, #tpu.memory_space<vmem>>, %arg12: memref<96x16xf32, #tpu.memory_space<vmem>>, %arg13: memref<96xf32, #tpu.memory_space<vmem>>, %arg14: memref<96xi32, #tpu.memory_space<vmem>>, %arg15: memref<96xf32, #tpu.memory_space<vmem>>, %arg16: memref<96xi32, #tpu.memory_space<vmem>>, %arg17: memref<96xi32, #tpu.memory_space<vmem>>, %arg18: memref<96xi32, #tpu.memory_space<vmem>>, %arg19: memref<96xi32, #tpu.memory_space<vmem>>, %arg20: memref<96xi32, #tpu.memory_space<vmem>>, %arg21: memref<96xf32, #tpu.memory_space<vmem>>, %arg22: memref<96xf32, #tpu.memory_space<vmem>>, %arg23: memref<96xf32, #tpu.memory_space<vmem>>, %arg24: memref<96xf32, #tpu.memory_space<vmem>>, %arg25: memref<96xi32, #tpu.memory_space<vmem>>, %arg26: memref<!tpu.dma_semaphore, #tpu.memory_space<semaphore_mem>>) attributes {dimension_semantics = [#tpu.dimension_semantics<core_parallel>, #tpu.dimension_semantics<subcore_parallel>], iteration_bounds = array<i64: 2, 16>, scalar_prefetch = 0 : i64, scratch_operands = 19 : i64, tpu.core_type = #tpu.core_type<sc_vector_subcore>, window_params = [{transform_indices = #map}, {transform_indices = #map1}, {transform_indices = #map1}, {transform_indices = #map2}, {transform_indices = #map2}, {transform_indices = #map}]} {
    %iota3A = tpu.iota {dimensions = array<i32: 0>} : vector<16xi32>
    %eq3A = arith.constant 0 : i32
    %eq3A_0 = vector.broadcast %eq3A : i32 to vector<16xi32>
    %eq3A_1 = arith.cmpi eq, %iota3A, %eq3A_0 : vector<16xi32>
    "tpu.region"() ({
      %run_scoped3A = tpu.sem_alloc : memref<!tpu.dma_semaphore, #tpu.memory_space<semaphore_mem>>
      %dma_start3A_61 = arith.constant 0 : i32
      %dma_start3A_62 = tpu.memref_slice %arg2[%arg1, %arg0, %dma_start3A_61] : memref<16x2x20480xf32, #tpu.memory_space<hbm>> -> memref<1x1x20480xf32, #tpu.memory_space<hbm>>
      %dma_start3A_63 = tpu.memref_squeeze %dma_start3A_62 : memref<1x1x20480xf32, #tpu.memory_space<hbm>> -> memref<20480xf32, #tpu.memory_space<hbm>>
      %dma_start3A_64 = arith.constant 0 : i32
      %dma_start3A_65 = tpu.memref_slice %arg2[%arg1, %arg0, %dma_start3A_64] : memref<16x2x20480xf32, #tpu.memory_space<hbm>> -> memref<1x1x20480xf32, #tpu.memory_space<hbm>>
      %dma_start3A_66 = tpu.memref_squeeze %dma_start3A_65 : memref<1x1x20480xf32, #tpu.memory_space<hbm>> -> memref<20480xf32, #tpu.memory_space<hbm>>
      tpu.enqueue_dma source(%dma_start3A_66 : memref<20480xf32, #tpu.memory_space<hbm>>) target(%arg8 : memref<20480xf32, #tpu.memory_space<vmem>>) target_semaphore(%run_scoped3A : memref<!tpu.dma_semaphore, #tpu.memory_space<semaphore_mem>>)
      %dma_wait3A_67 = arith.constant 0 : i32
      %dma_wait3A_68 = tpu.memref_slice %arg2[%arg1, %arg0, %dma_wait3A_67] : memref<16x2x20480xf32, #tpu.memory_space<hbm>> -> memref<1x1x20480xf32, #tpu.memory_space<hbm>>
      %dma_wait3A_69 = tpu.memref_squeeze %dma_wait3A_68 : memref<1x1x20480xf32, #tpu.memory_space<hbm>> -> memref<20480xf32, #tpu.memory_space<hbm>>
      %dma_wait3A_70 = arith.constant 0 : i32
      %dma_wait3A_71 = tpu.memref_slice %arg2[%arg1, %arg0, %dma_wait3A_70] : memref<16x2x20480xf32, #tpu.memory_space<hbm>> -> memref<1x1x20480xf32, #tpu.memory_space<hbm>>
      %dma_wait3A_72 = tpu.memref_squeeze %dma_wait3A_71 : memref<1x1x20480xf32, #tpu.memory_space<hbm>> -> memref<20480xf32, #tpu.memory_space<hbm>>
      tpu.wait_dma2 semaphore(%run_scoped3A : memref<!tpu.dma_semaphore, #tpu.memory_space<semaphore_mem>>) src(%dma_wait3A_72 : memref<20480xf32, #tpu.memory_space<hbm>>) dst(%arg8 : memref<20480xf32, #tpu.memory_space<vmem>>)
      tpu.yield
    }) : () -> ()
    "tpu.region"() ({
      %run_scoped3A = tpu.sem_alloc : memref<!tpu.dma_semaphore, #tpu.memory_space<semaphore_mem>>
      %dma_start3A_61 = arith.constant 0 : i32
      %dma_start3A_62 = tpu.memref_slice %arg5[%arg1, %dma_start3A_61] : memref<16x128xf32, #tpu.memory_space<hbm>> -> memref<1x128xf32, #tpu.memory_space<hbm>>
      %dma_start3A_63 = tpu.memref_squeeze %dma_start3A_62 : memref<1x128xf32, #tpu.memory_space<hbm>> -> memref<128xf32, #tpu.memory_space<hbm>>
      %dma_start3A_64 = arith.constant 0 : i32
      %dma_start3A_65 = tpu.memref_slice %arg5[%arg1, %dma_start3A_64] : memref<16x128xf32, #tpu.memory_space<hbm>> -> memref<1x128xf32, #tpu.memory_space<hbm>>
      %dma_start3A_66 = tpu.memref_squeeze %dma_start3A_65 : memref<1x128xf32, #tpu.memory_space<hbm>> -> memref<128xf32, #tpu.memory_space<hbm>>
      tpu.enqueue_dma source(%dma_start3A_66 : memref<128xf32, #tpu.memory_space<hbm>>) target(%arg9 : memref<128xf32, #tpu.memory_space<vmem>>) target_semaphore(%run_scoped3A : memref<!tpu.dma_semaphore, #tpu.memory_space<semaphore_mem>>)
      %dma_wait3A_67 = arith.constant 0 : i32
      %dma_wait3A_68 = tpu.memref_slice %arg5[%arg1, %dma_wait3A_67] : memref<16x128xf32, #tpu.memory_space<hbm>> -> memref<1x128xf32, #tpu.memory_space<hbm>>
      %dma_wait3A_69 = tpu.memref_squeeze %dma_wait3A_68 : memref<1x128xf32, #tpu.memory_space<hbm>> -> memref<128xf32, #tpu.memory_space<hbm>>
      %dma_wait3A_70 = arith.constant 0 : i32
      %dma_wait3A_71 = tpu.memref_slice %arg5[%arg1, %dma_wait3A_70] : memref<16x128xf32, #tpu.memory_space<hbm>> -> memref<1x128xf32, #tpu.memory_space<hbm>>
      %dma_wait3A_72 = tpu.memref_squeeze %dma_wait3A_71 : memref<1x128xf32, #tpu.memory_space<hbm>> -> memref<128xf32, #tpu.memory_space<hbm>>
      tpu.wait_dma2 semaphore(%run_scoped3A : memref<!tpu.dma_semaphore, #tpu.memory_space<semaphore_mem>>) src(%dma_wait3A_72 : memref<128xf32, #tpu.memory_space<hbm>>) dst(%arg9 : memref<128xf32, #tpu.memory_space<vmem>>)
      tpu.yield
    }) : () -> ()
    %scan3A = arith.constant 0 : i32
    %scan3A_2 = arith.constant 0 : i32
    %scan3A_3 = arith.constant 80 : i32
    %scan3A_4 = arith.addi %scan3A_2, %scan3A_3 : i32
    %scan3A_5 = arith.constant 1 : i32
    %scan3A_6 = scf.for %scan3A_61 = %scan3A_2 to %scan3A_4 step %scan3A_5 iter_args(%scan3A_62 = %scan3A) -> (i32)  : i32 {
      %mul3A = arith.constant 256 : i32
      %mul3A_63 = arith.muli %scan3A_61, %mul3A : i32
      %mul3A_64 = arith.constant 16 : i32
      %mul3A_65 = vector.broadcast %mul3A_64 : i32 to vector<16xi32>
      %mul3A_66 = arith.muli %iota3A, %mul3A_65 : vector<16xi32>
      %add3A = vector.broadcast %mul3A_63 : i32 to vector<16xi32>
      %add3A_67 = arith.addi %add3A, %mul3A_66 : vector<16xi32>
      %gather3A = tpu.vector_load_idx %arg8[%add3A_67] : memref<20480xf32, #tpu.memory_space<vmem>>[vector<16xi32>], vector<16xf32>,
      %mul3A_68 = arith.constant 16 : i32
      %mul3A_69 = vector.broadcast %mul3A_68 : i32 to vector<16xi32>
      %mul3A_70 = arith.muli %iota3A, %mul3A_69 : vector<16xi32>
      %add3A_71 = vector.broadcast %mul3A_63 : i32 to vector<16xi32>
      %add3A_72 = arith.addi %add3A_71, %mul3A_70 : vector<16xi32>
      %add3A_73 = arith.constant 1 : i32
      %add3A_74 = vector.broadcast %add3A_73 : i32 to vector<16xi32>
      %add3A_75 = arith.addi %add3A_72, %add3A_74 : vector<16xi32>
      %gather3A_76 = tpu.vector_load_idx %arg8[%add3A_75] : memref<20480xf32, #tpu.memory_space<vmem>>[vector<16xi32>], vector<16xf32>,
      %max3A = arith.maximumf %gather3A, %gather3A_76 : vector<16xf32>
      %mul3A_77 = arith.constant 16 : i32
      %mul3A_78 = vector.broadcast %mul3A_77 : i32 to vector<16xi32>
      %mul3A_79 = arith.muli %iota3A, %mul3A_78 : vector<16xi32>
      %add3A_80 = vector.broadcast %mul3A_63 : i32 to vector<16xi32>
      %add3A_81 = arith.addi %add3A_80, %mul3A_79 : vector<16xi32>
      %add3A_82 = arith.constant 2 : i32
      %add3A_83 = vector.broadcast %add3A_82 : i32 to vector<16xi32>
      %add3A_84 = arith.addi %add3A_81, %add3A_83 : vector<16xi32>
      %gather3A_85 = tpu.vector_load_idx %arg8[%add3A_84] : memref<20480xf32, #tpu.memory_space<vmem>>[vector<16xi32>], vector<16xf32>,
      %max3A_86 = arith.maximumf %max3A, %gather3A_85 : vector<16xf32>
      %mul3A_87 = arith.constant 16 : i32
      %mul3A_88 = vector.broadcast %mul3A_87 : i32 to vector<16xi32>
      %mul3A_89 = arith.muli %iota3A, %mul3A_88 : vector<16xi32>
      %add3A_90 = vector.broadcast %mul3A_63 : i32 to vector<16xi32>
      %add3A_91 = arith.addi %add3A_90, %mul3A_89 : vector<16xi32>
      %add3A_92 = arith.constant 3 : i32
      %add3A_93 = vector.broadcast %add3A_92 : i32 to vector<16xi32>
      %add3A_94 = arith.addi %add3A_91, %add3A_93 : vector<16xi32>
      %gather3A_95 = tpu.vector_load_idx %arg8[%add3A_94] : memref<20480xf32, #tpu.memory_space<vmem>>[vector<16xi32>], vector<16xf32>,
      %max3A_96 = arith.maximumf %max3A_86, %gather3A_95 : vector<16xf32>
      %mul3A_97 = arith.constant 16 : i32
      %mul3A_98 = vector.broadcast %mul3A_97 : i32 to vector<16xi32>
      %mul3A_99 = arith.muli %iota3A, %mul3A_98 : vector<16xi32>
      %add3A_100 = vector.broadcast %mul3A_63 : i32 to vector<16xi32>
      %add3A_101 = arith.addi %add3A_100, %mul3A_99 : vector<16xi32>
      %add3A_102 = arith.constant 4 : i32
      %add3A_103 = vector.broadcast %add3A_102 : i32 to vector<16xi32>
      %add3A_104 = arith.addi %add3A_101, %add3A_103 : vector<16xi32>
      %gather3A_105 = tpu.vector_load_idx %arg8[%add3A_104] : memref<20480xf32, #tpu.memory_space<vmem>>[vector<16xi32>], vector<16xf32>,
      %max3A_106 = arith.maximumf %max3A_96, %gather3A_105 : vector<16xf32>
      %mul3A_107 = arith.constant 16 : i32
      %mul3A_108 = vector.broadcast %mul3A_107 : i32 to vector<16xi32>
      %mul3A_109 = arith.muli %iota3A, %mul3A_108 : vector<16xi32>
      %add3A_110 = vector.broadcast %mul3A_63 : i32 to vector<16xi32>
      %add3A_111 = arith.addi %add3A_110, %mul3A_109 : vector<16xi32>
      %add3A_112 = arith.constant 5 : i32
      %add3A_113 = vector.broadcast %add3A_112 : i32 to vector<16xi32>
      %add3A_114 = arith.addi %add3A_111, %add3A_113 : vector<16xi32>
      %gather3A_115 = tpu.vector_load_idx %arg8[%add3A_114] : memref<20480xf32, #tpu.memory_space<vmem>>[vector<16xi32>], vector<16xf32>,
      %max3A_116 = arith.maximumf %max3A_106, %gather3A_115 : vector<16xf32>
      %mul3A_117 = arith.constant 16 : i32
      %mul3A_118 = vector.broadcast %mul3A_117 : i32 to vector<16xi32>
      %mul3A_119 = arith.muli %iota3A, %mul3A_118 : vector<16xi32>
      %add3A_120 = vector.broadcast %mul3A_63 : i32 to vector<16xi32>
      %add3A_121 = arith.addi %add3A_120, %mul3A_119 : vector<16xi32>
      %add3A_122 = arith.constant 6 : i32
      %add3A_123 = vector.broadcast %add3A_122 : i32 to vector<16xi32>
      %add3A_124 = arith.addi %add3A_121, %add3A_123 : vector<16xi32>
      %gather3A_125 = tpu.vector_load_idx %arg8[%add3A_124] : memref<20480xf32, #tpu.memory_space<vmem>>[vector<16xi32>], vector<16xf32>,
      %max3A_126 = arith.maximumf %max3A_116, %gather3A_125 : vector<16xf32>
      %mul3A_127 = arith.constant 16 : i32
      %mul3A_128 = vector.broadcast %mul3A_127 : i32 to vector<16xi32>
      %mul3A_129 = arith.muli %iota3A, %mul3A_128 : vector<16xi32>
      %add3A_130 = vector.broadcast %mul3A_63 : i32 to vector<16xi32>
      %add3A_131 = arith.addi %add3A_130, %mul3A_129 : vector<16xi32>
      %add3A_132 = arith.constant 7 : i32
      %add3A_133 = vector.broadcast %add3A_132 : i32 to vector<16xi32>
      %add3A_134 = arith.addi %add3A_131, %add3A_133 : vector<16xi32>
      %gather3A_135 = tpu.vector_load_idx %arg8[%add3A_134] : memref<20480xf32, #tpu.memory_space<vmem>>[vector<16xi32>], vector<16xf32>,
      %max3A_136 = arith.maximumf %max3A_126, %gather3A_135 : vector<16xf32>
      %mul3A_137 = arith.constant 16 : i32
      %mul3A_138 = vector.broadcast %mul3A_137 : i32 to vector<16xi32>
      %mul3A_139 = arith.muli %iota3A, %mul3A_138 : vector<16xi32>
      %add3A_140 = vector.broadcast %mul3A_63 : i32 to vector<16xi32>
      %add3A_141 = arith.addi %add3A_140, %mul3A_139 : vector<16xi32>
      %add3A_142 = arith.constant 8 : i32
      %add3A_143 = vector.broadcast %add3A_142 : i32 to vector<16xi32>
      %add3A_144 = arith.addi %add3A_141, %add3A_143 : vector<16xi32>
      %gather3A_145 = tpu.vector_load_idx %arg8[%add3A_144] : memref<20480xf32, #tpu.memory_space<vmem>>[vector<16xi32>], vector<16xf32>,
      %max3A_146 = arith.maximumf %max3A_136, %gather3A_145 : vector<16xf32>
      %mul3A_147 = arith.constant 16 : i32
      %mul3A_148 = vector.broadcast %mul3A_147 : i32 to vector<16xi32>
      %mul3A_149 = arith.muli %iota3A, %mul3A_148 : vector<16xi32>
      %add3A_150 = vector.broadcast %mul3A_63 : i32 to vector<16xi32>
      %add3A_151 = arith.addi %add3A_150, %mul3A_149 : vector<16xi32>
      %add3A_152 = arith.constant 9 : i32
      %add3A_153 = vector.broadcast %add3A_152 : i32 to vector<16xi32>
      %add3A_154 = arith.addi %add3A_151, %add3A_153 : vector<16xi32>
      %gather3A_155 = tpu.vector_load_idx %arg8[%add3A_154] : memref<20480xf32, #tpu.memory_space<vmem>>[vector<16xi32>], vector<16xf32>,
      %max3A_156 = arith.maximumf %max3A_146, %gather3A_155 : vector<16xf32>
      %mul3A_157 = arith.constant 16 : i32
      %mul3A_158 = vector.broadcast %mul3A_157 : i32 to vector<16xi32>
      %mul3A_159 = arith.muli %iota3A, %mul3A_158 : vector<16xi32>
      %add3A_160 = vector.broadcast %mul3A_63 : i32 to vector<16xi32>
      %add3A_161 = arith.addi %add3A_160, %mul3A_159 : vector<16xi32>
      %add3A_162 = arith.constant 10 : i32
      %add3A_163 = vector.broadcast %add3A_162 : i32 to vector<16xi32>
      %add3A_164 = arith.addi %add3A_161, %add3A_163 : vector<16xi32>
      %gather3A_165 = tpu.vector_load_idx %arg8[%add3A_164] : memref<20480xf32, #tpu.memory_space<vmem>>[vector<16xi32>], vector<16xf32>,
      %max3A_166 = arith.maximumf %max3A_156, %gather3A_165 : vector<16xf32>
      %mul3A_167 = arith.constant 16 : i32
      %mul3A_168 = vector.broadcast %mul3A_167 : i32 to vector<16xi32>
      %mul3A_169 = arith.muli %iota3A, %mul3A_168 : vector<16xi32>
      %add3A_170 = vector.broadcast %mul3A_63 : i32 to vector<16xi32>
      %add3A_171 = arith.addi %add3A_170, %mul3A_169 : vector<16xi32>
      %add3A_172 = arith.constant 11 : i32
      %add3A_173 = vector.broadcast %add3A_172 : i32 to vector<16xi32>
      %add3A_174 = arith.addi %add3A_171, %add3A_173 : vector<16xi32>
      %gather3A_175 = tpu.vector_load_idx %arg8[%add3A_174] : memref<20480xf32, #tpu.memory_space<vmem>>[vector<16xi32>], vector<16xf32>,
      %max3A_176 = arith.maximumf %max3A_166, %gather3A_175 : vector<16xf32>
      %mul3A_177 = arith.constant 16 : i32
      %mul3A_178 = vector.broadcast %mul3A_177 : i32 to vector<16xi32>
      %mul3A_179 = arith.muli %iota3A, %mul3A_178 : vector<16xi32>
      %add3A_180 = vector.broadcast %mul3A_63 : i32 to vector<16xi32>
      %add3A_181 = arith.addi %add3A_180, %mul3A_179 : vector<16xi32>
      %add3A_182 = arith.constant 12 : i32
      %add3A_183 = vector.broadcast %add3A_182 : i32 to vector<16xi32>
      %add3A_184 = arith.addi %add3A_181, %add3A_183 : vector<16xi32>
      %gather3A_185 = tpu.vector_load_idx %arg8[%add3A_184] : memref<20480xf32, #tpu.memory_space<vmem>>[vector<16xi32>], vector<16xf32>,
      %max3A_186 = arith.maximumf %max3A_176, %gather3A_185 : vector<16xf32>
      %mul3A_187 = arith.constant 16 : i32
      %mul3A_188 = vector.broadcast %mul3A_187 : i32 to vector<16xi32>
      %mul3A_189 = arith.muli %iota3A, %mul3A_188 : vector<16xi32>
      %add3A_190 = vector.broadcast %mul3A_63 : i32 to vector<16xi32>
      %add3A_191 = arith.addi %add3A_190, %mul3A_189 : vector<16xi32>
      %add3A_192 = arith.constant 13 : i32
      %add3A_193 = vector.broadcast %add3A_192 : i32 to vector<16xi32>
      %add3A_194 = arith.addi %add3A_191, %add3A_193 : vector<16xi32>
      %gather3A_195 = tpu.vector_load_idx %arg8[%add3A_194] : memref<20480xf32, #tpu.memory_space<vmem>>[vector<16xi32>], vector<16xf32>,
      %max3A_196 = arith.maximumf %max3A_186, %gather3A_195 : vector<16xf32>
      %mul3A_197 = arith.constant 16 : i32
      %mul3A_198 = vector.broadcast %mul3A_197 : i32 to vector<16xi32>
      %mul3A_199 = arith.muli %iota3A, %mul3A_198 : vector<16xi32>
      %add3A_200 = vector.broadcast %mul3A_63 : i32 to vector<16xi32>
      %add3A_201 = arith.addi %add3A_200, %mul3A_199 : vector<16xi32>
      %add3A_202 = arith.constant 14 : i32
      %add3A_203 = vector.broadcast %add3A_202 : i32 to vector<16xi32>
      %add3A_204 = arith.addi %add3A_201, %add3A_203 : vector<16xi32>
      %gather3A_205 = tpu.vector_load_idx %arg8[%add3A_204] : memref<20480xf32, #tpu.memory_space<vmem>>[vector<16xi32>], vector<16xf32>,
      %max3A_206 = arith.maximumf %max3A_196, %gather3A_205 : vector<16xf32>
      %mul3A_207 = arith.constant 16 : i32
      %mul3A_208 = vector.broadcast %mul3A_207 : i32 to vector<16xi32>
      %mul3A_209 = arith.muli %iota3A, %mul3A_208 : vector<16xi32>
      %add3A_210 = vector.broadcast %mul3A_63 : i32 to vector<16xi32>
      %add3A_211 = arith.addi %add3A_210, %mul3A_209 : vector<16xi32>
      %add3A_212 = arith.constant 15 : i32
      %add3A_213 = vector.broadcast %add3A_212 : i32 to vector<16xi32>
      %add3A_214 = arith.addi %add3A_211, %add3A_213 : vector<16xi32>
      %gather3A_215 = tpu.vector_load_idx %arg8[%add3A_214] : memref<20480xf32, #tpu.memory_space<vmem>>[vector<16xi32>], vector<16xf32>,
      %max3A_216 = arith.maximumf %max3A_206, %gather3A_215 : vector<16xf32>
      %mul3A_217 = arith.constant 16 : i32
      %mul3A_218 = arith.muli %scan3A_61, %mul3A_217 : i32
      %swap3A = arith.index_cast %mul3A_218 : i32 to index
      %swap3A_219 = tpu.vector_load %arg10[%swap3A] {strides = array<i32>} : memref<1280xf32, #tpu.memory_space<vmem>>, vector<16xf32>,
      tpu.vector_store %arg10[%swap3A], %max3A_216 {strides = array<i32>} : memref<1280xf32, #tpu.memory_space<vmem>>, vector<16xf32>,
      %scan3A_220 = arith.constant 0 : i32
      scf.yield %scan3A_220 : i32
    }
    %scan3A_7 = arith.constant 80 : i32
    %scan3A_8 = arith.constant 0 : i32
    %scan3A_9 = arith.constant 0 : i32
    %scan3A_10 = arith.constant 5 : i32
    %scan3A_11 = arith.addi %scan3A_9, %scan3A_10 : i32
    %scan3A_12 = arith.constant 1 : i32
    %scan3A_13 = scf.for %scan3A_61 = %scan3A_9 to %scan3A_11 step %scan3A_12 iter_args(%scan3A_62 = %scan3A_8) -> (i32)  : i32 {
      %mul3A = arith.constant 256 : i32
      %mul3A_63 = arith.muli %scan3A_61, %mul3A : i32
      %mul3A_64 = arith.constant 16 : i32
      %mul3A_65 = vector.broadcast %mul3A_64 : i32 to vector<16xi32>
      %mul3A_66 = arith.muli %iota3A, %mul3A_65 : vector<16xi32>
      %add3A = vector.broadcast %mul3A_63 : i32 to vector<16xi32>
      %add3A_67 = arith.addi %add3A, %mul3A_66 : vector<16xi32>
      %gather3A = tpu.vector_load_idx %arg10[%add3A_67] : memref<1280xf32, #tpu.memory_space<vmem>>[vector<16xi32>], vector<16xf32>,
      %mul3A_68 = arith.constant 16 : i32
      %mul3A_69 = vector.broadcast %mul3A_68 : i32 to vector<16xi32>
      %mul3A_70 = arith.muli %iota3A, %mul3A_69 : vector<16xi32>
      %add3A_71 = vector.broadcast %mul3A_63 : i32 to vector<16xi32>
      %add3A_72 = arith.addi %add3A_71, %mul3A_70 : vector<16xi32>
      %add3A_73 = arith.constant 1 : i32
      %add3A_74 = vector.broadcast %add3A_73 : i32 to vector<16xi32>
      %add3A_75 = arith.addi %add3A_72, %add3A_74 : vector<16xi32>
      %gather3A_76 = tpu.vector_load_idx %arg10[%add3A_75] : memref<1280xf32, #tpu.memory_space<vmem>>[vector<16xi32>], vector<16xf32>,
      %max3A = arith.maximumf %gather3A, %gather3A_76 : vector<16xf32>
      %mul3A_77 = arith.constant 16 : i32
      %mul3A_78 = vector.broadcast %mul3A_77 : i32 to vector<16xi32>
      %mul3A_79 = arith.muli %iota3A, %mul3A_78 : vector<16xi32>
      %add3A_80 = vector.broadcast %mul3A_63 : i32 to vector<16xi32>
      %add3A_81 = arith.addi %add3A_80, %mul3A_79 : vector<16xi32>
      %add3A_82 = arith.constant 2 : i32
      %add3A_83 = vector.broadcast %add3A_82 : i32 to vector<16xi32>
      %add3A_84 = arith.addi %add3A_81, %add3A_83 : vector<16xi32>
      %gather3A_85 = tpu.vector_load_idx %arg10[%add3A_84] : memref<1280xf32, #tpu.memory_space<vmem>>[vector<16xi32>], vector<16xf32>,
      %max3A_86 = arith.maximumf %max3A, %gather3A_85 : vector<16xf32>
      %mul3A_87 = arith.constant 16 : i32
      %mul3A_88 = vector.broadcast %mul3A_87 : i32 to vector<16xi32>
      %mul3A_89 = arith.muli %iota3A, %mul3A_88 : vector<16xi32>
      %add3A_90 = vector.broadcast %mul3A_63 : i32 to vector<16xi32>
      %add3A_91 = arith.addi %add3A_90, %mul3A_89 : vector<16xi32>
      %add3A_92 = arith.constant 3 : i32
      %add3A_93 = vector.broadcast %add3A_92 : i32 to vector<16xi32>
      %add3A_94 = arith.addi %add3A_91, %add3A_93 : vector<16xi32>
      %gather3A_95 = tpu.vector_load_idx %arg10[%add3A_94] : memref<1280xf32, #tpu.memory_space<vmem>>[vector<16xi32>], vector<16xf32>,
      %max3A_96 = arith.maximumf %max3A_86, %gather3A_95 : vector<16xf32>
      %mul3A_97 = arith.constant 16 : i32
      %mul3A_98 = vector.broadcast %mul3A_97 : i32 to vector<16xi32>
      %mul3A_99 = arith.muli %iota3A, %mul3A_98 : vector<16xi32>
      %add3A_100 = vector.broadcast %mul3A_63 : i32 to vector<16xi32>
      %add3A_101 = arith.addi %add3A_100, %mul3A_99 : vector<16xi32>
      %add3A_102 = arith.constant 4 : i32
      %add3A_103 = vector.broadcast %add3A_102 : i32 to vector<16xi32>
      %add3A_104 = arith.addi %add3A_101, %add3A_103 : vector<16xi32>
      %gather3A_105 = tpu.vector_load_idx %arg10[%add3A_104] : memref<1280xf32, #tpu.memory_space<vmem>>[vector<16xi32>], vector<16xf32>,
      %max3A_106 = arith.maximumf %max3A_96, %gather3A_105 : vector<16xf32>
      %mul3A_107 = arith.constant 16 : i32
      %mul3A_108 = vector.broadcast %mul3A_107 : i32 to vector<16xi32>
      %mul3A_109 = arith.muli %iota3A, %mul3A_108 : vector<16xi32>
      %add3A_110 = vector.broadcast %mul3A_63 : i32 to vector<16xi32>
      %add3A_111 = arith.addi %add3A_110, %mul3A_109 : vector<16xi32>
      %add3A_112 = arith.constant 5 : i32
      %add3A_113 = vector.broadcast %add3A_112 : i32 to vector<16xi32>
      %add3A_114 = arith.addi %add3A_111, %add3A_113 : vector<16xi32>
      %gather3A_115 = tpu.vector_load_idx %arg10[%add3A_114] : memref<1280xf32, #tpu.memory_space<vmem>>[vector<16xi32>], vector<16xf32>,
      %max3A_116 = arith.maximumf %max3A_106, %gather3A_115 : vector<16xf32>
      %mul3A_117 = arith.constant 16 : i32
      %mul3A_118 = vector.broadcast %mul3A_117 : i32 to vector<16xi32>
      %mul3A_119 = arith.muli %iota3A, %mul3A_118 : vector<16xi32>
      %add3A_120 = vector.broadcast %mul3A_63 : i32 to vector<16xi32>
      %add3A_121 = arith.addi %add3A_120, %mul3A_119 : vector<16xi32>
      %add3A_122 = arith.constant 6 : i32
      %add3A_123 = vector.broadcast %add3A_122 : i32 to vector<16xi32>
      %add3A_124 = arith.addi %add3A_121, %add3A_123 : vector<16xi32>
      %gather3A_125 = tpu.vector_load_idx %arg10[%add3A_124] : memref<1280xf32, #tpu.memory_space<vmem>>[vector<16xi32>], vector<16xf32>,
      %max3A_126 = arith.maximumf %max3A_116, %gather3A_125 : vector<16xf32>
      %mul3A_127 = arith.constant 16 : i32
      %mul3A_128 = vector.broadcast %mul3A_127 : i32 to vector<16xi32>
      %mul3A_129 = arith.muli %iota3A, %mul3A_128 : vector<16xi32>
      %add3A_130 = vector.broadcast %mul3A_63 : i32 to vector<16xi32>
      %add3A_131 = arith.addi %add3A_130, %mul3A_129 : vector<16xi32>
      %add3A_132 = arith.constant 7 : i32
      %add3A_133 = vector.broadcast %add3A_132 : i32 to vector<16xi32>
      %add3A_134 = arith.addi %add3A_131, %add3A_133 : vector<16xi32>
      %gather3A_135 = tpu.vector_load_idx %arg10[%add3A_134] : memref<1280xf32, #tpu.memory_space<vmem>>[vector<16xi32>], vector<16xf32>,
      %max3A_136 = arith.maximumf %max3A_126, %gather3A_135 : vector<16xf32>
      %mul3A_137 = arith.constant 16 : i32
      %mul3A_138 = vector.broadcast %mul3A_137 : i32 to vector<16xi32>
      %mul3A_139 = arith.muli %iota3A, %mul3A_138 : vector<16xi32>
      %add3A_140 = vector.broadcast %mul3A_63 : i32 to vector<16xi32>
      %add3A_141 = arith.addi %add3A_140, %mul3A_139 : vector<16xi32>
      %add3A_142 = arith.constant 8 : i32
      %add3A_143 = vector.broadcast %add3A_142 : i32 to vector<16xi32>
      %add3A_144 = arith.addi %add3A_141, %add3A_143 : vector<16xi32>
      %gather3A_145 = tpu.vector_load_idx %arg10[%add3A_144] : memref<1280xf32, #tpu.memory_space<vmem>>[vector<16xi32>], vector<16xf32>,
      %max3A_146 = arith.maximumf %max3A_136, %gather3A_145 : vector<16xf32>
      %mul3A_147 = arith.constant 16 : i32
      %mul3A_148 = vector.broadcast %mul3A_147 : i32 to vector<16xi32>
      %mul3A_149 = arith.muli %iota3A, %mul3A_148 : vector<16xi32>
      %add3A_150 = vector.broadcast %mul3A_63 : i32 to vector<16xi32>
      %add3A_151 = arith.addi %add3A_150, %mul3A_149 : vector<16xi32>
      %add3A_152 = arith.constant 9 : i32
      %add3A_153 = vector.broadcast %add3A_152 : i32 to vector<16xi32>
      %add3A_154 = arith.addi %add3A_151, %add3A_153 : vector<16xi32>
      %gather3A_155 = tpu.vector_load_idx %arg10[%add3A_154] : memref<1280xf32, #tpu.memory_space<vmem>>[vector<16xi32>], vector<16xf32>,
      %max3A_156 = arith.maximumf %max3A_146, %gather3A_155 : vector<16xf32>
      %mul3A_157 = arith.constant 16 : i32
      %mul3A_158 = vector.broadcast %mul3A_157 : i32 to vector<16xi32>
      %mul3A_159 = arith.muli %iota3A, %mul3A_158 : vector<16xi32>
      %add3A_160 = vector.broadcast %mul3A_63 : i32 to vector<16xi32>
      %add3A_161 = arith.addi %add3A_160, %mul3A_159 : vector<16xi32>
      %add3A_162 = arith.constant 10 : i32
      %add3A_163 = vector.broadcast %add3A_162 : i32 to vector<16xi32>
      %add3A_164 = arith.addi %add3A_161, %add3A_163 : vector<16xi32>
      %gather3A_165 = tpu.vector_load_idx %arg10[%add3A_164] : memref<1280xf32, #tpu.memory_space<vmem>>[vector<16xi32>], vector<16xf32>,
      %max3A_166 = arith.maximumf %max3A_156, %gather3A_165 : vector<16xf32>
      %mul3A_167 = arith.constant 16 : i32
      %mul3A_168 = vector.broadcast %mul3A_167 : i32 to vector<16xi32>
      %mul3A_169 = arith.muli %iota3A, %mul3A_168 : vector<16xi32>
      %add3A_170 = vector.broadcast %mul3A_63 : i32 to vector<16xi32>
      %add3A_171 = arith.addi %add3A_170, %mul3A_169 : vector<16xi32>
      %add3A_172 = arith.constant 11 : i32
      %add3A_173 = vector.broadcast %add3A_172 : i32 to vector<16xi32>
      %add3A_174 = arith.addi %add3A_171, %add3A_173 : vector<16xi32>
      %gather3A_175 = tpu.vector_load_idx %arg10[%add3A_174] : memref<1280xf32, #tpu.memory_space<vmem>>[vector<16xi32>], vector<16xf32>,
      %max3A_176 = arith.maximumf %max3A_166, %gather3A_175 : vector<16xf32>
      %mul3A_177 = arith.constant 16 : i32
      %mul3A_178 = vector.broadcast %mul3A_177 : i32 to vector<16xi32>
      %mul3A_179 = arith.muli %iota3A, %mul3A_178 : vector<16xi32>
      %add3A_180 = vector.broadcast %mul3A_63 : i32 to vector<16xi32>
      %add3A_181 = arith.addi %add3A_180, %mul3A_179 : vector<16xi32>
      %add3A_182 = arith.constant 12 : i32
      %add3A_183 = vector.broadcast %add3A_182 : i32 to vector<16xi32>
      %add3A_184 = arith.addi %add3A_181, %add3A_183 : vector<16xi32>
      %gather3A_185 = tpu.vector_load_idx %arg10[%add3A_184] : memref<1280xf32, #tpu.memory_space<vmem>>[vector<16xi32>], vector<16xf32>,
      %max3A_186 = arith.maximumf %max3A_176, %gather3A_185 : vector<16xf32>
      %mul3A_187 = arith.constant 16 : i32
      %mul3A_188 = vector.broadcast %mul3A_187 : i32 to vector<16xi32>
      %mul3A_189 = arith.muli %iota3A, %mul3A_188 : vector<16xi32>
      %add3A_190 = vector.broadcast %mul3A_63 : i32 to vector<16xi32>
      %add3A_191 = arith.addi %add3A_190, %mul3A_189 : vector<16xi32>
      %add3A_192 = arith.constant 13 : i32
      %add3A_193 = vector.broadcast %add3A_192 : i32 to vector<16xi32>
      %add3A_194 = arith.addi %add3A_191, %add3A_193 : vector<16xi32>
      %gather3A_195 = tpu.vector_load_idx %arg10[%add3A_194] : memref<1280xf32, #tpu.memory_space<vmem>>[vector<16xi32>], vector<16xf32>,
      %max3A_196 = arith.maximumf %max3A_186, %gather3A_195 : vector<16xf32>
      %mul3A_197 = arith.constant 16 : i32
      %mul3A_198 = vector.broadcast %mul3A_197 : i32 to vector<16xi32>
      %mul3A_199 = arith.muli %iota3A, %mul3A_198 : vector<16xi32>
      %add3A_200 = vector.broadcast %mul3A_63 : i32 to vector<16xi32>
      %add3A_201 = arith.addi %add3A_200, %mul3A_199 : vector<16xi32>
      %add3A_202 = arith.constant 14 : i32
      %add3A_203 = vector.broadcast %add3A_202 : i32 to vector<16xi32>
      %add3A_204 = arith.addi %add3A_201, %add3A_203 : vector<16xi32>
      %gather3A_205 = tpu.vector_load_idx %arg10[%add3A_204] : memref<1280xf32, #tpu.memory_space<vmem>>[vector<16xi32>], vector<16xf32>,
      %max3A_206 = arith.maximumf %max3A_196, %gather3A_205 : vector<16xf32>
      %mul3A_207 = arith.constant 16 : i32
      %mul3A_208 = vector.broadcast %mul3A_207 : i32 to vector<16xi32>
      %mul3A_209 = arith.muli %iota3A, %mul3A_208 : vector<16xi32>
      %add3A_210 = vector.broadcast %mul3A_63 : i32 to vector<16xi32>
      %add3A_211 = arith.addi %add3A_210, %mul3A_209 : vector<16xi32>
      %add3A_212 = arith.constant 15 : i32
      %add3A_213 = vector.broadcast %add3A_212 : i32 to vector<16xi32>
      %add3A_214 = arith.addi %add3A_211, %add3A_213 : vector<16xi32>
      %gather3A_215 = tpu.vector_load_idx %arg10[%add3A_214] : memref<1280xf32, #tpu.memory_space<vmem>>[vector<16xi32>], vector<16xf32>,
      %max3A_216 = arith.maximumf %max3A_206, %gather3A_215 : vector<16xf32>
      %mul3A_217 = arith.constant 16 : i32
      %mul3A_218 = arith.muli %scan3A_61, %mul3A_217 : i32
      %swap3A = arith.index_cast %mul3A_218 : i32 to index
      %swap3A_219 = tpu.vector_load %arg11[%swap3A] {strides = array<i32>} : memref<80xf32, #tpu.memory_space<vmem>>, vector<16xf32>,
      tpu.vector_store %arg11[%swap3A], %max3A_216 {strides = array<i32>} : memref<80xf32, #tpu.memory_space<vmem>>, vector<16xf32>,
      %scan3A_220 = arith.constant 0 : i32
      scf.yield %scan3A_220 : i32
    }
    %scan3A_14 = arith.constant 5 : i32
    %eq3A_15 = arith.constant 0 : i32
    %eq3A_16 = arith.cmpi eq, %arg0, %eq3A_15 : i32
    %scan3A_17 = arith.constant 0 : i32
    %scan3A_18 = arith.constant 0 : i32
    %scan3A_19 = arith.constant 96 : i32
    %scan3A_20 = arith.addi %scan3A_18, %scan3A_19 : i32
    %scan3A_21 = arith.constant 1 : i32
    %scan3A_22 = scf.for %scan3A_61 = %scan3A_18 to %scan3A_20 step %scan3A_21 iter_args(%scan3A_62 = %scan3A_17) -> (i32)  : i32 {
      %get3A = arith.constant 0 : index
      %get3A_63 = tpu.vector_load %arg11[%get3A] {strides = array<i32>} : memref<80xf32, #tpu.memory_space<vmem>>, vector<16xf32>,
      %reduce_max3A = arith.constant true
      %reduce_max3A_64 = vector.broadcast %reduce_max3A : i1 to vector<16xi1>
      %reduce_max3A_65 = tpu.scan <max>, %get3A_63 masked %reduce_max3A_64 : vector<16xf32>, vector<16xi1> -> vector<16xf32>
      %reduce_max3A_66 = vector.extract %reduce_max3A_65[15] : f32 from vector<16xf32>
      %max3A = arith.constant -4.000000e+00 : f32
      %max3A_67 = arith.maximumf %max3A, %reduce_max3A_66 : f32
      %get3A_68 = arith.constant 16 : index
      %get3A_69 = tpu.vector_load %arg11[%get3A_68] {strides = array<i32>} : memref<80xf32, #tpu.memory_space<vmem>>, vector<16xf32>,
      %reduce_max3A_70 = arith.constant true
      %reduce_max3A_71 = vector.broadcast %reduce_max3A_70 : i1 to vector<16xi1>
      %reduce_max3A_72 = tpu.scan <max>, %get3A_69 masked %reduce_max3A_71 : vector<16xf32>, vector<16xi1> -> vector<16xf32>
      %reduce_max3A_73 = vector.extract %reduce_max3A_72[15] : f32 from vector<16xf32>
      %max3A_74 = arith.maximumf %max3A_67, %reduce_max3A_73 : f32
      %get3A_75 = arith.constant 32 : index
      %get3A_76 = tpu.vector_load %arg11[%get3A_75] {strides = array<i32>} : memref<80xf32, #tpu.memory_space<vmem>>, vector<16xf32>,
      %reduce_max3A_77 = arith.constant true
      %reduce_max3A_78 = vector.broadcast %reduce_max3A_77 : i1 to vector<16xi1>
      %reduce_max3A_79 = tpu.scan <max>, %get3A_76 masked %reduce_max3A_78 : vector<16xf32>, vector<16xi1> -> vector<16xf32>
      %reduce_max3A_80 = vector.extract %reduce_max3A_79[15] : f32 from vector<16xf32>
      %max3A_81 = arith.maximumf %max3A_74, %reduce_max3A_80 : f32
      %get3A_82 = arith.constant 48 : index
      %get3A_83 = tpu.vector_load %arg11[%get3A_82] {strides = array<i32>} : memref<80xf32, #tpu.memory_space<vmem>>, vector<16xf32>,
      %reduce_max3A_84 = arith.constant true
      %reduce_max3A_85 = vector.broadcast %reduce_max3A_84 : i1 to vector<16xi1>
      %reduce_max3A_86 = tpu.scan <max>, %get3A_83 masked %reduce_max3A_85 : vector<16xf32>, vector<16xi1> -> vector<16xf32>
      %reduce_max3A_87 = vector.extract %reduce_max3A_86[15] : f32 from vector<16xf32>
      %max3A_88 = arith.maximumf %max3A_81, %reduce_max3A_87 : f32
      %get3A_89 = arith.constant 64 : index
      %get3A_90 = tpu.vector_load %arg11[%get3A_89] {strides = array<i32>} : memref<80xf32, #tpu.memory_space<vmem>>, vector<16xf32>,
      %reduce_max3A_91 = arith.constant true
      %reduce_max3A_92 = vector.broadcast %reduce_max3A_91 : i1 to vector<16xi1>
      %reduce_max3A_93 = tpu.scan <max>, %get3A_90 masked %reduce_max3A_92 : vector<16xf32>, vector<16xi1> -> vector<16xf32>
      %reduce_max3A_94 = vector.extract %reduce_max3A_93[15] : f32 from vector<16xf32>
      %max3A_95 = arith.maximumf %max3A_88, %reduce_max3A_94 : f32
      %get3A_96 = arith.constant 0 : index
      %get3A_97 = tpu.vector_load %arg11[%get3A_96] {strides = array<i32>} : memref<80xf32, #tpu.memory_space<vmem>>, vector<16xf32>,
      %eq3A_98 = vector.broadcast %max3A_95 : f32 to vector<16xf32>
      %eq3A_99 = arith.cmpf oeq, %get3A_97, %eq3A_98 : vector<16xf32>
      %add3A = arith.constant 0 : i32
      %add3A_100 = vector.broadcast %add3A : i32 to vector<16xi32>
      %add3A_101 = arith.addi %add3A_100, %iota3A : vector<16xi32>
      %jit3A = arith.constant 1073741824 : i32
      %broadcast_in_dim3A = vector.broadcast %jit3A : i32 to vector<16xi32>
      %select_n3A = arith.select %eq3A_99, %add3A_101, %broadcast_in_dim3A : vector<16xi1>, vector<16xi32>
      %reduce_min3A = arith.constant true
      %reduce_min3A_102 = vector.broadcast %reduce_min3A : i1 to vector<16xi1>
      %reduce_min3A_103 = arith.constant -2147483648 : i32
      %reduce_min3A_104 = vector.broadcast %reduce_min3A_103 : i32 to vector<16xi32>
      %reduce_min3A_105 = arith.xori %select_n3A, %reduce_min3A_104 : vector<16xi32>
      %reduce_min3A_106 = tpu.scan <min>, %reduce_min3A_105 masked %reduce_min3A_102 : vector<16xi32>, vector<16xi1> -> vector<16xi32>
      %reduce_min3A_107 = arith.xori %reduce_min3A_106, %reduce_min3A_104 : vector<16xi32>
      %reduce_min3A_108 = vector.extract %reduce_min3A_107[15] : i32 from vector<16xi32>
      %min3A = arith.constant 1073741824 : i32
      %min3A_109 = arith.minsi %min3A, %reduce_min3A_108 : i32
      %get3A_110 = arith.constant 16 : index
      %get3A_111 = tpu.vector_load %arg11[%get3A_110] {strides = array<i32>} : memref<80xf32, #tpu.memory_space<vmem>>, vector<16xf32>,
      %eq3A_112 = vector.broadcast %max3A_95 : f32 to vector<16xf32>
      %eq3A_113 = arith.cmpf oeq, %get3A_111, %eq3A_112 : vector<16xf32>
      %add3A_114 = arith.constant 16 : i32
      %add3A_115 = vector.broadcast %add3A_114 : i32 to vector<16xi32>
      %add3A_116 = arith.addi %add3A_115, %iota3A : vector<16xi32>
      %jit3A_117 = arith.constant 1073741824 : i32
      %broadcast_in_dim3A_118 = vector.broadcast %jit3A_117 : i32 to vector<16xi32>
      %select_n3A_119 = arith.select %eq3A_113, %add3A_116, %broadcast_in_dim3A_118 : vector<16xi1>, vector<16xi32>
      %reduce_min3A_120 = arith.constant true
      %reduce_min3A_121 = vector.broadcast %reduce_min3A_120 : i1 to vector<16xi1>
      %reduce_min3A_122 = arith.constant -2147483648 : i32
      %reduce_min3A_123 = vector.broadcast %reduce_min3A_122 : i32 to vector<16xi32>
      %reduce_min3A_124 = arith.xori %select_n3A_119, %reduce_min3A_123 : vector<16xi32>
      %reduce_min3A_125 = tpu.scan <min>, %reduce_min3A_124 masked %reduce_min3A_121 : vector<16xi32>, vector<16xi1> -> vector<16xi32>
      %reduce_min3A_126 = arith.xori %reduce_min3A_125, %reduce_min3A_123 : vector<16xi32>
      %reduce_min3A_127 = vector.extract %reduce_min3A_126[15] : i32 from vector<16xi32>
      %min3A_128 = arith.minsi %min3A_109, %reduce_min3A_127 : i32
      %get3A_129 = arith.constant 32 : index
      %get3A_130 = tpu.vector_load %arg11[%get3A_129] {strides = array<i32>} : memref<80xf32, #tpu.memory_space<vmem>>, vector<16xf32>,
      %eq3A_131 = vector.broadcast %max3A_95 : f32 to vector<16xf32>
      %eq3A_132 = arith.cmpf oeq, %get3A_130, %eq3A_131 : vector<16xf32>
      %add3A_133 = arith.constant 32 : i32
      %add3A_134 = vector.broadcast %add3A_133 : i32 to vector<16xi32>
      %add3A_135 = arith.addi %add3A_134, %iota3A : vector<16xi32>
      %jit3A_136 = arith.constant 1073741824 : i32
      %broadcast_in_dim3A_137 = vector.broadcast %jit3A_136 : i32 to vector<16xi32>
      %select_n3A_138 = arith.select %eq3A_132, %add3A_135, %broadcast_in_dim3A_137 : vector<16xi1>, vector<16xi32>
      %reduce_min3A_139 = arith.constant true
      %reduce_min3A_140 = vector.broadcast %reduce_min3A_139 : i1 to vector<16xi1>
      %reduce_min3A_141 = arith.constant -2147483648 : i32
      %reduce_min3A_142 = vector.broadcast %reduce_min3A_141 : i32 to vector<16xi32>
      %reduce_min3A_143 = arith.xori %select_n3A_138, %reduce_min3A_142 : vector<16xi32>
      %reduce_min3A_144 = tpu.scan <min>, %reduce_min3A_143 masked %reduce_min3A_140 : vector<16xi32>, vector<16xi1> -> vector<16xi32>
      %reduce_min3A_145 = arith.xori %reduce_min3A_144, %reduce_min3A_142 : vector<16xi32>
      %reduce_min3A_146 = vector.extract %reduce_min3A_145[15] : i32 from vector<16xi32>
      %min3A_147 = arith.minsi %min3A_128, %reduce_min3A_146 : i32
      %get3A_148 = arith.constant 48 : index
      %get3A_149 = tpu.vector_load %arg11[%get3A_148] {strides = array<i32>} : memref<80xf32, #tpu.memory_space<vmem>>, vector<16xf32>,
      %eq3A_150 = vector.broadcast %max3A_95 : f32 to vector<16xf32>
      %eq3A_151 = arith.cmpf oeq, %get3A_149, %eq3A_150 : vector<16xf32>
      %add3A_152 = arith.constant 48 : i32
      %add3A_153 = vector.broadcast %add3A_152 : i32 to vector<16xi32>
      %add3A_154 = arith.addi %add3A_153, %iota3A : vector<16xi32>
      %jit3A_155 = arith.constant 1073741824 : i32
      %broadcast_in_dim3A_156 = vector.broadcast %jit3A_155 : i32 to vector<16xi32>
      %select_n3A_157 = arith.select %eq3A_151, %add3A_154, %broadcast_in_dim3A_156 : vector<16xi1>, vector<16xi32>
      %reduce_min3A_158 = arith.constant true
      %reduce_min3A_159 = vector.broadcast %reduce_min3A_158 : i1 to vector<16xi1>
      %reduce_min3A_160 = arith.constant -2147483648 : i32
      %reduce_min3A_161 = vector.broadcast %reduce_min3A_160 : i32 to vector<16xi32>
      %reduce_min3A_162 = arith.xori %select_n3A_157, %reduce_min3A_161 : vector<16xi32>
      %reduce_min3A_163 = tpu.scan <min>, %reduce_min3A_162 masked %reduce_min3A_159 : vector<16xi32>, vector<16xi1> -> vector<16xi32>
      %reduce_min3A_164 = arith.xori %reduce_min3A_163, %reduce_min3A_161 : vector<16xi32>
      %reduce_min3A_165 = vector.extract %reduce_min3A_164[15] : i32 from vector<16xi32>
      %min3A_166 = arith.minsi %min3A_147, %reduce_min3A_165 : i32
      %get3A_167 = arith.constant 64 : index
      %get3A_168 = tpu.vector_load %arg11[%get3A_167] {strides = array<i32>} : memref<80xf32, #tpu.memory_space<vmem>>, vector<16xf32>,
      %eq3A_169 = vector.broadcast %max3A_95 : f32 to vector<16xf32>
      %eq3A_170 = arith.cmpf oeq, %get3A_168, %eq3A_169 : vector<16xf32>
      %add3A_171 = arith.constant 64 : i32
      %add3A_172 = vector.broadcast %add3A_171 : i32 to vector<16xi32>
      %add3A_173 = arith.addi %add3A_172, %iota3A : vector<16xi32>
      %jit3A_174 = arith.constant 1073741824 : i32
      %broadcast_in_dim3A_175 = vector.broadcast %jit3A_174 : i32 to vector<16xi32>
      %select_n3A_176 = arith.select %eq3A_170, %add3A_173, %broadcast_in_dim3A_175 : vector<16xi1>, vector<16xi32>
      %reduce_min3A_177 = arith.constant true
      %reduce_min3A_178 = vector.broadcast %reduce_min3A_177 : i1 to vector<16xi1>
      %reduce_min3A_179 = arith.constant -2147483648 : i32
      %reduce_min3A_180 = vector.broadcast %reduce_min3A_179 : i32 to vector<16xi32>
      %reduce_min3A_181 = arith.xori %select_n3A_176, %reduce_min3A_180 : vector<16xi32>
      %reduce_min3A_182 = tpu.scan <min>, %reduce_min3A_181 masked %reduce_min3A_178 : vector<16xi32>, vector<16xi1> -> vector<16xi32>
      %reduce_min3A_183 = arith.xori %reduce_min3A_182, %reduce_min3A_180 : vector<16xi32>
      %reduce_min3A_184 = vector.extract %reduce_min3A_183[15] : i32 from vector<16xi32>
      %min3A_185 = arith.minsi %min3A_166, %reduce_min3A_184 : i32
      %mul3A = arith.constant 16 : i32
      %mul3A_186 = arith.muli %min3A_185, %mul3A : i32
      %add3A_187 = vector.broadcast %mul3A_186 : i32 to vector<16xi32>
      %add3A_188 = arith.addi %add3A_187, %iota3A : vector<16xi32>
      %gather3A = tpu.vector_load_idx %arg10[%add3A_188] : memref<1280xf32, #tpu.memory_space<vmem>>[vector<16xi32>], vector<16xf32>,
      %eq3A_189 = vector.broadcast %max3A_95 : f32 to vector<16xf32>
      %eq3A_190 = arith.cmpf oeq, %gather3A, %eq3A_189 : vector<16xf32>
      %jit3A_191 = arith.constant 1073741824 : i32
      %broadcast_in_dim3A_192 = vector.broadcast %jit3A_191 : i32 to vector<16xi32>
      %select_n3A_193 = arith.select %eq3A_190, %iota3A, %broadcast_in_dim3A_192 : vector<16xi1>, vector<16xi32>
      %reduce_min3A_194 = arith.constant true
      %reduce_min3A_195 = vector.broadcast %reduce_min3A_194 : i1 to vector<16xi1>
      %reduce_min3A_196 = arith.constant -2147483648 : i32
      %reduce_min3A_197 = vector.broadcast %reduce_min3A_196 : i32 to vector<16xi32>
      %reduce_min3A_198 = arith.xori %select_n3A_193, %reduce_min3A_197 : vector<16xi32>
      %reduce_min3A_199 = tpu.scan <min>, %reduce_min3A_198 masked %reduce_min3A_195 : vector<16xi32>, vector<16xi1> -> vector<16xi32>
      %reduce_min3A_200 = arith.xori %reduce_min3A_199, %reduce_min3A_197 : vector<16xi32>
      %reduce_min3A_201 = vector.extract %reduce_min3A_200[15] : i32 from vector<16xi32>
      %mul3A_202 = arith.constant 16 : i32
      %mul3A_203 = arith.muli %min3A_185, %mul3A_202 : i32
      %add3A_204 = arith.addi %mul3A_203, %reduce_min3A_201 : i32
      %mul3A_205 = arith.constant 16 : i32
      %mul3A_206 = arith.muli %add3A_204, %mul3A_205 : i32
      %add3A_207 = vector.broadcast %mul3A_206 : i32 to vector<16xi32>
      %add3A_208 = arith.addi %add3A_207, %iota3A : vector<16xi32>
      %gather3A_209 = tpu.vector_load_idx %arg8[%add3A_208] : memref<20480xf32, #tpu.memory_space<vmem>>[vector<16xi32>], vector<16xf32>,
      %eq3A_210 = vector.broadcast %max3A_95 : f32 to vector<16xf32>
      %eq3A_211 = arith.cmpf oeq, %gather3A_209, %eq3A_210 : vector<16xf32>
      %jit3A_212 = arith.constant 1073741824 : i32
      %broadcast_in_dim3A_213 = vector.broadcast %jit3A_212 : i32 to vector<16xi32>
      %select_n3A_214 = arith.select %eq3A_211, %iota3A, %broadcast_in_dim3A_213 : vector<16xi1>, vector<16xi32>
      %reduce_min3A_215 = arith.constant true
      %reduce_min3A_216 = vector.broadcast %reduce_min3A_215 : i1 to vector<16xi1>
      %reduce_min3A_217 = arith.constant -2147483648 : i32
      %reduce_min3A_218 = vector.broadcast %reduce_min3A_217 : i32 to vector<16xi32>
      %reduce_min3A_219 = arith.xori %select_n3A_214, %reduce_min3A_218 : vector<16xi32>
      %reduce_min3A_220 = tpu.scan <min>, %reduce_min3A_219 masked %reduce_min3A_216 : vector<16xi32>, vector<16xi1> -> vector<16xi32>
      %reduce_min3A_221 = arith.xori %reduce_min3A_220, %reduce_min3A_218 : vector<16xi32>
      %reduce_min3A_222 = vector.extract %reduce_min3A_221[15] : i32 from vector<16xi32>
      %mul3A_223 = arith.constant 16 : i32
      %mul3A_224 = arith.muli %add3A_204, %mul3A_223 : i32
      %add3A_225 = arith.addi %mul3A_224, %reduce_min3A_222 : i32
      %eq3A_226 = vector.broadcast %reduce_min3A_222 : i32 to vector<16xi32>
      %eq3A_227 = arith.cmpi eq, %iota3A, %eq3A_226 : vector<16xi32>
      %jit3A_228 = arith.constant -3.000000e+00 : f32
      %broadcast_in_dim3A_229 = vector.broadcast %jit3A_228 : f32 to vector<16xf32>
      %select_n3A_230 = arith.select %eq3A_227, %broadcast_in_dim3A_229, %gather3A_209 : vector<16xi1>, vector<16xf32>
      %broadcast_in_dim3A_231 = vector.broadcast %add3A_225 : i32 to vector<16xi32>
      %broadcast_in_dim3A_232 = arith.constant -3.000000e+00 : f32
      %broadcast_in_dim3A_233 = vector.broadcast %broadcast_in_dim3A_232 : f32 to vector<16xf32>
      tpu.vector_store_idx %arg8[%broadcast_in_dim3A_231], %broadcast_in_dim3A_233 masked %eq3A_1 : memref<20480xf32, #tpu.memory_space<vmem>>[vector<16xi32>], vector<16xf32>, vector<16xi1>
      %reduce_max3A_234 = arith.constant true
      %reduce_max3A_235 = vector.broadcast %reduce_max3A_234 : i1 to vector<16xi1>
      %reduce_max3A_236 = tpu.scan <max>, %select_n3A_230 masked %reduce_max3A_235 : vector<16xf32>, vector<16xi1> -> vector<16xf32>
      %reduce_max3A_237 = vector.extract %reduce_max3A_236[15] : f32 from vector<16xf32>
      %broadcast_in_dim3A_238 = vector.broadcast %add3A_204 : i32 to vector<16xi32>
      %broadcast_in_dim3A_239 = vector.broadcast %reduce_max3A_237 : f32 to vector<16xf32>
      tpu.vector_store_idx %arg10[%broadcast_in_dim3A_238], %broadcast_in_dim3A_239 masked %eq3A_1 : memref<1280xf32, #tpu.memory_space<vmem>>[vector<16xi32>], vector<16xf32>, vector<16xi1>
      %eq3A_240 = vector.broadcast %reduce_min3A_201 : i32 to vector<16xi32>
      %eq3A_241 = arith.cmpi eq, %iota3A, %eq3A_240 : vector<16xi32>
      %broadcast_in_dim3A_242 = vector.broadcast %reduce_max3A_237 : f32 to vector<16xf32>
      %select_n3A_243 = arith.select %eq3A_241, %broadcast_in_dim3A_242, %gather3A : vector<16xi1>, vector<16xf32>
      %reduce_max3A_244 = arith.constant true
      %reduce_max3A_245 = vector.broadcast %reduce_max3A_244 : i1 to vector<16xi1>
      %reduce_max3A_246 = tpu.scan <max>, %select_n3A_243 masked %reduce_max3A_245 : vector<16xf32>, vector<16xi1> -> vector<16xf32>
      %reduce_max3A_247 = vector.extract %reduce_max3A_246[15] : f32 from vector<16xf32>
      %broadcast_in_dim3A_248 = vector.broadcast %min3A_185 : i32 to vector<16xi32>
      %broadcast_in_dim3A_249 = vector.broadcast %reduce_max3A_247 : f32 to vector<16xf32>
      tpu.vector_store_idx %arg11[%broadcast_in_dim3A_248], %broadcast_in_dim3A_249 masked %eq3A_1 : memref<80xf32, #tpu.memory_space<vmem>>[vector<16xi32>], vector<16xf32>, vector<16xi1>
      %broadcast_in_dim3A_250 = vector.broadcast %scan3A_61 : i32 to vector<16xi32>
      %broadcast_in_dim3A_251 = vector.broadcast %add3A_225 : i32 to vector<16xi32>
      tpu.vector_store_idx %arg14[%broadcast_in_dim3A_250], %broadcast_in_dim3A_251 masked %eq3A_1 : memref<96xi32, #tpu.memory_space<vmem>>[vector<16xi32>], vector<16xi32>, vector<16xi1>
      %broadcast_in_dim3A_252 = vector.broadcast %scan3A_61 : i32 to vector<16xi32>
      %broadcast_in_dim3A_253 = vector.broadcast %max3A_95 : f32 to vector<16xf32>
      tpu.vector_store_idx %arg15[%broadcast_in_dim3A_252], %broadcast_in_dim3A_253 masked %eq3A_1 : memref<96xf32, #tpu.memory_space<vmem>>[vector<16xi32>], vector<16xf32>, vector<16xi1>
      %scan3A_254 = arith.constant 0 : i32
      scf.yield %scan3A_254 : i32
    }
    %scan3A_23 = arith.constant 96 : i32
    %scan3A_24 = arith.constant 0 : i32
    %scan3A_25 = arith.constant 0 : i32
    %scan3A_26 = arith.constant 6 : i32
    %scan3A_27 = arith.addi %scan3A_25, %scan3A_26 : i32
    %scan3A_28 = arith.constant 1 : i32
    %scan3A_29 = scf.for %scan3A_61 = %scan3A_25 to %scan3A_27 step %scan3A_28 iter_args(%scan3A_62 = %scan3A_24) -> (i32)  : i32 {
      %mul3A = arith.constant 16 : i32
      %mul3A_63 = arith.muli %scan3A_61, %mul3A : i32
      %get3A = arith.index_cast %mul3A_63 : i32 to index
      %get3A_64 = tpu.vector_load %arg14[%get3A] {strides = array<i32>} : memref<96xi32, #tpu.memory_space<vmem>>, vector<16xi32>,
      %mul3A_65 = arith.constant 81920 : i32
      %mul3A_66 = arith.muli %arg1, %mul3A_65 : i32
      %add3A = vector.broadcast %mul3A_66 : i32 to vector<16xi32>
      %add3A_67 = arith.addi %add3A, %get3A_64 : vector<16xi32>
      %mul3A_68 = arith.constant 16 : i32
      %mul3A_69 = arith.muli %scan3A_61, %mul3A_68 : i32
      %swap3A = arith.index_cast %mul3A_69 : i32 to index
      %swap3A_70 = tpu.vector_load %arg16[%swap3A] {strides = array<i32>} : memref<96xi32, #tpu.memory_space<vmem>>, vector<16xi32>,
      tpu.vector_store %arg16[%swap3A], %add3A_67 {strides = array<i32>} : memref<96xi32, #tpu.memory_space<vmem>>, vector<16xi32>,
      %add3A_71 = arith.constant 20480 : i32
      %add3A_72 = arith.addi %mul3A_66, %add3A_71 : i32
      %add3A_73 = vector.broadcast %add3A_72 : i32 to vector<16xi32>
      %add3A_74 = arith.addi %add3A_73, %get3A_64 : vector<16xi32>
      %mul3A_75 = arith.constant 16 : i32
      %mul3A_76 = arith.muli %scan3A_61, %mul3A_75 : i32
      %swap3A_77 = arith.index_cast %mul3A_76 : i32 to index
      %swap3A_78 = tpu.vector_load %arg17[%swap3A_77] {strides = array<i32>} : memref<96xi32, #tpu.memory_space<vmem>>, vector<16xi32>,
      tpu.vector_store %arg17[%swap3A_77], %add3A_74 {strides = array<i32>} : memref<96xi32, #tpu.memory_space<vmem>>, vector<16xi32>,
      %add3A_79 = arith.constant 40960 : i32
      %add3A_80 = arith.addi %mul3A_66, %add3A_79 : i32
      %add3A_81 = vector.broadcast %add3A_80 : i32 to vector<16xi32>
      %add3A_82 = arith.addi %add3A_81, %get3A_64 : vector<16xi32>
      %mul3A_83 = arith.constant 16 : i32
      %mul3A_84 = arith.muli %scan3A_61, %mul3A_83 : i32
      %swap3A_85 = arith.index_cast %mul3A_84 : i32 to index
      %swap3A_86 = tpu.vector_load %arg18[%swap3A_85] {strides = array<i32>} : memref<96xi32, #tpu.memory_space<vmem>>, vector<16xi32>,
      tpu.vector_store %arg18[%swap3A_85], %add3A_82 {strides = array<i32>} : memref<96xi32, #tpu.memory_space<vmem>>, vector<16xi32>,
      %add3A_87 = arith.constant 61440 : i32
      %add3A_88 = arith.addi %mul3A_66, %add3A_87 : i32
      %add3A_89 = vector.broadcast %add3A_88 : i32 to vector<16xi32>
      %add3A_90 = arith.addi %add3A_89, %get3A_64 : vector<16xi32>
      %mul3A_91 = arith.constant 16 : i32
      %mul3A_92 = arith.muli %scan3A_61, %mul3A_91 : i32
      %swap3A_93 = arith.index_cast %mul3A_92 : i32 to index
      %swap3A_94 = tpu.vector_load %arg19[%swap3A_93] {strides = array<i32>} : memref<96xi32, #tpu.memory_space<vmem>>, vector<16xi32>,
      tpu.vector_store %arg19[%swap3A_93], %add3A_90 {strides = array<i32>} : memref<96xi32, #tpu.memory_space<vmem>>, vector<16xi32>,
      %mul3A_95 = arith.constant 20480 : i32
      %mul3A_96 = arith.muli %arg1, %mul3A_95 : i32
      %add3A_97 = vector.broadcast %mul3A_96 : i32 to vector<16xi32>
      %add3A_98 = arith.addi %add3A_97, %get3A_64 : vector<16xi32>
      %mul3A_99 = arith.constant 16 : i32
      %mul3A_100 = arith.muli %scan3A_61, %mul3A_99 : i32
      %swap3A_101 = arith.index_cast %mul3A_100 : i32 to index
      %swap3A_102 = tpu.vector_load %arg20[%swap3A_101] {strides = array<i32>} : memref<96xi32, #tpu.memory_space<vmem>>, vector<16xi32>,
      tpu.vector_store %arg20[%swap3A_101], %add3A_98 {strides = array<i32>} : memref<96xi32, #tpu.memory_space<vmem>>, vector<16xi32>,
      %scan3A_103 = arith.constant 0 : i32
      scf.yield %scan3A_103 : i32
    }
    %scan3A_30 = arith.constant 6 : i32
    %dma_start3A = arith.constant 0 : i32
    %dma_start3A_31 = tpu.memref_slice %arg3[%dma_start3A] : memref<1310720xf32, #tpu.memory_space<hbm>> -> memref<1310720xf32, #tpu.memory_space<hbm>>
    tpu.enqueue_indirect_dma source(%dma_start3A_31 : memref<1310720xf32, #tpu.memory_space<hbm>>) target(%arg21 : memref<96xf32, #tpu.memory_space<vmem>>) offsets(%arg16 : memref<96xi32, #tpu.memory_space<vmem>>) semaphore(%arg26 : memref<!tpu.dma_semaphore, #tpu.memory_space<semaphore_mem>>)
    %dma_wait3A = arith.constant 0 : i32
    %dma_wait3A_32 = tpu.memref_slice %arg3[%dma_wait3A] : memref<1310720xf32, #tpu.memory_space<hbm>> -> memref<1310720xf32, #tpu.memory_space<hbm>>
    tpu.wait_indirect_dma semaphore(%arg26 : memref<!tpu.dma_semaphore, #tpu.memory_space<semaphore_mem>>) src(%dma_wait3A_32 : memref<1310720xf32, #tpu.memory_space<hbm>>) dst(%arg21 : memref<96xf32, #tpu.memory_space<vmem>>)
    %dma_start3A_33 = arith.constant 0 : i32
    %dma_start3A_34 = tpu.memref_slice %arg3[%dma_start3A_33] : memref<1310720xf32, #tpu.memory_space<hbm>> -> memref<1310720xf32, #tpu.memory_space<hbm>>
    tpu.enqueue_indirect_dma source(%dma_start3A_34 : memref<1310720xf32, #tpu.memory_space<hbm>>) target(%arg22 : memref<96xf32, #tpu.memory_space<vmem>>) offsets(%arg17 : memref<96xi32, #tpu.memory_space<vmem>>) semaphore(%arg26 : memref<!tpu.dma_semaphore, #tpu.memory_space<semaphore_mem>>)
    %dma_wait3A_35 = arith.constant 0 : i32
    %dma_wait3A_36 = tpu.memref_slice %arg3[%dma_wait3A_35] : memref<1310720xf32, #tpu.memory_space<hbm>> -> memref<1310720xf32, #tpu.memory_space<hbm>>
    tpu.wait_indirect_dma semaphore(%arg26 : memref<!tpu.dma_semaphore, #tpu.memory_space<semaphore_mem>>) src(%dma_wait3A_36 : memref<1310720xf32, #tpu.memory_space<hbm>>) dst(%arg22 : memref<96xf32, #tpu.memory_space<vmem>>)
    %dma_start3A_37 = arith.constant 0 : i32
    %dma_start3A_38 = tpu.memref_slice %arg3[%dma_start3A_37] : memref<1310720xf32, #tpu.memory_space<hbm>> -> memref<1310720xf32, #tpu.memory_space<hbm>>
    tpu.enqueue_indirect_dma source(%dma_start3A_38 : memref<1310720xf32, #tpu.memory_space<hbm>>) target(%arg23 : memref<96xf32, #tpu.memory_space<vmem>>) offsets(%arg18 : memref<96xi32, #tpu.memory_space<vmem>>) semaphore(%arg26 : memref<!tpu.dma_semaphore, #tpu.memory_space<semaphore_mem>>)
    %dma_wait3A_39 = arith.constant 0 : i32
    %dma_wait3A_40 = tpu.memref_slice %arg3[%dma_wait3A_39] : memref<1310720xf32, #tpu.memory_space<hbm>> -> memref<1310720xf32, #tpu.memory_space<hbm>>
    tpu.wait_indirect_dma semaphore(%arg26 : memref<!tpu.dma_semaphore, #tpu.memory_space<semaphore_mem>>) src(%dma_wait3A_40 : memref<1310720xf32, #tpu.memory_space<hbm>>) dst(%arg23 : memref<96xf32, #tpu.memory_space<vmem>>)
    %dma_start3A_41 = arith.constant 0 : i32
    %dma_start3A_42 = tpu.memref_slice %arg3[%dma_start3A_41] : memref<1310720xf32, #tpu.memory_space<hbm>> -> memref<1310720xf32, #tpu.memory_space<hbm>>
    tpu.enqueue_indirect_dma source(%dma_start3A_42 : memref<1310720xf32, #tpu.memory_space<hbm>>) target(%arg24 : memref<96xf32, #tpu.memory_space<vmem>>) offsets(%arg19 : memref<96xi32, #tpu.memory_space<vmem>>) semaphore(%arg26 : memref<!tpu.dma_semaphore, #tpu.memory_space<semaphore_mem>>)
    %dma_wait3A_43 = arith.constant 0 : i32
    %dma_wait3A_44 = tpu.memref_slice %arg3[%dma_wait3A_43] : memref<1310720xf32, #tpu.memory_space<hbm>> -> memref<1310720xf32, #tpu.memory_space<hbm>>
    tpu.wait_indirect_dma semaphore(%arg26 : memref<!tpu.dma_semaphore, #tpu.memory_space<semaphore_mem>>) src(%dma_wait3A_44 : memref<1310720xf32, #tpu.memory_space<hbm>>) dst(%arg24 : memref<96xf32, #tpu.memory_space<vmem>>)
    %dma_start3A_45 = arith.constant 0 : i32
    %dma_start3A_46 = tpu.memref_slice %arg4[%dma_start3A_45] : memref<327680xi32, #tpu.memory_space<hbm>> -> memref<327680xi32, #tpu.memory_space<hbm>>
    tpu.enqueue_indirect_dma source(%dma_start3A_46 : memref<327680xi32, #tpu.memory_space<hbm>>) target(%arg25 : memref<96xi32, #tpu.memory_space<vmem>>) offsets(%arg20 : memref<96xi32, #tpu.memory_space<vmem>>) semaphore(%arg26 : memref<!tpu.dma_semaphore, #tpu.memory_space<semaphore_mem>>)
    %dma_wait3A_47 = arith.constant 0 : i32
    %dma_wait3A_48 = tpu.memref_slice %arg4[%dma_wait3A_47] : memref<327680xi32, #tpu.memory_space<hbm>> -> memref<327680xi32, #tpu.memory_space<hbm>>
    tpu.wait_indirect_dma semaphore(%arg26 : memref<!tpu.dma_semaphore, #tpu.memory_space<semaphore_mem>>) src(%dma_wait3A_48 : memref<327680xi32, #tpu.memory_space<hbm>>) dst(%arg25 : memref<96xi32, #tpu.memory_space<vmem>>)
    %scan3A_49 = arith.constant 0 : i32
    %scan3A_50 = arith.constant 0 : i32
    %scan3A_51 = arith.constant 96 : i32
    %scan3A_52 = arith.addi %scan3A_50, %scan3A_51 : i32
    %scan3A_53 = arith.constant 1 : i32
    %scan3A_54 = scf.for %scan3A_61 = %scan3A_50 to %scan3A_52 step %scan3A_53 iter_args(%scan3A_62 = %scan3A_49) -> (i32)  : i32 {
      %broadcast_in_dim3A = vector.broadcast %scan3A_61 : i32 to vector<16xi32>
      %gather3A = tpu.vector_load_idx %arg21[%broadcast_in_dim3A] : memref<96xf32, #tpu.memory_space<vmem>>[vector<16xi32>], vector<16xf32>,
      %gather3A_63 = tpu.vector_load_idx %arg22[%broadcast_in_dim3A] : memref<96xf32, #tpu.memory_space<vmem>>[vector<16xi32>], vector<16xf32>,
      %gather3A_64 = tpu.vector_load_idx %arg23[%broadcast_in_dim3A] : memref<96xf32, #tpu.memory_space<vmem>>[vector<16xi32>], vector<16xf32>,
      %gather3A_65 = tpu.vector_load_idx %arg24[%broadcast_in_dim3A] : memref<96xf32, #tpu.memory_space<vmem>>[vector<16xi32>], vector<16xf32>,
      %gather3A_66 = tpu.vector_load_idx %arg25[%broadcast_in_dim3A] : memref<96xi32, #tpu.memory_space<vmem>>[vector<16xi32>], vector<16xi32>,
      %mul3A = arith.constant 5 : i32
      %mul3A_67 = vector.broadcast %mul3A : i32 to vector<16xi32>
      %mul3A_68 = arith.muli %gather3A_66, %mul3A_67 : vector<16xi32>
      %sub3A = arith.constant 4 : i32
      %sub3A_69 = vector.broadcast %sub3A : i32 to vector<16xi32>
      %sub3A_70 = arith.subi %iota3A, %sub3A_69 : vector<16xi32>
      %max3A = arith.constant 0 : i32
      %max3A_71 = vector.broadcast %max3A : i32 to vector<16xi32>
      %max3A_72 = arith.maxsi %sub3A_70, %max3A_71 : vector<16xi32>
      %add3A = arith.addi %mul3A_68, %max3A_72 : vector<16xi32>
      %gather3A_73 = tpu.vector_load_idx %arg9[%add3A] : memref<128xf32, #tpu.memory_space<vmem>>[vector<16xi32>], vector<16xf32>,
      %mul3A_74 = arith.constant 5 : i32
      %mul3A_75 = vector.broadcast %mul3A_74 : i32 to vector<16xi32>
      %mul3A_76 = arith.muli %gather3A_66, %mul3A_75 : vector<16xi32>
      %add3A_77 = arith.constant 4 : i32
      %add3A_78 = vector.broadcast %add3A_77 : i32 to vector<16xi32>
      %add3A_79 = arith.addi %mul3A_76, %add3A_78 : vector<16xi32>
      %gather3A_80 = tpu.vector_load_idx %arg9[%add3A_79] : memref<128xf32, #tpu.memory_space<vmem>>[vector<16xi32>], vector<16xf32>,
      %gather3A_81 = tpu.vector_load_idx %arg15[%broadcast_in_dim3A] : memref<96xf32, #tpu.memory_space<vmem>>[vector<16xi32>], vector<16xf32>,
      %ge3A = arith.constant 5.000000e-01 : f32
      %ge3A_82 = vector.broadcast %ge3A : f32 to vector<16xf32>
      %ge3A_83 = arith.cmpf oge, %gather3A_81, %ge3A_82 : vector<16xf32>
      %and3A = vector.broadcast %eq3A_16 : i1 to vector<16xi1>
      %and3A_84 = arith.andi %and3A, %ge3A_83 : vector<16xi1>
      %broadcast_in_dim3A_85 = arith.constant 0.000000e+00 : f32
      %broadcast_in_dim3A_86 = vector.broadcast %broadcast_in_dim3A_85 : f32 to vector<16xf32>
      %select_n3A = arith.select %and3A_84, %gather3A_80, %broadcast_in_dim3A_86 : vector<16xi1>, vector<16xf32>
      %eq3A_87 = arith.constant 0 : i32
      %eq3A_88 = vector.broadcast %eq3A_87 : i32 to vector<16xi32>
      %eq3A_89 = arith.cmpi eq, %iota3A, %eq3A_88 : vector<16xi32>
      %eq3A_90 = arith.constant 1 : i32
      %eq3A_91 = vector.broadcast %eq3A_90 : i32 to vector<16xi32>
      %eq3A_92 = arith.cmpi eq, %iota3A, %eq3A_91 : vector<16xi32>
      %eq3A_93 = arith.constant 2 : i32
      %eq3A_94 = vector.broadcast %eq3A_93 : i32 to vector<16xi32>
      %eq3A_95 = arith.cmpi eq, %iota3A, %eq3A_94 : vector<16xi32>
      %select_n3A_96 = arith.select %eq3A_95, %gather3A_64, %gather3A_65 : vector<16xi1>, vector<16xf32>
      %select_n3A_97 = arith.select %eq3A_92, %gather3A_63, %select_n3A_96 : vector<16xi1>, vector<16xf32>
      %select_n3A_98 = arith.select %eq3A_89, %gather3A, %select_n3A_97 : vector<16xi1>, vector<16xf32>
      %ge3A_99 = arith.constant 4 : i32
      %ge3A_100 = vector.broadcast %ge3A_99 : i32 to vector<16xi32>
      %ge3A_101 = arith.cmpi sge, %iota3A, %ge3A_100 : vector<16xi32>
      %select_n3A_102 = arith.select %ge3A_101, %gather3A_73, %select_n3A_98 : vector<16xi1>, vector<16xf32>
      %eq3A_103 = arith.constant 8 : i32
      %eq3A_104 = vector.broadcast %eq3A_103 : i32 to vector<16xi32>
      %eq3A_105 = arith.cmpi eq, %iota3A, %eq3A_104 : vector<16xi32>
      %select_n3A_106 = arith.select %eq3A_105, %select_n3A, %select_n3A_102 : vector<16xi1>, vector<16xf32>
      %gt3A = arith.constant 8 : i32
      %gt3A_107 = vector.broadcast %gt3A : i32 to vector<16xi32>
      %gt3A_108 = arith.cmpi sgt, %iota3A, %gt3A_107 : vector<16xi32>
      %jit3A = arith.constant 0.000000e+00 : f32
      %broadcast_in_dim3A_109 = vector.broadcast %jit3A : f32 to vector<16xf32>
      %select_n3A_110 = arith.select %gt3A_108, %broadcast_in_dim3A_109, %select_n3A_106 : vector<16xi1>, vector<16xf32>
      tpu.vector_store_idx %arg12[%broadcast_in_dim3A, %iota3A], %select_n3A_110 : memref<96x16xf32, #tpu.memory_space<vmem>>[vector<16xi32>, vector<16xi32>], vector<16xf32>,
      tpu.vector_store_idx %arg13[%broadcast_in_dim3A], %select_n3A masked %eq3A_1 : memref<96xf32, #tpu.memory_space<vmem>>[vector<16xi32>], vector<16xf32>, vector<16xi1>
      %scan3A_111 = arith.constant 0 : i32
      scf.yield %scan3A_111 : i32
    }
    %scan3A_55 = arith.constant 96 : i32
    %convert_element_type3A = arith.extui %eq3A_16 : i1 to i32
    %cond3A = arith.constant 0 : i32
    %cond3A_56 = arith.cmpi ne, %convert_element_type3A, %cond3A : i32
    scf.if %cond3A_56 {
      "tpu.region"() ({
        %run_scoped3A = tpu.sem_alloc : memref<!tpu.dma_semaphore, #tpu.memory_space<semaphore_mem>>
        %dma_start3A_61 = arith.constant 0 : i32
        %dma_start3A_62 = arith.constant 0 : i32
        %dma_start3A_63 = tpu.memref_slice %arg12[%dma_start3A_61, %dma_start3A_62] : memref<96x16xf32, #tpu.memory_space<vmem>> -> memref<32x16xf32, #tpu.memory_space<vmem>>
        %dma_start3A_64 = arith.constant 0 : i32
        %dma_start3A_65 = arith.constant 0 : i32
        %dma_start3A_66 = tpu.memref_slice %arg7[%arg1, %dma_start3A_64, %dma_start3A_65] : memref<16x128x16xf32, #tpu.memory_space<hbm>> -> memref<1x32x16xf32, #tpu.memory_space<hbm>>
        %dma_start3A_67 = tpu.memref_squeeze %dma_start3A_66 : memref<1x32x16xf32, #tpu.memory_space<hbm>> -> memref<32x16xf32, #tpu.memory_space<hbm>>
        %dma_start3A_68 = arith.constant 0 : i32
        %dma_start3A_69 = arith.constant 0 : i32
        %dma_start3A_70 = tpu.memref_slice %arg7[%arg1, %dma_start3A_68, %dma_start3A_69] : memref<16x128x16xf32, #tpu.memory_space<hbm>> -> memref<1x32x16xf32, #tpu.memory_space<hbm>>
        %dma_start3A_71 = tpu.memref_squeeze %dma_start3A_70 : memref<1x32x16xf32, #tpu.memory_space<hbm>> -> memref<32x16xf32, #tpu.memory_space<hbm>>
        %dma_start3A_72 = arith.constant 0 : i32
        %dma_start3A_73 = arith.constant 0 : i32
        %dma_start3A_74 = tpu.memref_slice %arg12[%dma_start3A_72, %dma_start3A_73] : memref<96x16xf32, #tpu.memory_space<vmem>> -> memref<32x16xf32, #tpu.memory_space<vmem>>
        tpu.enqueue_dma source(%dma_start3A_74 : memref<32x16xf32, #tpu.memory_space<vmem>>) target(%dma_start3A_71 : memref<32x16xf32, #tpu.memory_space<hbm>>) target_semaphore(%run_scoped3A : memref<!tpu.dma_semaphore, #tpu.memory_space<semaphore_mem>>)
        %dma_wait3A_75 = arith.constant 0 : i32
        %dma_wait3A_76 = arith.constant 0 : i32
        %dma_wait3A_77 = tpu.memref_slice %arg12[%dma_wait3A_75, %dma_wait3A_76] : memref<96x16xf32, #tpu.memory_space<vmem>> -> memref<32x16xf32, #tpu.memory_space<vmem>>
        %dma_wait3A_78 = arith.constant 0 : i32
        %dma_wait3A_79 = arith.constant 0 : i32
        %dma_wait3A_80 = tpu.memref_slice %arg7[%arg1, %dma_wait3A_78, %dma_wait3A_79] : memref<16x128x16xf32, #tpu.memory_space<hbm>> -> memref<1x32x16xf32, #tpu.memory_space<hbm>>
        %dma_wait3A_81 = tpu.memref_squeeze %dma_wait3A_80 : memref<1x32x16xf32, #tpu.memory_space<hbm>> -> memref<32x16xf32, #tpu.memory_space<hbm>>
        %dma_wait3A_82 = arith.constant 0 : i32
        %dma_wait3A_83 = arith.constant 0 : i32
        %dma_wait3A_84 = tpu.memref_slice %arg7[%arg1, %dma_wait3A_82, %dma_wait3A_83] : memref<16x128x16xf32, #tpu.memory_space<hbm>> -> memref<1x32x16xf32, #tpu.memory_space<hbm>>
        %dma_wait3A_85 = tpu.memref_squeeze %dma_wait3A_84 : memref<1x32x16xf32, #tpu.memory_space<hbm>> -> memref<32x16xf32, #tpu.memory_space<hbm>>
        %dma_wait3A_86 = arith.constant 0 : i32
        %dma_wait3A_87 = arith.constant 0 : i32
        %dma_wait3A_88 = tpu.memref_slice %arg12[%dma_wait3A_86, %dma_wait3A_87] : memref<96x16xf32, #tpu.memory_space<vmem>> -> memref<32x16xf32, #tpu.memory_space<vmem>>
        tpu.wait_dma2 semaphore(%run_scoped3A : memref<!tpu.dma_semaphore, #tpu.memory_space<semaphore_mem>>) src(%dma_wait3A_88 : memref<32x16xf32, #tpu.memory_space<vmem>>) dst(%dma_wait3A_85 : memref<32x16xf32, #tpu.memory_space<hbm>>)
        tpu.yield
      }) : () -> ()
      "tpu.region"() ({
        %run_scoped3A = tpu.sem_alloc : memref<!tpu.dma_semaphore, #tpu.memory_space<semaphore_mem>>
        %dma_start3A_61 = arith.constant 0 : i32
        %dma_start3A_62 = tpu.memref_slice %arg13[%dma_start3A_61] : memref<96xf32, #tpu.memory_space<vmem>> -> memref<32xf32, #tpu.memory_space<vmem>>
        %dma_start3A_63 = arith.constant 0 : i32
        %dma_start3A_64 = tpu.memref_slice %arg6[%arg1, %dma_start3A_63] : memref<16x128xf32, #tpu.memory_space<hbm>> -> memref<1x32xf32, #tpu.memory_space<hbm>>
        %dma_start3A_65 = tpu.memref_squeeze %dma_start3A_64 : memref<1x32xf32, #tpu.memory_space<hbm>> -> memref<32xf32, #tpu.memory_space<hbm>>
        %dma_start3A_66 = arith.constant 0 : i32
        %dma_start3A_67 = tpu.memref_slice %arg6[%arg1, %dma_start3A_66] : memref<16x128xf32, #tpu.memory_space<hbm>> -> memref<1x32xf32, #tpu.memory_space<hbm>>
        %dma_start3A_68 = tpu.memref_squeeze %dma_start3A_67 : memref<1x32xf32, #tpu.memory_space<hbm>> -> memref<32xf32, #tpu.memory_space<hbm>>
        %dma_start3A_69 = arith.constant 0 : i32
        %dma_start3A_70 = tpu.memref_slice %arg13[%dma_start3A_69] : memref<96xf32, #tpu.memory_space<vmem>> -> memref<32xf32, #tpu.memory_space<vmem>>
        tpu.enqueue_dma source(%dma_start3A_70 : memref<32xf32, #tpu.memory_space<vmem>>) target(%dma_start3A_68 : memref<32xf32, #tpu.memory_space<hbm>>) target_semaphore(%run_scoped3A : memref<!tpu.dma_semaphore, #tpu.memory_space<semaphore_mem>>)
        %dma_wait3A_71 = arith.constant 0 : i32
        %dma_wait3A_72 = tpu.memref_slice %arg13[%dma_wait3A_71] : memref<96xf32, #tpu.memory_space<vmem>> -> memref<32xf32, #tpu.memory_space<vmem>>
        %dma_wait3A_73 = arith.constant 0 : i32
        %dma_wait3A_74 = tpu.memref_slice %arg6[%arg1, %dma_wait3A_73] : memref<16x128xf32, #tpu.memory_space<hbm>> -> memref<1x32xf32, #tpu.memory_space<hbm>>
        %dma_wait3A_75 = tpu.memref_squeeze %dma_wait3A_74 : memref<1x32xf32, #tpu.memory_space<hbm>> -> memref<32xf32, #tpu.memory_space<hbm>>
        %dma_wait3A_76 = arith.constant 0 : i32
        %dma_wait3A_77 = tpu.memref_slice %arg6[%arg1, %dma_wait3A_76] : memref<16x128xf32, #tpu.memory_space<hbm>> -> memref<1x32xf32, #tpu.memory_space<hbm>>
        %dma_wait3A_78 = tpu.memref_squeeze %dma_wait3A_77 : memref<1x32xf32, #tpu.memory_space<hbm>> -> memref<32xf32, #tpu.memory_space<hbm>>
        %dma_wait3A_79 = arith.constant 0 : i32
        %dma_wait3A_80 = tpu.memref_slice %arg13[%dma_wait3A_79] : memref<96xf32, #tpu.memory_space<vmem>> -> memref<32xf32, #tpu.memory_space<vmem>>
        tpu.wait_dma2 semaphore(%run_scoped3A : memref<!tpu.dma_semaphore, #tpu.memory_space<semaphore_mem>>) src(%dma_wait3A_80 : memref<32xf32, #tpu.memory_space<vmem>>) dst(%dma_wait3A_78 : memref<32xf32, #tpu.memory_space<hbm>>)
        tpu.yield
      }) : () -> ()
    } else {
    }
    %not3A = arith.constant true
    %not3A_57 = arith.xori %eq3A_16, %not3A : i1
    %convert_element_type3A_58 = arith.extui %not3A_57 : i1 to i32
    %cond3A_59 = arith.constant 0 : i32
    %cond3A_60 = arith.cmpi ne, %convert_element_type3A_58, %cond3A_59 : i32
    scf.if %cond3A_60 {
      "tpu.region"() ({
        %run_scoped3A = tpu.sem_alloc : memref<!tpu.dma_semaphore, #tpu.memory_space<semaphore_mem>>
        %dma_start3A_61 = arith.constant 32 : i32
        %dma_start3A_62 = arith.constant 0 : i32
        %dma_start3A_63 = tpu.memref_slice %arg7[%arg1, %dma_start3A_61, %dma_start3A_62] : memref<16x128x16xf32, #tpu.memory_space<hbm>> -> memref<1x96x16xf32, #tpu.memory_space<hbm>>
        %dma_start3A_64 = tpu.memref_squeeze %dma_start3A_63 : memref<1x96x16xf32, #tpu.memory_space<hbm>> -> memref<96x16xf32, #tpu.memory_space<hbm>>
        %dma_start3A_65 = arith.constant 32 : i32
        %dma_start3A_66 = arith.constant 0 : i32
        %dma_start3A_67 = tpu.memref_slice %arg7[%arg1, %dma_start3A_65, %dma_start3A_66] : memref<16x128x16xf32, #tpu.memory_space<hbm>> -> memref<1x96x16xf32, #tpu.memory_space<hbm>>
        %dma_start3A_68 = tpu.memref_squeeze %dma_start3A_67 : memref<1x96x16xf32, #tpu.memory_space<hbm>> -> memref<96x16xf32, #tpu.memory_space<hbm>>
        tpu.enqueue_dma source(%arg12 : memref<96x16xf32, #tpu.memory_space<vmem>>) target(%dma_start3A_68 : memref<96x16xf32, #tpu.memory_space<hbm>>) target_semaphore(%run_scoped3A : memref<!tpu.dma_semaphore, #tpu.memory_space<semaphore_mem>>)
        %dma_wait3A_69 = arith.constant 32 : i32
        %dma_wait3A_70 = arith.constant 0 : i32
        %dma_wait3A_71 = tpu.memref_slice %arg7[%arg1, %dma_wait3A_69, %dma_wait3A_70] : memref<16x128x16xf32, #tpu.memory_space<hbm>> -> memref<1x96x16xf32, #tpu.memory_space<hbm>>
        %dma_wait3A_72 = tpu.memref_squeeze %dma_wait3A_71 : memref<1x96x16xf32, #tpu.memory_space<hbm>> -> memref<96x16xf32, #tpu.memory_space<hbm>>
        %dma_wait3A_73 = arith.constant 32 : i32
        %dma_wait3A_74 = arith.constant 0 : i32
        %dma_wait3A_75 = tpu.memref_slice %arg7[%arg1, %dma_wait3A_73, %dma_wait3A_74] : memref<16x128x16xf32, #tpu.memory_space<hbm>> -> memref<1x96x16xf32, #tpu.memory_space<hbm>>
        %dma_wait3A_76 = tpu.memref_squeeze %dma_wait3A_75 : memref<1x96x16xf32, #tpu.memory_space<hbm>> -> memref<96x16xf32, #tpu.memory_space<hbm>>
        tpu.wait_dma2 semaphore(%run_scoped3A : memref<!tpu.dma_semaphore, #tpu.memory_space<semaphore_mem>>) src(%arg12 : memref<96x16xf32, #tpu.memory_space<vmem>>) dst(%dma_wait3A_76 : memref<96x16xf32, #tpu.memory_space<hbm>>)
        tpu.yield
      }) : () -> ()
      "tpu.region"() ({
        %run_scoped3A = tpu.sem_alloc : memref<!tpu.dma_semaphore, #tpu.memory_space<semaphore_mem>>
        %dma_start3A_61 = arith.constant 32 : i32
        %dma_start3A_62 = tpu.memref_slice %arg6[%arg1, %dma_start3A_61] : memref<16x128xf32, #tpu.memory_space<hbm>> -> memref<1x96xf32, #tpu.memory_space<hbm>>
        %dma_start3A_63 = tpu.memref_squeeze %dma_start3A_62 : memref<1x96xf32, #tpu.memory_space<hbm>> -> memref<96xf32, #tpu.memory_space<hbm>>
        %dma_start3A_64 = arith.constant 32 : i32
        %dma_start3A_65 = tpu.memref_slice %arg6[%arg1, %dma_start3A_64] : memref<16x128xf32, #tpu.memory_space<hbm>> -> memref<1x96xf32, #tpu.memory_space<hbm>>
        %dma_start3A_66 = tpu.memref_squeeze %dma_start3A_65 : memref<1x96xf32, #tpu.memory_space<hbm>> -> memref<96xf32, #tpu.memory_space<hbm>>
        tpu.enqueue_dma source(%arg13 : memref<96xf32, #tpu.memory_space<vmem>>) target(%dma_start3A_66 : memref<96xf32, #tpu.memory_space<hbm>>) target_semaphore(%run_scoped3A : memref<!tpu.dma_semaphore, #tpu.memory_space<semaphore_mem>>)
        %dma_wait3A_67 = arith.constant 32 : i32
        %dma_wait3A_68 = tpu.memref_slice %arg6[%arg1, %dma_wait3A_67] : memref<16x128xf32, #tpu.memory_space<hbm>> -> memref<1x96xf32, #tpu.memory_space<hbm>>
        %dma_wait3A_69 = tpu.memref_squeeze %dma_wait3A_68 : memref<1x96xf32, #tpu.memory_space<hbm>> -> memref<96xf32, #tpu.memory_space<hbm>>
        %dma_wait3A_70 = arith.constant 32 : i32
        %dma_wait3A_71 = tpu.memref_slice %arg6[%arg1, %dma_wait3A_70] : memref<16x128xf32, #tpu.memory_space<hbm>> -> memref<1x96xf32, #tpu.memory_space<hbm>>
        %dma_wait3A_72 = tpu.memref_squeeze %dma_wait3A_71 : memref<1x96xf32, #tpu.memory_space<hbm>> -> memref<96xf32, #tpu.memory_space<hbm>>
        tpu.wait_dma2 semaphore(%run_scoped3A : memref<!tpu.dma_semaphore, #tpu.memory_space<semaphore_mem>>) src(%arg13 : memref<96xf32, #tpu.memory_space<vmem>>) dst(%dma_wait3A_72 : memref<96xf32, #tpu.memory_space<hbm>>)
        tpu.yield
      }) : () -> ()
    } else {
    }
    return
  }
}

module attributes {stable_mosaic.version = 14 : i64} {
  func.func @_stage1_kernel(%arg0: i32, %arg1: memref<1x4x160x128xf32, #tpu.memory_space<vmem>>, %arg2: memref<1x20x5xf32, #tpu.memory_space<vmem>>, %arg3: memref<1x2x160x128xf32, #tpu.memory_space<vmem>>, %arg4: memref<1x160x128xi32, #tpu.memory_space<vmem>>) attributes {dimension_semantics = [#tpu.dimension_semantics<arbitrary>], iteration_bounds = array<i64: 16>, scalar_prefetch = 0 : i64, scratch_operands = 0 : i64, tpu.core_type = #tpu.core_type<tc>, window_params = [{transform_indices = @transform_0, window_bounds = array<i64: 1, 4, 160, 128>}, {transform_indices = @transform_1, window_bounds = array<i64: 1, 20, 5>}, {transform_indices = @transform_2, window_bounds = array<i64: 1, 2, 160, 128>}, {transform_indices = @transform_3, window_bounds = array<i64: 1, 160, 128>}]} {
    %get3A = arith.constant 0 : index
    %get3A_0 = arith.constant 0 : index
    %get3A_1 = arith.constant 0 : index
    %get3A_2 = arith.constant 0 : index
    %get3A_3 = vector.load %arg1[%get3A, %get3A_0, %get3A_1, %get3A_2] : memref<1x4x160x128xf32, #tpu.memory_space<vmem>>, vector<1x1x160x128xf32>
    %get3A_4 = vector.shape_cast %get3A_3 : vector<1x1x160x128xf32> to vector<160x128xf32>
    %get3A_5 = arith.constant 0 : index
    %get3A_6 = arith.constant 1 : index
    %get3A_7 = arith.constant 0 : index
    %get3A_8 = arith.constant 0 : index
    %get3A_9 = vector.load %arg1[%get3A_5, %get3A_6, %get3A_7, %get3A_8] : memref<1x4x160x128xf32, #tpu.memory_space<vmem>>, vector<1x1x160x128xf32>
    %get3A_10 = vector.shape_cast %get3A_9 : vector<1x1x160x128xf32> to vector<160x128xf32>
    %get3A_11 = arith.constant 0 : index
    %get3A_12 = arith.constant 2 : index
    %get3A_13 = arith.constant 0 : index
    %get3A_14 = arith.constant 0 : index
    %get3A_15 = vector.load %arg1[%get3A_11, %get3A_12, %get3A_13, %get3A_14] : memref<1x4x160x128xf32, #tpu.memory_space<vmem>>, vector<1x1x160x128xf32>
    %get3A_16 = vector.shape_cast %get3A_15 : vector<1x1x160x128xf32> to vector<160x128xf32>
    %get3A_17 = arith.constant 0 : index
    %get3A_18 = arith.constant 3 : index
    %get3A_19 = arith.constant 0 : index
    %get3A_20 = arith.constant 0 : index
    %get3A_21 = vector.load %arg1[%get3A_17, %get3A_18, %get3A_19, %get3A_20] : memref<1x4x160x128xf32, #tpu.memory_space<vmem>>, vector<1x1x160x128xf32>
    %get3A_22 = vector.shape_cast %get3A_21 : vector<1x1x160x128xf32> to vector<160x128xf32>
    %sub3A = arith.subf %get3A_16, %get3A_4 : vector<160x128xf32>
    %add3A = arith.constant 1.000000e+00 : f32
    %add3A_23 = vector.broadcast %add3A : f32 to vector<160x128xf32>
    %add3A_24 = arith.addf %sub3A, %add3A_23 : vector<160x128xf32>
    %sub3A_25 = arith.subf %get3A_22, %get3A_10 : vector<160x128xf32>
    %add3A_26 = arith.constant 1.000000e+00 : f32
    %add3A_27 = vector.broadcast %add3A_26 : f32 to vector<160x128xf32>
    %add3A_28 = arith.addf %sub3A_25, %add3A_27 : vector<160x128xf32>
    %mul3A = arith.mulf %add3A_24, %add3A_28 : vector<160x128xf32>
    %broadcast_in_dim3A = arith.constant -1.000000e+00 : f32
    %broadcast_in_dim3A_29 = vector.broadcast %broadcast_in_dim3A : f32 to vector<160x128xf32>
    %broadcast_in_dim3A_30 = arith.constant 0 : i32
    %broadcast_in_dim3A_31 = vector.broadcast %broadcast_in_dim3A_30 : i32 to vector<160x128xi32>
    %get3A_32 = arith.constant 0 : index
    %get3A_33 = arith.constant 0 : index
    %get3A_34 = arith.constant 0 : index
    %get3A_35 = vector.load %arg2[%get3A_32, %get3A_33, %get3A_34] : memref<1x20x5xf32, #tpu.memory_space<vmem>>, vector<1x1x1xf32>
    %get3A_36 = vector.shape_cast %get3A_35 : vector<1x1x1xf32> to vector<1x1xf32>
    %get3A_37 = arith.constant 0 : index
    %get3A_38 = arith.constant 0 : index
    %get3A_39 = arith.constant 1 : index
    %get3A_40 = vector.load %arg2[%get3A_37, %get3A_38, %get3A_39] : memref<1x20x5xf32, #tpu.memory_space<vmem>>, vector<1x1x1xf32>
    %get3A_41 = vector.shape_cast %get3A_40 : vector<1x1x1xf32> to vector<1x1xf32>
    %get3A_42 = arith.constant 0 : index
    %get3A_43 = arith.constant 0 : index
    %get3A_44 = arith.constant 2 : index
    %get3A_45 = vector.load %arg2[%get3A_42, %get3A_43, %get3A_44] : memref<1x20x5xf32, #tpu.memory_space<vmem>>, vector<1x1x1xf32>
    %get3A_46 = vector.shape_cast %get3A_45 : vector<1x1x1xf32> to vector<1x1xf32>
    %get3A_47 = arith.constant 0 : index
    %get3A_48 = arith.constant 0 : index
    %get3A_49 = arith.constant 3 : index
    %get3A_50 = vector.load %arg2[%get3A_47, %get3A_48, %get3A_49] : memref<1x20x5xf32, #tpu.memory_space<vmem>>, vector<1x1x1xf32>
    %get3A_51 = vector.shape_cast %get3A_50 : vector<1x1x1xf32> to vector<1x1xf32>
    %sub3A_52 = arith.subf %get3A_46, %get3A_36 : vector<1x1xf32>
    %add3A_53 = arith.constant 1.000000e+00 : f32
    %add3A_54 = vector.broadcast %add3A_53 : f32 to vector<1x1xf32>
    %add3A_55 = arith.addf %sub3A_52, %add3A_54 : vector<1x1xf32>
    %sub3A_56 = arith.subf %get3A_51, %get3A_41 : vector<1x1xf32>
    %add3A_57 = arith.constant 1.000000e+00 : f32
    %add3A_58 = vector.broadcast %add3A_57 : f32 to vector<1x1xf32>
    %add3A_59 = arith.addf %sub3A_56, %add3A_58 : vector<1x1xf32>
    %mul3A_60 = arith.mulf %add3A_55, %add3A_59 : vector<1x1xf32>
    %abs3A = math.absf %get3A_36 : vector<1x1xf32>
    %abs3A_61 = math.absf %get3A_41 : vector<1x1xf32>
    %add3A_62 = arith.addf %abs3A, %abs3A_61 : vector<1x1xf32>
    %abs3A_63 = math.absf %get3A_46 : vector<1x1xf32>
    %add3A_64 = arith.addf %add3A_62, %abs3A_63 : vector<1x1xf32>
    %abs3A_65 = math.absf %get3A_51 : vector<1x1xf32>
    %add3A_66 = arith.addf %add3A_64, %abs3A_65 : vector<1x1xf32>
    %eq3A = arith.constant 0.000000e+00 : f32
    %eq3A_67 = vector.broadcast %eq3A : f32 to vector<1x1xf32>
    %eq3A_68 = arith.cmpf oeq, %add3A_66, %eq3A_67 : vector<1x1xf32>
    %jit3A = arith.constant 0.000000e+00 : f32
    %jit3A_69 = arith.constant 1.000000e+00 : f32
    %broadcast_in_dim3A_70 = vector.broadcast %jit3A : f32 to vector<1x1xf32>
    %broadcast_in_dim3A_71 = vector.broadcast %jit3A_69 : f32 to vector<1x1xf32>
    %select_n3A = arith.select %eq3A_68, %broadcast_in_dim3A_70, %broadcast_in_dim3A_71 : vector<1x1xi1>, vector<1x1xf32>
    %min3A = vector.broadcast %get3A_46 : vector<1x1xf32> to vector<160x128xf32>
    %min3A_72 = arith.minimumf %get3A_16, %min3A : vector<160x128xf32>
    %max3A = vector.broadcast %get3A_36 : vector<1x1xf32> to vector<160x128xf32>
    %max3A_73 = arith.maximumf %get3A_4, %max3A : vector<160x128xf32>
    %sub3A_74 = arith.subf %min3A_72, %max3A_73 : vector<160x128xf32>
    %add3A_75 = arith.constant 1.000000e+00 : f32
    %add3A_76 = vector.broadcast %add3A_75 : f32 to vector<160x128xf32>
    %add3A_77 = arith.addf %sub3A_74, %add3A_76 : vector<160x128xf32>
    %min3A_78 = vector.broadcast %get3A_51 : vector<1x1xf32> to vector<160x128xf32>
    %min3A_79 = arith.minimumf %get3A_22, %min3A_78 : vector<160x128xf32>
    %max3A_80 = vector.broadcast %get3A_41 : vector<1x1xf32> to vector<160x128xf32>
    %max3A_81 = arith.maximumf %get3A_10, %max3A_80 : vector<160x128xf32>
    %sub3A_82 = arith.subf %min3A_79, %max3A_81 : vector<160x128xf32>
    %add3A_83 = arith.constant 1.000000e+00 : f32
    %add3A_84 = vector.broadcast %add3A_83 : f32 to vector<160x128xf32>
    %add3A_85 = arith.addf %sub3A_82, %add3A_84 : vector<160x128xf32>
    %max3A_86 = arith.constant 0.000000e+00 : f32
    %max3A_87 = vector.broadcast %max3A_86 : f32 to vector<160x128xf32>
    %max3A_88 = arith.maximumf %add3A_77, %max3A_87 : vector<160x128xf32>
    %max3A_89 = arith.constant 0.000000e+00 : f32
    %max3A_90 = vector.broadcast %max3A_89 : f32 to vector<160x128xf32>
    %max3A_91 = arith.maximumf %add3A_85, %max3A_90 : vector<160x128xf32>
    %mul3A_92 = arith.mulf %max3A_88, %max3A_91 : vector<160x128xf32>
    %add3A_93 = vector.broadcast %mul3A_60 : vector<1x1xf32> to vector<160x128xf32>
    %add3A_94 = arith.addf %mul3A, %add3A_93 : vector<160x128xf32>
    %sub3A_95 = arith.subf %add3A_94, %mul3A_92 : vector<160x128xf32>
    %div3A = arith.divf %mul3A_92, %sub3A_95 : vector<160x128xf32>
    %mul3A_96 = vector.broadcast %select_n3A : vector<1x1xf32> to vector<160x128xf32>
    %mul3A_97 = arith.mulf %div3A, %mul3A_96 : vector<160x128xf32>
    %gt3A = arith.cmpf ogt, %mul3A_97, %broadcast_in_dim3A_29 : vector<160x128xf32>
    %jit3A_98 = arith.constant 0 : i32
    %broadcast_in_dim3A_99 = vector.broadcast %jit3A_98 : i32 to vector<160x128xi32>
    %select_n3A_100 = arith.select %gt3A, %broadcast_in_dim3A_99, %broadcast_in_dim3A_31 : vector<160x128xi1>, vector<160x128xi32>
    %max3A_101 = arith.maximumf %broadcast_in_dim3A_29, %mul3A_97 : vector<160x128xf32>
    %get3A_102 = arith.constant 0 : index
    %get3A_103 = arith.constant 1 : index
    %get3A_104 = arith.constant 0 : index
    %get3A_105 = vector.load %arg2[%get3A_102, %get3A_103, %get3A_104] : memref<1x20x5xf32, #tpu.memory_space<vmem>>, vector<1x1x1xf32>
    %get3A_106 = vector.shape_cast %get3A_105 : vector<1x1x1xf32> to vector<1x1xf32>
    %get3A_107 = arith.constant 0 : index
    %get3A_108 = arith.constant 1 : index
    %get3A_109 = arith.constant 1 : index
    %get3A_110 = vector.load %arg2[%get3A_107, %get3A_108, %get3A_109] : memref<1x20x5xf32, #tpu.memory_space<vmem>>, vector<1x1x1xf32>
    %get3A_111 = vector.shape_cast %get3A_110 : vector<1x1x1xf32> to vector<1x1xf32>
    %get3A_112 = arith.constant 0 : index
    %get3A_113 = arith.constant 1 : index
    %get3A_114 = arith.constant 2 : index
    %get3A_115 = vector.load %arg2[%get3A_112, %get3A_113, %get3A_114] : memref<1x20x5xf32, #tpu.memory_space<vmem>>, vector<1x1x1xf32>
    %get3A_116 = vector.shape_cast %get3A_115 : vector<1x1x1xf32> to vector<1x1xf32>
    %get3A_117 = arith.constant 0 : index
    %get3A_118 = arith.constant 1 : index
    %get3A_119 = arith.constant 3 : index
    %get3A_120 = vector.load %arg2[%get3A_117, %get3A_118, %get3A_119] : memref<1x20x5xf32, #tpu.memory_space<vmem>>, vector<1x1x1xf32>
    %get3A_121 = vector.shape_cast %get3A_120 : vector<1x1x1xf32> to vector<1x1xf32>
    %sub3A_122 = arith.subf %get3A_116, %get3A_106 : vector<1x1xf32>
    %add3A_123 = arith.constant 1.000000e+00 : f32
    %add3A_124 = vector.broadcast %add3A_123 : f32 to vector<1x1xf32>
    %add3A_125 = arith.addf %sub3A_122, %add3A_124 : vector<1x1xf32>
    %sub3A_126 = arith.subf %get3A_121, %get3A_111 : vector<1x1xf32>
    %add3A_127 = arith.constant 1.000000e+00 : f32
    %add3A_128 = vector.broadcast %add3A_127 : f32 to vector<1x1xf32>
    %add3A_129 = arith.addf %sub3A_126, %add3A_128 : vector<1x1xf32>
    %mul3A_130 = arith.mulf %add3A_125, %add3A_129 : vector<1x1xf32>
    %abs3A_131 = math.absf %get3A_106 : vector<1x1xf32>
    %abs3A_132 = math.absf %get3A_111 : vector<1x1xf32>
    %add3A_133 = arith.addf %abs3A_131, %abs3A_132 : vector<1x1xf32>
    %abs3A_134 = math.absf %get3A_116 : vector<1x1xf32>
    %add3A_135 = arith.addf %add3A_133, %abs3A_134 : vector<1x1xf32>
    %abs3A_136 = math.absf %get3A_121 : vector<1x1xf32>
    %add3A_137 = arith.addf %add3A_135, %abs3A_136 : vector<1x1xf32>
    %eq3A_138 = arith.constant 0.000000e+00 : f32
    %eq3A_139 = vector.broadcast %eq3A_138 : f32 to vector<1x1xf32>
    %eq3A_140 = arith.cmpf oeq, %add3A_137, %eq3A_139 : vector<1x1xf32>
    %jit3A_141 = arith.constant 0.000000e+00 : f32
    %jit3A_142 = arith.constant 1.000000e+00 : f32
    %broadcast_in_dim3A_143 = vector.broadcast %jit3A_141 : f32 to vector<1x1xf32>
    %broadcast_in_dim3A_144 = vector.broadcast %jit3A_142 : f32 to vector<1x1xf32>
    %select_n3A_145 = arith.select %eq3A_140, %broadcast_in_dim3A_143, %broadcast_in_dim3A_144 : vector<1x1xi1>, vector<1x1xf32>
    %min3A_146 = vector.broadcast %get3A_116 : vector<1x1xf32> to vector<160x128xf32>
    %min3A_147 = arith.minimumf %get3A_16, %min3A_146 : vector<160x128xf32>
    %max3A_148 = vector.broadcast %get3A_106 : vector<1x1xf32> to vector<160x128xf32>
    %max3A_149 = arith.maximumf %get3A_4, %max3A_148 : vector<160x128xf32>
    %sub3A_150 = arith.subf %min3A_147, %max3A_149 : vector<160x128xf32>
    %add3A_151 = arith.constant 1.000000e+00 : f32
    %add3A_152 = vector.broadcast %add3A_151 : f32 to vector<160x128xf32>
    %add3A_153 = arith.addf %sub3A_150, %add3A_152 : vector<160x128xf32>
    %min3A_154 = vector.broadcast %get3A_121 : vector<1x1xf32> to vector<160x128xf32>
    %min3A_155 = arith.minimumf %get3A_22, %min3A_154 : vector<160x128xf32>
    %max3A_156 = vector.broadcast %get3A_111 : vector<1x1xf32> to vector<160x128xf32>
    %max3A_157 = arith.maximumf %get3A_10, %max3A_156 : vector<160x128xf32>
    %sub3A_158 = arith.subf %min3A_155, %max3A_157 : vector<160x128xf32>
    %add3A_159 = arith.constant 1.000000e+00 : f32
    %add3A_160 = vector.broadcast %add3A_159 : f32 to vector<160x128xf32>
    %add3A_161 = arith.addf %sub3A_158, %add3A_160 : vector<160x128xf32>
    %max3A_162 = arith.constant 0.000000e+00 : f32
    %max3A_163 = vector.broadcast %max3A_162 : f32 to vector<160x128xf32>
    %max3A_164 = arith.maximumf %add3A_153, %max3A_163 : vector<160x128xf32>
    %max3A_165 = arith.constant 0.000000e+00 : f32
    %max3A_166 = vector.broadcast %max3A_165 : f32 to vector<160x128xf32>
    %max3A_167 = arith.maximumf %add3A_161, %max3A_166 : vector<160x128xf32>
    %mul3A_168 = arith.mulf %max3A_164, %max3A_167 : vector<160x128xf32>
    %add3A_169 = vector.broadcast %mul3A_130 : vector<1x1xf32> to vector<160x128xf32>
    %add3A_170 = arith.addf %mul3A, %add3A_169 : vector<160x128xf32>
    %sub3A_171 = arith.subf %add3A_170, %mul3A_168 : vector<160x128xf32>
    %div3A_172 = arith.divf %mul3A_168, %sub3A_171 : vector<160x128xf32>
    %mul3A_173 = vector.broadcast %select_n3A_145 : vector<1x1xf32> to vector<160x128xf32>
    %mul3A_174 = arith.mulf %div3A_172, %mul3A_173 : vector<160x128xf32>
    %gt3A_175 = arith.cmpf ogt, %mul3A_174, %max3A_101 : vector<160x128xf32>
    %jit3A_176 = arith.constant 1 : i32
    %broadcast_in_dim3A_177 = vector.broadcast %jit3A_176 : i32 to vector<160x128xi32>
    %select_n3A_178 = arith.select %gt3A_175, %broadcast_in_dim3A_177, %select_n3A_100 : vector<160x128xi1>, vector<160x128xi32>
    %max3A_179 = arith.maximumf %max3A_101, %mul3A_174 : vector<160x128xf32>
    %get3A_180 = arith.constant 0 : index
    %get3A_181 = arith.constant 2 : index
    %get3A_182 = arith.constant 0 : index
    %get3A_183 = vector.load %arg2[%get3A_180, %get3A_181, %get3A_182] : memref<1x20x5xf32, #tpu.memory_space<vmem>>, vector<1x1x1xf32>
    %get3A_184 = vector.shape_cast %get3A_183 : vector<1x1x1xf32> to vector<1x1xf32>
    %get3A_185 = arith.constant 0 : index
    %get3A_186 = arith.constant 2 : index
    %get3A_187 = arith.constant 1 : index
    %get3A_188 = vector.load %arg2[%get3A_185, %get3A_186, %get3A_187] : memref<1x20x5xf32, #tpu.memory_space<vmem>>, vector<1x1x1xf32>
    %get3A_189 = vector.shape_cast %get3A_188 : vector<1x1x1xf32> to vector<1x1xf32>
    %get3A_190 = arith.constant 0 : index
    %get3A_191 = arith.constant 2 : index
    %get3A_192 = arith.constant 2 : index
    %get3A_193 = vector.load %arg2[%get3A_190, %get3A_191, %get3A_192] : memref<1x20x5xf32, #tpu.memory_space<vmem>>, vector<1x1x1xf32>
    %get3A_194 = vector.shape_cast %get3A_193 : vector<1x1x1xf32> to vector<1x1xf32>
    %get3A_195 = arith.constant 0 : index
    %get3A_196 = arith.constant 2 : index
    %get3A_197 = arith.constant 3 : index
    %get3A_198 = vector.load %arg2[%get3A_195, %get3A_196, %get3A_197] : memref<1x20x5xf32, #tpu.memory_space<vmem>>, vector<1x1x1xf32>
    %get3A_199 = vector.shape_cast %get3A_198 : vector<1x1x1xf32> to vector<1x1xf32>
    %sub3A_200 = arith.subf %get3A_194, %get3A_184 : vector<1x1xf32>
    %add3A_201 = arith.constant 1.000000e+00 : f32
    %add3A_202 = vector.broadcast %add3A_201 : f32 to vector<1x1xf32>
    %add3A_203 = arith.addf %sub3A_200, %add3A_202 : vector<1x1xf32>
    %sub3A_204 = arith.subf %get3A_199, %get3A_189 : vector<1x1xf32>
    %add3A_205 = arith.constant 1.000000e+00 : f32
    %add3A_206 = vector.broadcast %add3A_205 : f32 to vector<1x1xf32>
    %add3A_207 = arith.addf %sub3A_204, %add3A_206 : vector<1x1xf32>
    %mul3A_208 = arith.mulf %add3A_203, %add3A_207 : vector<1x1xf32>
    %abs3A_209 = math.absf %get3A_184 : vector<1x1xf32>
    %abs3A_210 = math.absf %get3A_189 : vector<1x1xf32>
    %add3A_211 = arith.addf %abs3A_209, %abs3A_210 : vector<1x1xf32>
    %abs3A_212 = math.absf %get3A_194 : vector<1x1xf32>
    %add3A_213 = arith.addf %add3A_211, %abs3A_212 : vector<1x1xf32>
    %abs3A_214 = math.absf %get3A_199 : vector<1x1xf32>
    %add3A_215 = arith.addf %add3A_213, %abs3A_214 : vector<1x1xf32>
    %eq3A_216 = arith.constant 0.000000e+00 : f32
    %eq3A_217 = vector.broadcast %eq3A_216 : f32 to vector<1x1xf32>
    %eq3A_218 = arith.cmpf oeq, %add3A_215, %eq3A_217 : vector<1x1xf32>
    %jit3A_219 = arith.constant 0.000000e+00 : f32
    %jit3A_220 = arith.constant 1.000000e+00 : f32
    %broadcast_in_dim3A_221 = vector.broadcast %jit3A_219 : f32 to vector<1x1xf32>
    %broadcast_in_dim3A_222 = vector.broadcast %jit3A_220 : f32 to vector<1x1xf32>
    %select_n3A_223 = arith.select %eq3A_218, %broadcast_in_dim3A_221, %broadcast_in_dim3A_222 : vector<1x1xi1>, vector<1x1xf32>
    %min3A_224 = vector.broadcast %get3A_194 : vector<1x1xf32> to vector<160x128xf32>
    %min3A_225 = arith.minimumf %get3A_16, %min3A_224 : vector<160x128xf32>
    %max3A_226 = vector.broadcast %get3A_184 : vector<1x1xf32> to vector<160x128xf32>
    %max3A_227 = arith.maximumf %get3A_4, %max3A_226 : vector<160x128xf32>
    %sub3A_228 = arith.subf %min3A_225, %max3A_227 : vector<160x128xf32>
    %add3A_229 = arith.constant 1.000000e+00 : f32
    %add3A_230 = vector.broadcast %add3A_229 : f32 to vector<160x128xf32>
    %add3A_231 = arith.addf %sub3A_228, %add3A_230 : vector<160x128xf32>
    %min3A_232 = vector.broadcast %get3A_199 : vector<1x1xf32> to vector<160x128xf32>
    %min3A_233 = arith.minimumf %get3A_22, %min3A_232 : vector<160x128xf32>
    %max3A_234 = vector.broadcast %get3A_189 : vector<1x1xf32> to vector<160x128xf32>
    %max3A_235 = arith.maximumf %get3A_10, %max3A_234 : vector<160x128xf32>
    %sub3A_236 = arith.subf %min3A_233, %max3A_235 : vector<160x128xf32>
    %add3A_237 = arith.constant 1.000000e+00 : f32
    %add3A_238 = vector.broadcast %add3A_237 : f32 to vector<160x128xf32>
    %add3A_239 = arith.addf %sub3A_236, %add3A_238 : vector<160x128xf32>
    %max3A_240 = arith.constant 0.000000e+00 : f32
    %max3A_241 = vector.broadcast %max3A_240 : f32 to vector<160x128xf32>
    %max3A_242 = arith.maximumf %add3A_231, %max3A_241 : vector<160x128xf32>
    %max3A_243 = arith.constant 0.000000e+00 : f32
    %max3A_244 = vector.broadcast %max3A_243 : f32 to vector<160x128xf32>
    %max3A_245 = arith.maximumf %add3A_239, %max3A_244 : vector<160x128xf32>
    %mul3A_246 = arith.mulf %max3A_242, %max3A_245 : vector<160x128xf32>
    %add3A_247 = vector.broadcast %mul3A_208 : vector<1x1xf32> to vector<160x128xf32>
    %add3A_248 = arith.addf %mul3A, %add3A_247 : vector<160x128xf32>
    %sub3A_249 = arith.subf %add3A_248, %mul3A_246 : vector<160x128xf32>
    %div3A_250 = arith.divf %mul3A_246, %sub3A_249 : vector<160x128xf32>
    %mul3A_251 = vector.broadcast %select_n3A_223 : vector<1x1xf32> to vector<160x128xf32>
    %mul3A_252 = arith.mulf %div3A_250, %mul3A_251 : vector<160x128xf32>
    %gt3A_253 = arith.cmpf ogt, %mul3A_252, %max3A_179 : vector<160x128xf32>
    %jit3A_254 = arith.constant 2 : i32
    %broadcast_in_dim3A_255 = vector.broadcast %jit3A_254 : i32 to vector<160x128xi32>
    %select_n3A_256 = arith.select %gt3A_253, %broadcast_in_dim3A_255, %select_n3A_178 : vector<160x128xi1>, vector<160x128xi32>
    %max3A_257 = arith.maximumf %max3A_179, %mul3A_252 : vector<160x128xf32>
    %get3A_258 = arith.constant 0 : index
    %get3A_259 = arith.constant 3 : index
    %get3A_260 = arith.constant 0 : index
    %get3A_261 = vector.load %arg2[%get3A_258, %get3A_259, %get3A_260] : memref<1x20x5xf32, #tpu.memory_space<vmem>>, vector<1x1x1xf32>
    %get3A_262 = vector.shape_cast %get3A_261 : vector<1x1x1xf32> to vector<1x1xf32>
    %get3A_263 = arith.constant 0 : index
    %get3A_264 = arith.constant 3 : index
    %get3A_265 = arith.constant 1 : index
    %get3A_266 = vector.load %arg2[%get3A_263, %get3A_264, %get3A_265] : memref<1x20x5xf32, #tpu.memory_space<vmem>>, vector<1x1x1xf32>
    %get3A_267 = vector.shape_cast %get3A_266 : vector<1x1x1xf32> to vector<1x1xf32>
    %get3A_268 = arith.constant 0 : index
    %get3A_269 = arith.constant 3 : index
    %get3A_270 = arith.constant 2 : index
    %get3A_271 = vector.load %arg2[%get3A_268, %get3A_269, %get3A_270] : memref<1x20x5xf32, #tpu.memory_space<vmem>>, vector<1x1x1xf32>
    %get3A_272 = vector.shape_cast %get3A_271 : vector<1x1x1xf32> to vector<1x1xf32>
    %get3A_273 = arith.constant 0 : index
    %get3A_274 = arith.constant 3 : index
    %get3A_275 = arith.constant 3 : index
    %get3A_276 = vector.load %arg2[%get3A_273, %get3A_274, %get3A_275] : memref<1x20x5xf32, #tpu.memory_space<vmem>>, vector<1x1x1xf32>
    %get3A_277 = vector.shape_cast %get3A_276 : vector<1x1x1xf32> to vector<1x1xf32>
    %sub3A_278 = arith.subf %get3A_272, %get3A_262 : vector<1x1xf32>
    %add3A_279 = arith.constant 1.000000e+00 : f32
    %add3A_280 = vector.broadcast %add3A_279 : f32 to vector<1x1xf32>
    %add3A_281 = arith.addf %sub3A_278, %add3A_280 : vector<1x1xf32>
    %sub3A_282 = arith.subf %get3A_277, %get3A_267 : vector<1x1xf32>
    %add3A_283 = arith.constant 1.000000e+00 : f32
    %add3A_284 = vector.broadcast %add3A_283 : f32 to vector<1x1xf32>
    %add3A_285 = arith.addf %sub3A_282, %add3A_284 : vector<1x1xf32>
    %mul3A_286 = arith.mulf %add3A_281, %add3A_285 : vector<1x1xf32>
    %abs3A_287 = math.absf %get3A_262 : vector<1x1xf32>
    %abs3A_288 = math.absf %get3A_267 : vector<1x1xf32>
    %add3A_289 = arith.addf %abs3A_287, %abs3A_288 : vector<1x1xf32>
    %abs3A_290 = math.absf %get3A_272 : vector<1x1xf32>
    %add3A_291 = arith.addf %add3A_289, %abs3A_290 : vector<1x1xf32>
    %abs3A_292 = math.absf %get3A_277 : vector<1x1xf32>
    %add3A_293 = arith.addf %add3A_291, %abs3A_292 : vector<1x1xf32>
    %eq3A_294 = arith.constant 0.000000e+00 : f32
    %eq3A_295 = vector.broadcast %eq3A_294 : f32 to vector<1x1xf32>
    %eq3A_296 = arith.cmpf oeq, %add3A_293, %eq3A_295 : vector<1x1xf32>
    %jit3A_297 = arith.constant 0.000000e+00 : f32
    %jit3A_298 = arith.constant 1.000000e+00 : f32
    %broadcast_in_dim3A_299 = vector.broadcast %jit3A_297 : f32 to vector<1x1xf32>
    %broadcast_in_dim3A_300 = vector.broadcast %jit3A_298 : f32 to vector<1x1xf32>
    %select_n3A_301 = arith.select %eq3A_296, %broadcast_in_dim3A_299, %broadcast_in_dim3A_300 : vector<1x1xi1>, vector<1x1xf32>
    %min3A_302 = vector.broadcast %get3A_272 : vector<1x1xf32> to vector<160x128xf32>
    %min3A_303 = arith.minimumf %get3A_16, %min3A_302 : vector<160x128xf32>
    %max3A_304 = vector.broadcast %get3A_262 : vector<1x1xf32> to vector<160x128xf32>
    %max3A_305 = arith.maximumf %get3A_4, %max3A_304 : vector<160x128xf32>
    %sub3A_306 = arith.subf %min3A_303, %max3A_305 : vector<160x128xf32>
    %add3A_307 = arith.constant 1.000000e+00 : f32
    %add3A_308 = vector.broadcast %add3A_307 : f32 to vector<160x128xf32>
    %add3A_309 = arith.addf %sub3A_306, %add3A_308 : vector<160x128xf32>
    %min3A_310 = vector.broadcast %get3A_277 : vector<1x1xf32> to vector<160x128xf32>
    %min3A_311 = arith.minimumf %get3A_22, %min3A_310 : vector<160x128xf32>
    %max3A_312 = vector.broadcast %get3A_267 : vector<1x1xf32> to vector<160x128xf32>
    %max3A_313 = arith.maximumf %get3A_10, %max3A_312 : vector<160x128xf32>
    %sub3A_314 = arith.subf %min3A_311, %max3A_313 : vector<160x128xf32>
    %add3A_315 = arith.constant 1.000000e+00 : f32
    %add3A_316 = vector.broadcast %add3A_315 : f32 to vector<160x128xf32>
    %add3A_317 = arith.addf %sub3A_314, %add3A_316 : vector<160x128xf32>
    %max3A_318 = arith.constant 0.000000e+00 : f32
    %max3A_319 = vector.broadcast %max3A_318 : f32 to vector<160x128xf32>
    %max3A_320 = arith.maximumf %add3A_309, %max3A_319 : vector<160x128xf32>
    %max3A_321 = arith.constant 0.000000e+00 : f32
    %max3A_322 = vector.broadcast %max3A_321 : f32 to vector<160x128xf32>
    %max3A_323 = arith.maximumf %add3A_317, %max3A_322 : vector<160x128xf32>
    %mul3A_324 = arith.mulf %max3A_320, %max3A_323 : vector<160x128xf32>
    %add3A_325 = vector.broadcast %mul3A_286 : vector<1x1xf32> to vector<160x128xf32>
    %add3A_326 = arith.addf %mul3A, %add3A_325 : vector<160x128xf32>
    %sub3A_327 = arith.subf %add3A_326, %mul3A_324 : vector<160x128xf32>
    %div3A_328 = arith.divf %mul3A_324, %sub3A_327 : vector<160x128xf32>
    %mul3A_329 = vector.broadcast %select_n3A_301 : vector<1x1xf32> to vector<160x128xf32>
    %mul3A_330 = arith.mulf %div3A_328, %mul3A_329 : vector<160x128xf32>
    %gt3A_331 = arith.cmpf ogt, %mul3A_330, %max3A_257 : vector<160x128xf32>
    %jit3A_332 = arith.constant 3 : i32
    %broadcast_in_dim3A_333 = vector.broadcast %jit3A_332 : i32 to vector<160x128xi32>
    %select_n3A_334 = arith.select %gt3A_331, %broadcast_in_dim3A_333, %select_n3A_256 : vector<160x128xi1>, vector<160x128xi32>
    %max3A_335 = arith.maximumf %max3A_257, %mul3A_330 : vector<160x128xf32>
    %get3A_336 = arith.constant 0 : index
    %get3A_337 = arith.constant 4 : index
    %get3A_338 = arith.constant 0 : index
    %get3A_339 = vector.load %arg2[%get3A_336, %get3A_337, %get3A_338] : memref<1x20x5xf32, #tpu.memory_space<vmem>>, vector<1x1x1xf32>
    %get3A_340 = vector.shape_cast %get3A_339 : vector<1x1x1xf32> to vector<1x1xf32>
    %get3A_341 = arith.constant 0 : index
    %get3A_342 = arith.constant 4 : index
    %get3A_343 = arith.constant 1 : index
    %get3A_344 = vector.load %arg2[%get3A_341, %get3A_342, %get3A_343] : memref<1x20x5xf32, #tpu.memory_space<vmem>>, vector<1x1x1xf32>
    %get3A_345 = vector.shape_cast %get3A_344 : vector<1x1x1xf32> to vector<1x1xf32>
    %get3A_346 = arith.constant 0 : index
    %get3A_347 = arith.constant 4 : index
    %get3A_348 = arith.constant 2 : index
    %get3A_349 = vector.load %arg2[%get3A_346, %get3A_347, %get3A_348] : memref<1x20x5xf32, #tpu.memory_space<vmem>>, vector<1x1x1xf32>
    %get3A_350 = vector.shape_cast %get3A_349 : vector<1x1x1xf32> to vector<1x1xf32>
    %get3A_351 = arith.constant 0 : index
    %get3A_352 = arith.constant 4 : index
    %get3A_353 = arith.constant 3 : index
    %get3A_354 = vector.load %arg2[%get3A_351, %get3A_352, %get3A_353] : memref<1x20x5xf32, #tpu.memory_space<vmem>>, vector<1x1x1xf32>
    %get3A_355 = vector.shape_cast %get3A_354 : vector<1x1x1xf32> to vector<1x1xf32>
    %sub3A_356 = arith.subf %get3A_350, %get3A_340 : vector<1x1xf32>
    %add3A_357 = arith.constant 1.000000e+00 : f32
    %add3A_358 = vector.broadcast %add3A_357 : f32 to vector<1x1xf32>
    %add3A_359 = arith.addf %sub3A_356, %add3A_358 : vector<1x1xf32>
    %sub3A_360 = arith.subf %get3A_355, %get3A_345 : vector<1x1xf32>
    %add3A_361 = arith.constant 1.000000e+00 : f32
    %add3A_362 = vector.broadcast %add3A_361 : f32 to vector<1x1xf32>
    %add3A_363 = arith.addf %sub3A_360, %add3A_362 : vector<1x1xf32>
    %mul3A_364 = arith.mulf %add3A_359, %add3A_363 : vector<1x1xf32>
    %abs3A_365 = math.absf %get3A_340 : vector<1x1xf32>
    %abs3A_366 = math.absf %get3A_345 : vector<1x1xf32>
    %add3A_367 = arith.addf %abs3A_365, %abs3A_366 : vector<1x1xf32>
    %abs3A_368 = math.absf %get3A_350 : vector<1x1xf32>
    %add3A_369 = arith.addf %add3A_367, %abs3A_368 : vector<1x1xf32>
    %abs3A_370 = math.absf %get3A_355 : vector<1x1xf32>
    %add3A_371 = arith.addf %add3A_369, %abs3A_370 : vector<1x1xf32>
    %eq3A_372 = arith.constant 0.000000e+00 : f32
    %eq3A_373 = vector.broadcast %eq3A_372 : f32 to vector<1x1xf32>
    %eq3A_374 = arith.cmpf oeq, %add3A_371, %eq3A_373 : vector<1x1xf32>
    %jit3A_375 = arith.constant 0.000000e+00 : f32
    %jit3A_376 = arith.constant 1.000000e+00 : f32
    %broadcast_in_dim3A_377 = vector.broadcast %jit3A_375 : f32 to vector<1x1xf32>
    %broadcast_in_dim3A_378 = vector.broadcast %jit3A_376 : f32 to vector<1x1xf32>
    %select_n3A_379 = arith.select %eq3A_374, %broadcast_in_dim3A_377, %broadcast_in_dim3A_378 : vector<1x1xi1>, vector<1x1xf32>
    %min3A_380 = vector.broadcast %get3A_350 : vector<1x1xf32> to vector<160x128xf32>
    %min3A_381 = arith.minimumf %get3A_16, %min3A_380 : vector<160x128xf32>
    %max3A_382 = vector.broadcast %get3A_340 : vector<1x1xf32> to vector<160x128xf32>
    %max3A_383 = arith.maximumf %get3A_4, %max3A_382 : vector<160x128xf32>
    %sub3A_384 = arith.subf %min3A_381, %max3A_383 : vector<160x128xf32>
    %add3A_385 = arith.constant 1.000000e+00 : f32
    %add3A_386 = vector.broadcast %add3A_385 : f32 to vector<160x128xf32>
    %add3A_387 = arith.addf %sub3A_384, %add3A_386 : vector<160x128xf32>
    %min3A_388 = vector.broadcast %get3A_355 : vector<1x1xf32> to vector<160x128xf32>
    %min3A_389 = arith.minimumf %get3A_22, %min3A_388 : vector<160x128xf32>
    %max3A_390 = vector.broadcast %get3A_345 : vector<1x1xf32> to vector<160x128xf32>
    %max3A_391 = arith.maximumf %get3A_10, %max3A_390 : vector<160x128xf32>
    %sub3A_392 = arith.subf %min3A_389, %max3A_391 : vector<160x128xf32>
    %add3A_393 = arith.constant 1.000000e+00 : f32
    %add3A_394 = vector.broadcast %add3A_393 : f32 to vector<160x128xf32>
    %add3A_395 = arith.addf %sub3A_392, %add3A_394 : vector<160x128xf32>
    %max3A_396 = arith.constant 0.000000e+00 : f32
    %max3A_397 = vector.broadcast %max3A_396 : f32 to vector<160x128xf32>
    %max3A_398 = arith.maximumf %add3A_387, %max3A_397 : vector<160x128xf32>
    %max3A_399 = arith.constant 0.000000e+00 : f32
    %max3A_400 = vector.broadcast %max3A_399 : f32 to vector<160x128xf32>
    %max3A_401 = arith.maximumf %add3A_395, %max3A_400 : vector<160x128xf32>
    %mul3A_402 = arith.mulf %max3A_398, %max3A_401 : vector<160x128xf32>
    %add3A_403 = vector.broadcast %mul3A_364 : vector<1x1xf32> to vector<160x128xf32>
    %add3A_404 = arith.addf %mul3A, %add3A_403 : vector<160x128xf32>
    %sub3A_405 = arith.subf %add3A_404, %mul3A_402 : vector<160x128xf32>
    %div3A_406 = arith.divf %mul3A_402, %sub3A_405 : vector<160x128xf32>
    %mul3A_407 = vector.broadcast %select_n3A_379 : vector<1x1xf32> to vector<160x128xf32>
    %mul3A_408 = arith.mulf %div3A_406, %mul3A_407 : vector<160x128xf32>
    %gt3A_409 = arith.cmpf ogt, %mul3A_408, %max3A_335 : vector<160x128xf32>
    %jit3A_410 = arith.constant 4 : i32
    %broadcast_in_dim3A_411 = vector.broadcast %jit3A_410 : i32 to vector<160x128xi32>
    %select_n3A_412 = arith.select %gt3A_409, %broadcast_in_dim3A_411, %select_n3A_334 : vector<160x128xi1>, vector<160x128xi32>
    %max3A_413 = arith.maximumf %max3A_335, %mul3A_408 : vector<160x128xf32>
    %get3A_414 = arith.constant 0 : index
    %get3A_415 = arith.constant 5 : index
    %get3A_416 = arith.constant 0 : index
    %get3A_417 = vector.load %arg2[%get3A_414, %get3A_415, %get3A_416] : memref<1x20x5xf32, #tpu.memory_space<vmem>>, vector<1x1x1xf32>
    %get3A_418 = vector.shape_cast %get3A_417 : vector<1x1x1xf32> to vector<1x1xf32>
    %get3A_419 = arith.constant 0 : index
    %get3A_420 = arith.constant 5 : index
    %get3A_421 = arith.constant 1 : index
    %get3A_422 = vector.load %arg2[%get3A_419, %get3A_420, %get3A_421] : memref<1x20x5xf32, #tpu.memory_space<vmem>>, vector<1x1x1xf32>
    %get3A_423 = vector.shape_cast %get3A_422 : vector<1x1x1xf32> to vector<1x1xf32>
    %get3A_424 = arith.constant 0 : index
    %get3A_425 = arith.constant 5 : index
    %get3A_426 = arith.constant 2 : index
    %get3A_427 = vector.load %arg2[%get3A_424, %get3A_425, %get3A_426] : memref<1x20x5xf32, #tpu.memory_space<vmem>>, vector<1x1x1xf32>
    %get3A_428 = vector.shape_cast %get3A_427 : vector<1x1x1xf32> to vector<1x1xf32>
    %get3A_429 = arith.constant 0 : index
    %get3A_430 = arith.constant 5 : index
    %get3A_431 = arith.constant 3 : index
    %get3A_432 = vector.load %arg2[%get3A_429, %get3A_430, %get3A_431] : memref<1x20x5xf32, #tpu.memory_space<vmem>>, vector<1x1x1xf32>
    %get3A_433 = vector.shape_cast %get3A_432 : vector<1x1x1xf32> to vector<1x1xf32>
    %sub3A_434 = arith.subf %get3A_428, %get3A_418 : vector<1x1xf32>
    %add3A_435 = arith.constant 1.000000e+00 : f32
    %add3A_436 = vector.broadcast %add3A_435 : f32 to vector<1x1xf32>
    %add3A_437 = arith.addf %sub3A_434, %add3A_436 : vector<1x1xf32>
    %sub3A_438 = arith.subf %get3A_433, %get3A_423 : vector<1x1xf32>
    %add3A_439 = arith.constant 1.000000e+00 : f32
    %add3A_440 = vector.broadcast %add3A_439 : f32 to vector<1x1xf32>
    %add3A_441 = arith.addf %sub3A_438, %add3A_440 : vector<1x1xf32>
    %mul3A_442 = arith.mulf %add3A_437, %add3A_441 : vector<1x1xf32>
    %abs3A_443 = math.absf %get3A_418 : vector<1x1xf32>
    %abs3A_444 = math.absf %get3A_423 : vector<1x1xf32>
    %add3A_445 = arith.addf %abs3A_443, %abs3A_444 : vector<1x1xf32>
    %abs3A_446 = math.absf %get3A_428 : vector<1x1xf32>
    %add3A_447 = arith.addf %add3A_445, %abs3A_446 : vector<1x1xf32>
    %abs3A_448 = math.absf %get3A_433 : vector<1x1xf32>
    %add3A_449 = arith.addf %add3A_447, %abs3A_448 : vector<1x1xf32>
    %eq3A_450 = arith.constant 0.000000e+00 : f32
    %eq3A_451 = vector.broadcast %eq3A_450 : f32 to vector<1x1xf32>
    %eq3A_452 = arith.cmpf oeq, %add3A_449, %eq3A_451 : vector<1x1xf32>
    %jit3A_453 = arith.constant 0.000000e+00 : f32
    %jit3A_454 = arith.constant 1.000000e+00 : f32
    %broadcast_in_dim3A_455 = vector.broadcast %jit3A_453 : f32 to vector<1x1xf32>
    %broadcast_in_dim3A_456 = vector.broadcast %jit3A_454 : f32 to vector<1x1xf32>
    %select_n3A_457 = arith.select %eq3A_452, %broadcast_in_dim3A_455, %broadcast_in_dim3A_456 : vector<1x1xi1>, vector<1x1xf32>
    %min3A_458 = vector.broadcast %get3A_428 : vector<1x1xf32> to vector<160x128xf32>
    %min3A_459 = arith.minimumf %get3A_16, %min3A_458 : vector<160x128xf32>
    %max3A_460 = vector.broadcast %get3A_418 : vector<1x1xf32> to vector<160x128xf32>
    %max3A_461 = arith.maximumf %get3A_4, %max3A_460 : vector<160x128xf32>
    %sub3A_462 = arith.subf %min3A_459, %max3A_461 : vector<160x128xf32>
    %add3A_463 = arith.constant 1.000000e+00 : f32
    %add3A_464 = vector.broadcast %add3A_463 : f32 to vector<160x128xf32>
    %add3A_465 = arith.addf %sub3A_462, %add3A_464 : vector<160x128xf32>
    %min3A_466 = vector.broadcast %get3A_433 : vector<1x1xf32> to vector<160x128xf32>
    %min3A_467 = arith.minimumf %get3A_22, %min3A_466 : vector<160x128xf32>
    %max3A_468 = vector.broadcast %get3A_423 : vector<1x1xf32> to vector<160x128xf32>
    %max3A_469 = arith.maximumf %get3A_10, %max3A_468 : vector<160x128xf32>
    %sub3A_470 = arith.subf %min3A_467, %max3A_469 : vector<160x128xf32>
    %add3A_471 = arith.constant 1.000000e+00 : f32
    %add3A_472 = vector.broadcast %add3A_471 : f32 to vector<160x128xf32>
    %add3A_473 = arith.addf %sub3A_470, %add3A_472 : vector<160x128xf32>
    %max3A_474 = arith.constant 0.000000e+00 : f32
    %max3A_475 = vector.broadcast %max3A_474 : f32 to vector<160x128xf32>
    %max3A_476 = arith.maximumf %add3A_465, %max3A_475 : vector<160x128xf32>
    %max3A_477 = arith.constant 0.000000e+00 : f32
    %max3A_478 = vector.broadcast %max3A_477 : f32 to vector<160x128xf32>
    %max3A_479 = arith.maximumf %add3A_473, %max3A_478 : vector<160x128xf32>
    %mul3A_480 = arith.mulf %max3A_476, %max3A_479 : vector<160x128xf32>
    %add3A_481 = vector.broadcast %mul3A_442 : vector<1x1xf32> to vector<160x128xf32>
    %add3A_482 = arith.addf %mul3A, %add3A_481 : vector<160x128xf32>
    %sub3A_483 = arith.subf %add3A_482, %mul3A_480 : vector<160x128xf32>
    %div3A_484 = arith.divf %mul3A_480, %sub3A_483 : vector<160x128xf32>
    %mul3A_485 = vector.broadcast %select_n3A_457 : vector<1x1xf32> to vector<160x128xf32>
    %mul3A_486 = arith.mulf %div3A_484, %mul3A_485 : vector<160x128xf32>
    %gt3A_487 = arith.cmpf ogt, %mul3A_486, %max3A_413 : vector<160x128xf32>
    %jit3A_488 = arith.constant 5 : i32
    %broadcast_in_dim3A_489 = vector.broadcast %jit3A_488 : i32 to vector<160x128xi32>
    %select_n3A_490 = arith.select %gt3A_487, %broadcast_in_dim3A_489, %select_n3A_412 : vector<160x128xi1>, vector<160x128xi32>
    %max3A_491 = arith.maximumf %max3A_413, %mul3A_486 : vector<160x128xf32>
    %get3A_492 = arith.constant 0 : index
    %get3A_493 = arith.constant 6 : index
    %get3A_494 = arith.constant 0 : index
    %get3A_495 = vector.load %arg2[%get3A_492, %get3A_493, %get3A_494] : memref<1x20x5xf32, #tpu.memory_space<vmem>>, vector<1x1x1xf32>
    %get3A_496 = vector.shape_cast %get3A_495 : vector<1x1x1xf32> to vector<1x1xf32>
    %get3A_497 = arith.constant 0 : index
    %get3A_498 = arith.constant 6 : index
    %get3A_499 = arith.constant 1 : index
    %get3A_500 = vector.load %arg2[%get3A_497, %get3A_498, %get3A_499] : memref<1x20x5xf32, #tpu.memory_space<vmem>>, vector<1x1x1xf32>
    %get3A_501 = vector.shape_cast %get3A_500 : vector<1x1x1xf32> to vector<1x1xf32>
    %get3A_502 = arith.constant 0 : index
    %get3A_503 = arith.constant 6 : index
    %get3A_504 = arith.constant 2 : index
    %get3A_505 = vector.load %arg2[%get3A_502, %get3A_503, %get3A_504] : memref<1x20x5xf32, #tpu.memory_space<vmem>>, vector<1x1x1xf32>
    %get3A_506 = vector.shape_cast %get3A_505 : vector<1x1x1xf32> to vector<1x1xf32>
    %get3A_507 = arith.constant 0 : index
    %get3A_508 = arith.constant 6 : index
    %get3A_509 = arith.constant 3 : index
    %get3A_510 = vector.load %arg2[%get3A_507, %get3A_508, %get3A_509] : memref<1x20x5xf32, #tpu.memory_space<vmem>>, vector<1x1x1xf32>
    %get3A_511 = vector.shape_cast %get3A_510 : vector<1x1x1xf32> to vector<1x1xf32>
    %sub3A_512 = arith.subf %get3A_506, %get3A_496 : vector<1x1xf32>
    %add3A_513 = arith.constant 1.000000e+00 : f32
    %add3A_514 = vector.broadcast %add3A_513 : f32 to vector<1x1xf32>
    %add3A_515 = arith.addf %sub3A_512, %add3A_514 : vector<1x1xf32>
    %sub3A_516 = arith.subf %get3A_511, %get3A_501 : vector<1x1xf32>
    %add3A_517 = arith.constant 1.000000e+00 : f32
    %add3A_518 = vector.broadcast %add3A_517 : f32 to vector<1x1xf32>
    %add3A_519 = arith.addf %sub3A_516, %add3A_518 : vector<1x1xf32>
    %mul3A_520 = arith.mulf %add3A_515, %add3A_519 : vector<1x1xf32>
    %abs3A_521 = math.absf %get3A_496 : vector<1x1xf32>
    %abs3A_522 = math.absf %get3A_501 : vector<1x1xf32>
    %add3A_523 = arith.addf %abs3A_521, %abs3A_522 : vector<1x1xf32>
    %abs3A_524 = math.absf %get3A_506 : vector<1x1xf32>
    %add3A_525 = arith.addf %add3A_523, %abs3A_524 : vector<1x1xf32>
    %abs3A_526 = math.absf %get3A_511 : vector<1x1xf32>
    %add3A_527 = arith.addf %add3A_525, %abs3A_526 : vector<1x1xf32>
    %eq3A_528 = arith.constant 0.000000e+00 : f32
    %eq3A_529 = vector.broadcast %eq3A_528 : f32 to vector<1x1xf32>
    %eq3A_530 = arith.cmpf oeq, %add3A_527, %eq3A_529 : vector<1x1xf32>
    %jit3A_531 = arith.constant 0.000000e+00 : f32
    %jit3A_532 = arith.constant 1.000000e+00 : f32
    %broadcast_in_dim3A_533 = vector.broadcast %jit3A_531 : f32 to vector<1x1xf32>
    %broadcast_in_dim3A_534 = vector.broadcast %jit3A_532 : f32 to vector<1x1xf32>
    %select_n3A_535 = arith.select %eq3A_530, %broadcast_in_dim3A_533, %broadcast_in_dim3A_534 : vector<1x1xi1>, vector<1x1xf32>
    %min3A_536 = vector.broadcast %get3A_506 : vector<1x1xf32> to vector<160x128xf32>
    %min3A_537 = arith.minimumf %get3A_16, %min3A_536 : vector<160x128xf32>
    %max3A_538 = vector.broadcast %get3A_496 : vector<1x1xf32> to vector<160x128xf32>
    %max3A_539 = arith.maximumf %get3A_4, %max3A_538 : vector<160x128xf32>
    %sub3A_540 = arith.subf %min3A_537, %max3A_539 : vector<160x128xf32>
    %add3A_541 = arith.constant 1.000000e+00 : f32
    %add3A_542 = vector.broadcast %add3A_541 : f32 to vector<160x128xf32>
    %add3A_543 = arith.addf %sub3A_540, %add3A_542 : vector<160x128xf32>
    %min3A_544 = vector.broadcast %get3A_511 : vector<1x1xf32> to vector<160x128xf32>
    %min3A_545 = arith.minimumf %get3A_22, %min3A_544 : vector<160x128xf32>
    %max3A_546 = vector.broadcast %get3A_501 : vector<1x1xf32> to vector<160x128xf32>
    %max3A_547 = arith.maximumf %get3A_10, %max3A_546 : vector<160x128xf32>
    %sub3A_548 = arith.subf %min3A_545, %max3A_547 : vector<160x128xf32>
    %add3A_549 = arith.constant 1.000000e+00 : f32
    %add3A_550 = vector.broadcast %add3A_549 : f32 to vector<160x128xf32>
    %add3A_551 = arith.addf %sub3A_548, %add3A_550 : vector<160x128xf32>
    %max3A_552 = arith.constant 0.000000e+00 : f32
    %max3A_553 = vector.broadcast %max3A_552 : f32 to vector<160x128xf32>
    %max3A_554 = arith.maximumf %add3A_543, %max3A_553 : vector<160x128xf32>
    %max3A_555 = arith.constant 0.000000e+00 : f32
    %max3A_556 = vector.broadcast %max3A_555 : f32 to vector<160x128xf32>
    %max3A_557 = arith.maximumf %add3A_551, %max3A_556 : vector<160x128xf32>
    %mul3A_558 = arith.mulf %max3A_554, %max3A_557 : vector<160x128xf32>
    %add3A_559 = vector.broadcast %mul3A_520 : vector<1x1xf32> to vector<160x128xf32>
    %add3A_560 = arith.addf %mul3A, %add3A_559 : vector<160x128xf32>
    %sub3A_561 = arith.subf %add3A_560, %mul3A_558 : vector<160x128xf32>
    %div3A_562 = arith.divf %mul3A_558, %sub3A_561 : vector<160x128xf32>
    %mul3A_563 = vector.broadcast %select_n3A_535 : vector<1x1xf32> to vector<160x128xf32>
    %mul3A_564 = arith.mulf %div3A_562, %mul3A_563 : vector<160x128xf32>
    %gt3A_565 = arith.cmpf ogt, %mul3A_564, %max3A_491 : vector<160x128xf32>
    %jit3A_566 = arith.constant 6 : i32
    %broadcast_in_dim3A_567 = vector.broadcast %jit3A_566 : i32 to vector<160x128xi32>
    %select_n3A_568 = arith.select %gt3A_565, %broadcast_in_dim3A_567, %select_n3A_490 : vector<160x128xi1>, vector<160x128xi32>
    %max3A_569 = arith.maximumf %max3A_491, %mul3A_564 : vector<160x128xf32>
    %get3A_570 = arith.constant 0 : index
    %get3A_571 = arith.constant 7 : index
    %get3A_572 = arith.constant 0 : index
    %get3A_573 = vector.load %arg2[%get3A_570, %get3A_571, %get3A_572] : memref<1x20x5xf32, #tpu.memory_space<vmem>>, vector<1x1x1xf32>
    %get3A_574 = vector.shape_cast %get3A_573 : vector<1x1x1xf32> to vector<1x1xf32>
    %get3A_575 = arith.constant 0 : index
    %get3A_576 = arith.constant 7 : index
    %get3A_577 = arith.constant 1 : index
    %get3A_578 = vector.load %arg2[%get3A_575, %get3A_576, %get3A_577] : memref<1x20x5xf32, #tpu.memory_space<vmem>>, vector<1x1x1xf32>
    %get3A_579 = vector.shape_cast %get3A_578 : vector<1x1x1xf32> to vector<1x1xf32>
    %get3A_580 = arith.constant 0 : index
    %get3A_581 = arith.constant 7 : index
    %get3A_582 = arith.constant 2 : index
    %get3A_583 = vector.load %arg2[%get3A_580, %get3A_581, %get3A_582] : memref<1x20x5xf32, #tpu.memory_space<vmem>>, vector<1x1x1xf32>
    %get3A_584 = vector.shape_cast %get3A_583 : vector<1x1x1xf32> to vector<1x1xf32>
    %get3A_585 = arith.constant 0 : index
    %get3A_586 = arith.constant 7 : index
    %get3A_587 = arith.constant 3 : index
    %get3A_588 = vector.load %arg2[%get3A_585, %get3A_586, %get3A_587] : memref<1x20x5xf32, #tpu.memory_space<vmem>>, vector<1x1x1xf32>
    %get3A_589 = vector.shape_cast %get3A_588 : vector<1x1x1xf32> to vector<1x1xf32>
    %sub3A_590 = arith.subf %get3A_584, %get3A_574 : vector<1x1xf32>
    %add3A_591 = arith.constant 1.000000e+00 : f32
    %add3A_592 = vector.broadcast %add3A_591 : f32 to vector<1x1xf32>
    %add3A_593 = arith.addf %sub3A_590, %add3A_592 : vector<1x1xf32>
    %sub3A_594 = arith.subf %get3A_589, %get3A_579 : vector<1x1xf32>
    %add3A_595 = arith.constant 1.000000e+00 : f32
    %add3A_596 = vector.broadcast %add3A_595 : f32 to vector<1x1xf32>
    %add3A_597 = arith.addf %sub3A_594, %add3A_596 : vector<1x1xf32>
    %mul3A_598 = arith.mulf %add3A_593, %add3A_597 : vector<1x1xf32>
    %abs3A_599 = math.absf %get3A_574 : vector<1x1xf32>
    %abs3A_600 = math.absf %get3A_579 : vector<1x1xf32>
    %add3A_601 = arith.addf %abs3A_599, %abs3A_600 : vector<1x1xf32>
    %abs3A_602 = math.absf %get3A_584 : vector<1x1xf32>
    %add3A_603 = arith.addf %add3A_601, %abs3A_602 : vector<1x1xf32>
    %abs3A_604 = math.absf %get3A_589 : vector<1x1xf32>
    %add3A_605 = arith.addf %add3A_603, %abs3A_604 : vector<1x1xf32>
    %eq3A_606 = arith.constant 0.000000e+00 : f32
    %eq3A_607 = vector.broadcast %eq3A_606 : f32 to vector<1x1xf32>
    %eq3A_608 = arith.cmpf oeq, %add3A_605, %eq3A_607 : vector<1x1xf32>
    %jit3A_609 = arith.constant 0.000000e+00 : f32
    %jit3A_610 = arith.constant 1.000000e+00 : f32
    %broadcast_in_dim3A_611 = vector.broadcast %jit3A_609 : f32 to vector<1x1xf32>
    %broadcast_in_dim3A_612 = vector.broadcast %jit3A_610 : f32 to vector<1x1xf32>
    %select_n3A_613 = arith.select %eq3A_608, %broadcast_in_dim3A_611, %broadcast_in_dim3A_612 : vector<1x1xi1>, vector<1x1xf32>
    %min3A_614 = vector.broadcast %get3A_584 : vector<1x1xf32> to vector<160x128xf32>
    %min3A_615 = arith.minimumf %get3A_16, %min3A_614 : vector<160x128xf32>
    %max3A_616 = vector.broadcast %get3A_574 : vector<1x1xf32> to vector<160x128xf32>
    %max3A_617 = arith.maximumf %get3A_4, %max3A_616 : vector<160x128xf32>
    %sub3A_618 = arith.subf %min3A_615, %max3A_617 : vector<160x128xf32>
    %add3A_619 = arith.constant 1.000000e+00 : f32
    %add3A_620 = vector.broadcast %add3A_619 : f32 to vector<160x128xf32>
    %add3A_621 = arith.addf %sub3A_618, %add3A_620 : vector<160x128xf32>
    %min3A_622 = vector.broadcast %get3A_589 : vector<1x1xf32> to vector<160x128xf32>
    %min3A_623 = arith.minimumf %get3A_22, %min3A_622 : vector<160x128xf32>
    %max3A_624 = vector.broadcast %get3A_579 : vector<1x1xf32> to vector<160x128xf32>
    %max3A_625 = arith.maximumf %get3A_10, %max3A_624 : vector<160x128xf32>
    %sub3A_626 = arith.subf %min3A_623, %max3A_625 : vector<160x128xf32>
    %add3A_627 = arith.constant 1.000000e+00 : f32
    %add3A_628 = vector.broadcast %add3A_627 : f32 to vector<160x128xf32>
    %add3A_629 = arith.addf %sub3A_626, %add3A_628 : vector<160x128xf32>
    %max3A_630 = arith.constant 0.000000e+00 : f32
    %max3A_631 = vector.broadcast %max3A_630 : f32 to vector<160x128xf32>
    %max3A_632 = arith.maximumf %add3A_621, %max3A_631 : vector<160x128xf32>
    %max3A_633 = arith.constant 0.000000e+00 : f32
    %max3A_634 = vector.broadcast %max3A_633 : f32 to vector<160x128xf32>
    %max3A_635 = arith.maximumf %add3A_629, %max3A_634 : vector<160x128xf32>
    %mul3A_636 = arith.mulf %max3A_632, %max3A_635 : vector<160x128xf32>
    %add3A_637 = vector.broadcast %mul3A_598 : vector<1x1xf32> to vector<160x128xf32>
    %add3A_638 = arith.addf %mul3A, %add3A_637 : vector<160x128xf32>
    %sub3A_639 = arith.subf %add3A_638, %mul3A_636 : vector<160x128xf32>
    %div3A_640 = arith.divf %mul3A_636, %sub3A_639 : vector<160x128xf32>
    %mul3A_641 = vector.broadcast %select_n3A_613 : vector<1x1xf32> to vector<160x128xf32>
    %mul3A_642 = arith.mulf %div3A_640, %mul3A_641 : vector<160x128xf32>
    %gt3A_643 = arith.cmpf ogt, %mul3A_642, %max3A_569 : vector<160x128xf32>
    %jit3A_644 = arith.constant 7 : i32
    %broadcast_in_dim3A_645 = vector.broadcast %jit3A_644 : i32 to vector<160x128xi32>
    %select_n3A_646 = arith.select %gt3A_643, %broadcast_in_dim3A_645, %select_n3A_568 : vector<160x128xi1>, vector<160x128xi32>
    %max3A_647 = arith.maximumf %max3A_569, %mul3A_642 : vector<160x128xf32>
    %get3A_648 = arith.constant 0 : index
    %get3A_649 = arith.constant 8 : index
    %get3A_650 = arith.constant 0 : index
    %get3A_651 = vector.load %arg2[%get3A_648, %get3A_649, %get3A_650] : memref<1x20x5xf32, #tpu.memory_space<vmem>>, vector<1x1x1xf32>
    %get3A_652 = vector.shape_cast %get3A_651 : vector<1x1x1xf32> to vector<1x1xf32>
    %get3A_653 = arith.constant 0 : index
    %get3A_654 = arith.constant 8 : index
    %get3A_655 = arith.constant 1 : index
    %get3A_656 = vector.load %arg2[%get3A_653, %get3A_654, %get3A_655] : memref<1x20x5xf32, #tpu.memory_space<vmem>>, vector<1x1x1xf32>
    %get3A_657 = vector.shape_cast %get3A_656 : vector<1x1x1xf32> to vector<1x1xf32>
    %get3A_658 = arith.constant 0 : index
    %get3A_659 = arith.constant 8 : index
    %get3A_660 = arith.constant 2 : index
    %get3A_661 = vector.load %arg2[%get3A_658, %get3A_659, %get3A_660] : memref<1x20x5xf32, #tpu.memory_space<vmem>>, vector<1x1x1xf32>
    %get3A_662 = vector.shape_cast %get3A_661 : vector<1x1x1xf32> to vector<1x1xf32>
    %get3A_663 = arith.constant 0 : index
    %get3A_664 = arith.constant 8 : index
    %get3A_665 = arith.constant 3 : index
    %get3A_666 = vector.load %arg2[%get3A_663, %get3A_664, %get3A_665] : memref<1x20x5xf32, #tpu.memory_space<vmem>>, vector<1x1x1xf32>
    %get3A_667 = vector.shape_cast %get3A_666 : vector<1x1x1xf32> to vector<1x1xf32>
    %sub3A_668 = arith.subf %get3A_662, %get3A_652 : vector<1x1xf32>
    %add3A_669 = arith.constant 1.000000e+00 : f32
    %add3A_670 = vector.broadcast %add3A_669 : f32 to vector<1x1xf32>
    %add3A_671 = arith.addf %sub3A_668, %add3A_670 : vector<1x1xf32>
    %sub3A_672 = arith.subf %get3A_667, %get3A_657 : vector<1x1xf32>
    %add3A_673 = arith.constant 1.000000e+00 : f32
    %add3A_674 = vector.broadcast %add3A_673 : f32 to vector<1x1xf32>
    %add3A_675 = arith.addf %sub3A_672, %add3A_674 : vector<1x1xf32>
    %mul3A_676 = arith.mulf %add3A_671, %add3A_675 : vector<1x1xf32>
    %abs3A_677 = math.absf %get3A_652 : vector<1x1xf32>
    %abs3A_678 = math.absf %get3A_657 : vector<1x1xf32>
    %add3A_679 = arith.addf %abs3A_677, %abs3A_678 : vector<1x1xf32>
    %abs3A_680 = math.absf %get3A_662 : vector<1x1xf32>
    %add3A_681 = arith.addf %add3A_679, %abs3A_680 : vector<1x1xf32>
    %abs3A_682 = math.absf %get3A_667 : vector<1x1xf32>
    %add3A_683 = arith.addf %add3A_681, %abs3A_682 : vector<1x1xf32>
    %eq3A_684 = arith.constant 0.000000e+00 : f32
    %eq3A_685 = vector.broadcast %eq3A_684 : f32 to vector<1x1xf32>
    %eq3A_686 = arith.cmpf oeq, %add3A_683, %eq3A_685 : vector<1x1xf32>
    %jit3A_687 = arith.constant 0.000000e+00 : f32
    %jit3A_688 = arith.constant 1.000000e+00 : f32
    %broadcast_in_dim3A_689 = vector.broadcast %jit3A_687 : f32 to vector<1x1xf32>
    %broadcast_in_dim3A_690 = vector.broadcast %jit3A_688 : f32 to vector<1x1xf32>
    %select_n3A_691 = arith.select %eq3A_686, %broadcast_in_dim3A_689, %broadcast_in_dim3A_690 : vector<1x1xi1>, vector<1x1xf32>
    %min3A_692 = vector.broadcast %get3A_662 : vector<1x1xf32> to vector<160x128xf32>
    %min3A_693 = arith.minimumf %get3A_16, %min3A_692 : vector<160x128xf32>
    %max3A_694 = vector.broadcast %get3A_652 : vector<1x1xf32> to vector<160x128xf32>
    %max3A_695 = arith.maximumf %get3A_4, %max3A_694 : vector<160x128xf32>
    %sub3A_696 = arith.subf %min3A_693, %max3A_695 : vector<160x128xf32>
    %add3A_697 = arith.constant 1.000000e+00 : f32
    %add3A_698 = vector.broadcast %add3A_697 : f32 to vector<160x128xf32>
    %add3A_699 = arith.addf %sub3A_696, %add3A_698 : vector<160x128xf32>
    %min3A_700 = vector.broadcast %get3A_667 : vector<1x1xf32> to vector<160x128xf32>
    %min3A_701 = arith.minimumf %get3A_22, %min3A_700 : vector<160x128xf32>
    %max3A_702 = vector.broadcast %get3A_657 : vector<1x1xf32> to vector<160x128xf32>
    %max3A_703 = arith.maximumf %get3A_10, %max3A_702 : vector<160x128xf32>
    %sub3A_704 = arith.subf %min3A_701, %max3A_703 : vector<160x128xf32>
    %add3A_705 = arith.constant 1.000000e+00 : f32
    %add3A_706 = vector.broadcast %add3A_705 : f32 to vector<160x128xf32>
    %add3A_707 = arith.addf %sub3A_704, %add3A_706 : vector<160x128xf32>
    %max3A_708 = arith.constant 0.000000e+00 : f32
    %max3A_709 = vector.broadcast %max3A_708 : f32 to vector<160x128xf32>
    %max3A_710 = arith.maximumf %add3A_699, %max3A_709 : vector<160x128xf32>
    %max3A_711 = arith.constant 0.000000e+00 : f32
    %max3A_712 = vector.broadcast %max3A_711 : f32 to vector<160x128xf32>
    %max3A_713 = arith.maximumf %add3A_707, %max3A_712 : vector<160x128xf32>
    %mul3A_714 = arith.mulf %max3A_710, %max3A_713 : vector<160x128xf32>
    %add3A_715 = vector.broadcast %mul3A_676 : vector<1x1xf32> to vector<160x128xf32>
    %add3A_716 = arith.addf %mul3A, %add3A_715 : vector<160x128xf32>
    %sub3A_717 = arith.subf %add3A_716, %mul3A_714 : vector<160x128xf32>
    %div3A_718 = arith.divf %mul3A_714, %sub3A_717 : vector<160x128xf32>
    %mul3A_719 = vector.broadcast %select_n3A_691 : vector<1x1xf32> to vector<160x128xf32>
    %mul3A_720 = arith.mulf %div3A_718, %mul3A_719 : vector<160x128xf32>
    %gt3A_721 = arith.cmpf ogt, %mul3A_720, %max3A_647 : vector<160x128xf32>
    %jit3A_722 = arith.constant 8 : i32
    %broadcast_in_dim3A_723 = vector.broadcast %jit3A_722 : i32 to vector<160x128xi32>
    %select_n3A_724 = arith.select %gt3A_721, %broadcast_in_dim3A_723, %select_n3A_646 : vector<160x128xi1>, vector<160x128xi32>
    %max3A_725 = arith.maximumf %max3A_647, %mul3A_720 : vector<160x128xf32>
    %get3A_726 = arith.constant 0 : index
    %get3A_727 = arith.constant 9 : index
    %get3A_728 = arith.constant 0 : index
    %get3A_729 = vector.load %arg2[%get3A_726, %get3A_727, %get3A_728] : memref<1x20x5xf32, #tpu.memory_space<vmem>>, vector<1x1x1xf32>
    %get3A_730 = vector.shape_cast %get3A_729 : vector<1x1x1xf32> to vector<1x1xf32>
    %get3A_731 = arith.constant 0 : index
    %get3A_732 = arith.constant 9 : index
    %get3A_733 = arith.constant 1 : index
    %get3A_734 = vector.load %arg2[%get3A_731, %get3A_732, %get3A_733] : memref<1x20x5xf32, #tpu.memory_space<vmem>>, vector<1x1x1xf32>
    %get3A_735 = vector.shape_cast %get3A_734 : vector<1x1x1xf32> to vector<1x1xf32>
    %get3A_736 = arith.constant 0 : index
    %get3A_737 = arith.constant 9 : index
    %get3A_738 = arith.constant 2 : index
    %get3A_739 = vector.load %arg2[%get3A_736, %get3A_737, %get3A_738] : memref<1x20x5xf32, #tpu.memory_space<vmem>>, vector<1x1x1xf32>
    %get3A_740 = vector.shape_cast %get3A_739 : vector<1x1x1xf32> to vector<1x1xf32>
    %get3A_741 = arith.constant 0 : index
    %get3A_742 = arith.constant 9 : index
    %get3A_743 = arith.constant 3 : index
    %get3A_744 = vector.load %arg2[%get3A_741, %get3A_742, %get3A_743] : memref<1x20x5xf32, #tpu.memory_space<vmem>>, vector<1x1x1xf32>
    %get3A_745 = vector.shape_cast %get3A_744 : vector<1x1x1xf32> to vector<1x1xf32>
    %sub3A_746 = arith.subf %get3A_740, %get3A_730 : vector<1x1xf32>
    %add3A_747 = arith.constant 1.000000e+00 : f32
    %add3A_748 = vector.broadcast %add3A_747 : f32 to vector<1x1xf32>
    %add3A_749 = arith.addf %sub3A_746, %add3A_748 : vector<1x1xf32>
    %sub3A_750 = arith.subf %get3A_745, %get3A_735 : vector<1x1xf32>
    %add3A_751 = arith.constant 1.000000e+00 : f32
    %add3A_752 = vector.broadcast %add3A_751 : f32 to vector<1x1xf32>
    %add3A_753 = arith.addf %sub3A_750, %add3A_752 : vector<1x1xf32>
    %mul3A_754 = arith.mulf %add3A_749, %add3A_753 : vector<1x1xf32>
    %abs3A_755 = math.absf %get3A_730 : vector<1x1xf32>
    %abs3A_756 = math.absf %get3A_735 : vector<1x1xf32>
    %add3A_757 = arith.addf %abs3A_755, %abs3A_756 : vector<1x1xf32>
    %abs3A_758 = math.absf %get3A_740 : vector<1x1xf32>
    %add3A_759 = arith.addf %add3A_757, %abs3A_758 : vector<1x1xf32>
    %abs3A_760 = math.absf %get3A_745 : vector<1x1xf32>
    %add3A_761 = arith.addf %add3A_759, %abs3A_760 : vector<1x1xf32>
    %eq3A_762 = arith.constant 0.000000e+00 : f32
    %eq3A_763 = vector.broadcast %eq3A_762 : f32 to vector<1x1xf32>
    %eq3A_764 = arith.cmpf oeq, %add3A_761, %eq3A_763 : vector<1x1xf32>
    %jit3A_765 = arith.constant 0.000000e+00 : f32
    %jit3A_766 = arith.constant 1.000000e+00 : f32
    %broadcast_in_dim3A_767 = vector.broadcast %jit3A_765 : f32 to vector<1x1xf32>
    %broadcast_in_dim3A_768 = vector.broadcast %jit3A_766 : f32 to vector<1x1xf32>
    %select_n3A_769 = arith.select %eq3A_764, %broadcast_in_dim3A_767, %broadcast_in_dim3A_768 : vector<1x1xi1>, vector<1x1xf32>
    %min3A_770 = vector.broadcast %get3A_740 : vector<1x1xf32> to vector<160x128xf32>
    %min3A_771 = arith.minimumf %get3A_16, %min3A_770 : vector<160x128xf32>
    %max3A_772 = vector.broadcast %get3A_730 : vector<1x1xf32> to vector<160x128xf32>
    %max3A_773 = arith.maximumf %get3A_4, %max3A_772 : vector<160x128xf32>
    %sub3A_774 = arith.subf %min3A_771, %max3A_773 : vector<160x128xf32>
    %add3A_775 = arith.constant 1.000000e+00 : f32
    %add3A_776 = vector.broadcast %add3A_775 : f32 to vector<160x128xf32>
    %add3A_777 = arith.addf %sub3A_774, %add3A_776 : vector<160x128xf32>
    %min3A_778 = vector.broadcast %get3A_745 : vector<1x1xf32> to vector<160x128xf32>
    %min3A_779 = arith.minimumf %get3A_22, %min3A_778 : vector<160x128xf32>
    %max3A_780 = vector.broadcast %get3A_735 : vector<1x1xf32> to vector<160x128xf32>
    %max3A_781 = arith.maximumf %get3A_10, %max3A_780 : vector<160x128xf32>
    %sub3A_782 = arith.subf %min3A_779, %max3A_781 : vector<160x128xf32>
    %add3A_783 = arith.constant 1.000000e+00 : f32
    %add3A_784 = vector.broadcast %add3A_783 : f32 to vector<160x128xf32>
    %add3A_785 = arith.addf %sub3A_782, %add3A_784 : vector<160x128xf32>
    %max3A_786 = arith.constant 0.000000e+00 : f32
    %max3A_787 = vector.broadcast %max3A_786 : f32 to vector<160x128xf32>
    %max3A_788 = arith.maximumf %add3A_777, %max3A_787 : vector<160x128xf32>
    %max3A_789 = arith.constant 0.000000e+00 : f32
    %max3A_790 = vector.broadcast %max3A_789 : f32 to vector<160x128xf32>
    %max3A_791 = arith.maximumf %add3A_785, %max3A_790 : vector<160x128xf32>
    %mul3A_792 = arith.mulf %max3A_788, %max3A_791 : vector<160x128xf32>
    %add3A_793 = vector.broadcast %mul3A_754 : vector<1x1xf32> to vector<160x128xf32>
    %add3A_794 = arith.addf %mul3A, %add3A_793 : vector<160x128xf32>
    %sub3A_795 = arith.subf %add3A_794, %mul3A_792 : vector<160x128xf32>
    %div3A_796 = arith.divf %mul3A_792, %sub3A_795 : vector<160x128xf32>
    %mul3A_797 = vector.broadcast %select_n3A_769 : vector<1x1xf32> to vector<160x128xf32>
    %mul3A_798 = arith.mulf %div3A_796, %mul3A_797 : vector<160x128xf32>
    %gt3A_799 = arith.cmpf ogt, %mul3A_798, %max3A_725 : vector<160x128xf32>
    %jit3A_800 = arith.constant 9 : i32
    %broadcast_in_dim3A_801 = vector.broadcast %jit3A_800 : i32 to vector<160x128xi32>
    %select_n3A_802 = arith.select %gt3A_799, %broadcast_in_dim3A_801, %select_n3A_724 : vector<160x128xi1>, vector<160x128xi32>
    %max3A_803 = arith.maximumf %max3A_725, %mul3A_798 : vector<160x128xf32>
    %get3A_804 = arith.constant 0 : index
    %get3A_805 = arith.constant 10 : index
    %get3A_806 = arith.constant 0 : index
    %get3A_807 = vector.load %arg2[%get3A_804, %get3A_805, %get3A_806] : memref<1x20x5xf32, #tpu.memory_space<vmem>>, vector<1x1x1xf32>
    %get3A_808 = vector.shape_cast %get3A_807 : vector<1x1x1xf32> to vector<1x1xf32>
    %get3A_809 = arith.constant 0 : index
    %get3A_810 = arith.constant 10 : index
    %get3A_811 = arith.constant 1 : index
    %get3A_812 = vector.load %arg2[%get3A_809, %get3A_810, %get3A_811] : memref<1x20x5xf32, #tpu.memory_space<vmem>>, vector<1x1x1xf32>
    %get3A_813 = vector.shape_cast %get3A_812 : vector<1x1x1xf32> to vector<1x1xf32>
    %get3A_814 = arith.constant 0 : index
    %get3A_815 = arith.constant 10 : index
    %get3A_816 = arith.constant 2 : index
    %get3A_817 = vector.load %arg2[%get3A_814, %get3A_815, %get3A_816] : memref<1x20x5xf32, #tpu.memory_space<vmem>>, vector<1x1x1xf32>
    %get3A_818 = vector.shape_cast %get3A_817 : vector<1x1x1xf32> to vector<1x1xf32>
    %get3A_819 = arith.constant 0 : index
    %get3A_820 = arith.constant 10 : index
    %get3A_821 = arith.constant 3 : index
    %get3A_822 = vector.load %arg2[%get3A_819, %get3A_820, %get3A_821] : memref<1x20x5xf32, #tpu.memory_space<vmem>>, vector<1x1x1xf32>
    %get3A_823 = vector.shape_cast %get3A_822 : vector<1x1x1xf32> to vector<1x1xf32>
    %sub3A_824 = arith.subf %get3A_818, %get3A_808 : vector<1x1xf32>
    %add3A_825 = arith.constant 1.000000e+00 : f32
    %add3A_826 = vector.broadcast %add3A_825 : f32 to vector<1x1xf32>
    %add3A_827 = arith.addf %sub3A_824, %add3A_826 : vector<1x1xf32>
    %sub3A_828 = arith.subf %get3A_823, %get3A_813 : vector<1x1xf32>
    %add3A_829 = arith.constant 1.000000e+00 : f32
    %add3A_830 = vector.broadcast %add3A_829 : f32 to vector<1x1xf32>
    %add3A_831 = arith.addf %sub3A_828, %add3A_830 : vector<1x1xf32>
    %mul3A_832 = arith.mulf %add3A_827, %add3A_831 : vector<1x1xf32>
    %abs3A_833 = math.absf %get3A_808 : vector<1x1xf32>
    %abs3A_834 = math.absf %get3A_813 : vector<1x1xf32>
    %add3A_835 = arith.addf %abs3A_833, %abs3A_834 : vector<1x1xf32>
    %abs3A_836 = math.absf %get3A_818 : vector<1x1xf32>
    %add3A_837 = arith.addf %add3A_835, %abs3A_836 : vector<1x1xf32>
    %abs3A_838 = math.absf %get3A_823 : vector<1x1xf32>
    %add3A_839 = arith.addf %add3A_837, %abs3A_838 : vector<1x1xf32>
    %eq3A_840 = arith.constant 0.000000e+00 : f32
    %eq3A_841 = vector.broadcast %eq3A_840 : f32 to vector<1x1xf32>
    %eq3A_842 = arith.cmpf oeq, %add3A_839, %eq3A_841 : vector<1x1xf32>
    %jit3A_843 = arith.constant 0.000000e+00 : f32
    %jit3A_844 = arith.constant 1.000000e+00 : f32
    %broadcast_in_dim3A_845 = vector.broadcast %jit3A_843 : f32 to vector<1x1xf32>
    %broadcast_in_dim3A_846 = vector.broadcast %jit3A_844 : f32 to vector<1x1xf32>
    %select_n3A_847 = arith.select %eq3A_842, %broadcast_in_dim3A_845, %broadcast_in_dim3A_846 : vector<1x1xi1>, vector<1x1xf32>
    %min3A_848 = vector.broadcast %get3A_818 : vector<1x1xf32> to vector<160x128xf32>
    %min3A_849 = arith.minimumf %get3A_16, %min3A_848 : vector<160x128xf32>
    %max3A_850 = vector.broadcast %get3A_808 : vector<1x1xf32> to vector<160x128xf32>
    %max3A_851 = arith.maximumf %get3A_4, %max3A_850 : vector<160x128xf32>
    %sub3A_852 = arith.subf %min3A_849, %max3A_851 : vector<160x128xf32>
    %add3A_853 = arith.constant 1.000000e+00 : f32
    %add3A_854 = vector.broadcast %add3A_853 : f32 to vector<160x128xf32>
    %add3A_855 = arith.addf %sub3A_852, %add3A_854 : vector<160x128xf32>
    %min3A_856 = vector.broadcast %get3A_823 : vector<1x1xf32> to vector<160x128xf32>
    %min3A_857 = arith.minimumf %get3A_22, %min3A_856 : vector<160x128xf32>
    %max3A_858 = vector.broadcast %get3A_813 : vector<1x1xf32> to vector<160x128xf32>
    %max3A_859 = arith.maximumf %get3A_10, %max3A_858 : vector<160x128xf32>
    %sub3A_860 = arith.subf %min3A_857, %max3A_859 : vector<160x128xf32>
    %add3A_861 = arith.constant 1.000000e+00 : f32
    %add3A_862 = vector.broadcast %add3A_861 : f32 to vector<160x128xf32>
    %add3A_863 = arith.addf %sub3A_860, %add3A_862 : vector<160x128xf32>
    %max3A_864 = arith.constant 0.000000e+00 : f32
    %max3A_865 = vector.broadcast %max3A_864 : f32 to vector<160x128xf32>
    %max3A_866 = arith.maximumf %add3A_855, %max3A_865 : vector<160x128xf32>
    %max3A_867 = arith.constant 0.000000e+00 : f32
    %max3A_868 = vector.broadcast %max3A_867 : f32 to vector<160x128xf32>
    %max3A_869 = arith.maximumf %add3A_863, %max3A_868 : vector<160x128xf32>
    %mul3A_870 = arith.mulf %max3A_866, %max3A_869 : vector<160x128xf32>
    %add3A_871 = vector.broadcast %mul3A_832 : vector<1x1xf32> to vector<160x128xf32>
    %add3A_872 = arith.addf %mul3A, %add3A_871 : vector<160x128xf32>
    %sub3A_873 = arith.subf %add3A_872, %mul3A_870 : vector<160x128xf32>
    %div3A_874 = arith.divf %mul3A_870, %sub3A_873 : vector<160x128xf32>
    %mul3A_875 = vector.broadcast %select_n3A_847 : vector<1x1xf32> to vector<160x128xf32>
    %mul3A_876 = arith.mulf %div3A_874, %mul3A_875 : vector<160x128xf32>
    %gt3A_877 = arith.cmpf ogt, %mul3A_876, %max3A_803 : vector<160x128xf32>
    %jit3A_878 = arith.constant 10 : i32
    %broadcast_in_dim3A_879 = vector.broadcast %jit3A_878 : i32 to vector<160x128xi32>
    %select_n3A_880 = arith.select %gt3A_877, %broadcast_in_dim3A_879, %select_n3A_802 : vector<160x128xi1>, vector<160x128xi32>
    %max3A_881 = arith.maximumf %max3A_803, %mul3A_876 : vector<160x128xf32>
    %get3A_882 = arith.constant 0 : index
    %get3A_883 = arith.constant 11 : index
    %get3A_884 = arith.constant 0 : index
    %get3A_885 = vector.load %arg2[%get3A_882, %get3A_883, %get3A_884] : memref<1x20x5xf32, #tpu.memory_space<vmem>>, vector<1x1x1xf32>
    %get3A_886 = vector.shape_cast %get3A_885 : vector<1x1x1xf32> to vector<1x1xf32>
    %get3A_887 = arith.constant 0 : index
    %get3A_888 = arith.constant 11 : index
    %get3A_889 = arith.constant 1 : index
    %get3A_890 = vector.load %arg2[%get3A_887, %get3A_888, %get3A_889] : memref<1x20x5xf32, #tpu.memory_space<vmem>>, vector<1x1x1xf32>
    %get3A_891 = vector.shape_cast %get3A_890 : vector<1x1x1xf32> to vector<1x1xf32>
    %get3A_892 = arith.constant 0 : index
    %get3A_893 = arith.constant 11 : index
    %get3A_894 = arith.constant 2 : index
    %get3A_895 = vector.load %arg2[%get3A_892, %get3A_893, %get3A_894] : memref<1x20x5xf32, #tpu.memory_space<vmem>>, vector<1x1x1xf32>
    %get3A_896 = vector.shape_cast %get3A_895 : vector<1x1x1xf32> to vector<1x1xf32>
    %get3A_897 = arith.constant 0 : index
    %get3A_898 = arith.constant 11 : index
    %get3A_899 = arith.constant 3 : index
    %get3A_900 = vector.load %arg2[%get3A_897, %get3A_898, %get3A_899] : memref<1x20x5xf32, #tpu.memory_space<vmem>>, vector<1x1x1xf32>
    %get3A_901 = vector.shape_cast %get3A_900 : vector<1x1x1xf32> to vector<1x1xf32>
    %sub3A_902 = arith.subf %get3A_896, %get3A_886 : vector<1x1xf32>
    %add3A_903 = arith.constant 1.000000e+00 : f32
    %add3A_904 = vector.broadcast %add3A_903 : f32 to vector<1x1xf32>
    %add3A_905 = arith.addf %sub3A_902, %add3A_904 : vector<1x1xf32>
    %sub3A_906 = arith.subf %get3A_901, %get3A_891 : vector<1x1xf32>
    %add3A_907 = arith.constant 1.000000e+00 : f32
    %add3A_908 = vector.broadcast %add3A_907 : f32 to vector<1x1xf32>
    %add3A_909 = arith.addf %sub3A_906, %add3A_908 : vector<1x1xf32>
    %mul3A_910 = arith.mulf %add3A_905, %add3A_909 : vector<1x1xf32>
    %abs3A_911 = math.absf %get3A_886 : vector<1x1xf32>
    %abs3A_912 = math.absf %get3A_891 : vector<1x1xf32>
    %add3A_913 = arith.addf %abs3A_911, %abs3A_912 : vector<1x1xf32>
    %abs3A_914 = math.absf %get3A_896 : vector<1x1xf32>
    %add3A_915 = arith.addf %add3A_913, %abs3A_914 : vector<1x1xf32>
    %abs3A_916 = math.absf %get3A_901 : vector<1x1xf32>
    %add3A_917 = arith.addf %add3A_915, %abs3A_916 : vector<1x1xf32>
    %eq3A_918 = arith.constant 0.000000e+00 : f32
    %eq3A_919 = vector.broadcast %eq3A_918 : f32 to vector<1x1xf32>
    %eq3A_920 = arith.cmpf oeq, %add3A_917, %eq3A_919 : vector<1x1xf32>
    %jit3A_921 = arith.constant 0.000000e+00 : f32
    %jit3A_922 = arith.constant 1.000000e+00 : f32
    %broadcast_in_dim3A_923 = vector.broadcast %jit3A_921 : f32 to vector<1x1xf32>
    %broadcast_in_dim3A_924 = vector.broadcast %jit3A_922 : f32 to vector<1x1xf32>
    %select_n3A_925 = arith.select %eq3A_920, %broadcast_in_dim3A_923, %broadcast_in_dim3A_924 : vector<1x1xi1>, vector<1x1xf32>
    %min3A_926 = vector.broadcast %get3A_896 : vector<1x1xf32> to vector<160x128xf32>
    %min3A_927 = arith.minimumf %get3A_16, %min3A_926 : vector<160x128xf32>
    %max3A_928 = vector.broadcast %get3A_886 : vector<1x1xf32> to vector<160x128xf32>
    %max3A_929 = arith.maximumf %get3A_4, %max3A_928 : vector<160x128xf32>
    %sub3A_930 = arith.subf %min3A_927, %max3A_929 : vector<160x128xf32>
    %add3A_931 = arith.constant 1.000000e+00 : f32
    %add3A_932 = vector.broadcast %add3A_931 : f32 to vector<160x128xf32>
    %add3A_933 = arith.addf %sub3A_930, %add3A_932 : vector<160x128xf32>
    %min3A_934 = vector.broadcast %get3A_901 : vector<1x1xf32> to vector<160x128xf32>
    %min3A_935 = arith.minimumf %get3A_22, %min3A_934 : vector<160x128xf32>
    %max3A_936 = vector.broadcast %get3A_891 : vector<1x1xf32> to vector<160x128xf32>
    %max3A_937 = arith.maximumf %get3A_10, %max3A_936 : vector<160x128xf32>
    %sub3A_938 = arith.subf %min3A_935, %max3A_937 : vector<160x128xf32>
    %add3A_939 = arith.constant 1.000000e+00 : f32
    %add3A_940 = vector.broadcast %add3A_939 : f32 to vector<160x128xf32>
    %add3A_941 = arith.addf %sub3A_938, %add3A_940 : vector<160x128xf32>
    %max3A_942 = arith.constant 0.000000e+00 : f32
    %max3A_943 = vector.broadcast %max3A_942 : f32 to vector<160x128xf32>
    %max3A_944 = arith.maximumf %add3A_933, %max3A_943 : vector<160x128xf32>
    %max3A_945 = arith.constant 0.000000e+00 : f32
    %max3A_946 = vector.broadcast %max3A_945 : f32 to vector<160x128xf32>
    %max3A_947 = arith.maximumf %add3A_941, %max3A_946 : vector<160x128xf32>
    %mul3A_948 = arith.mulf %max3A_944, %max3A_947 : vector<160x128xf32>
    %add3A_949 = vector.broadcast %mul3A_910 : vector<1x1xf32> to vector<160x128xf32>
    %add3A_950 = arith.addf %mul3A, %add3A_949 : vector<160x128xf32>
    %sub3A_951 = arith.subf %add3A_950, %mul3A_948 : vector<160x128xf32>
    %div3A_952 = arith.divf %mul3A_948, %sub3A_951 : vector<160x128xf32>
    %mul3A_953 = vector.broadcast %select_n3A_925 : vector<1x1xf32> to vector<160x128xf32>
    %mul3A_954 = arith.mulf %div3A_952, %mul3A_953 : vector<160x128xf32>
    %gt3A_955 = arith.cmpf ogt, %mul3A_954, %max3A_881 : vector<160x128xf32>
    %jit3A_956 = arith.constant 11 : i32
    %broadcast_in_dim3A_957 = vector.broadcast %jit3A_956 : i32 to vector<160x128xi32>
    %select_n3A_958 = arith.select %gt3A_955, %broadcast_in_dim3A_957, %select_n3A_880 : vector<160x128xi1>, vector<160x128xi32>
    %max3A_959 = arith.maximumf %max3A_881, %mul3A_954 : vector<160x128xf32>
    %get3A_960 = arith.constant 0 : index
    %get3A_961 = arith.constant 12 : index
    %get3A_962 = arith.constant 0 : index
    %get3A_963 = vector.load %arg2[%get3A_960, %get3A_961, %get3A_962] : memref<1x20x5xf32, #tpu.memory_space<vmem>>, vector<1x1x1xf32>
    %get3A_964 = vector.shape_cast %get3A_963 : vector<1x1x1xf32> to vector<1x1xf32>
    %get3A_965 = arith.constant 0 : index
    %get3A_966 = arith.constant 12 : index
    %get3A_967 = arith.constant 1 : index
    %get3A_968 = vector.load %arg2[%get3A_965, %get3A_966, %get3A_967] : memref<1x20x5xf32, #tpu.memory_space<vmem>>, vector<1x1x1xf32>
    %get3A_969 = vector.shape_cast %get3A_968 : vector<1x1x1xf32> to vector<1x1xf32>
    %get3A_970 = arith.constant 0 : index
    %get3A_971 = arith.constant 12 : index
    %get3A_972 = arith.constant 2 : index
    %get3A_973 = vector.load %arg2[%get3A_970, %get3A_971, %get3A_972] : memref<1x20x5xf32, #tpu.memory_space<vmem>>, vector<1x1x1xf32>
    %get3A_974 = vector.shape_cast %get3A_973 : vector<1x1x1xf32> to vector<1x1xf32>
    %get3A_975 = arith.constant 0 : index
    %get3A_976 = arith.constant 12 : index
    %get3A_977 = arith.constant 3 : index
    %get3A_978 = vector.load %arg2[%get3A_975, %get3A_976, %get3A_977] : memref<1x20x5xf32, #tpu.memory_space<vmem>>, vector<1x1x1xf32>
    %get3A_979 = vector.shape_cast %get3A_978 : vector<1x1x1xf32> to vector<1x1xf32>
    %sub3A_980 = arith.subf %get3A_974, %get3A_964 : vector<1x1xf32>
    %add3A_981 = arith.constant 1.000000e+00 : f32
    %add3A_982 = vector.broadcast %add3A_981 : f32 to vector<1x1xf32>
    %add3A_983 = arith.addf %sub3A_980, %add3A_982 : vector<1x1xf32>
    %sub3A_984 = arith.subf %get3A_979, %get3A_969 : vector<1x1xf32>
    %add3A_985 = arith.constant 1.000000e+00 : f32
    %add3A_986 = vector.broadcast %add3A_985 : f32 to vector<1x1xf32>
    %add3A_987 = arith.addf %sub3A_984, %add3A_986 : vector<1x1xf32>
    %mul3A_988 = arith.mulf %add3A_983, %add3A_987 : vector<1x1xf32>
    %abs3A_989 = math.absf %get3A_964 : vector<1x1xf32>
    %abs3A_990 = math.absf %get3A_969 : vector<1x1xf32>
    %add3A_991 = arith.addf %abs3A_989, %abs3A_990 : vector<1x1xf32>
    %abs3A_992 = math.absf %get3A_974 : vector<1x1xf32>
    %add3A_993 = arith.addf %add3A_991, %abs3A_992 : vector<1x1xf32>
    %abs3A_994 = math.absf %get3A_979 : vector<1x1xf32>
    %add3A_995 = arith.addf %add3A_993, %abs3A_994 : vector<1x1xf32>
    %eq3A_996 = arith.constant 0.000000e+00 : f32
    %eq3A_997 = vector.broadcast %eq3A_996 : f32 to vector<1x1xf32>
    %eq3A_998 = arith.cmpf oeq, %add3A_995, %eq3A_997 : vector<1x1xf32>
    %jit3A_999 = arith.constant 0.000000e+00 : f32
    %jit3A_1000 = arith.constant 1.000000e+00 : f32
    %broadcast_in_dim3A_1001 = vector.broadcast %jit3A_999 : f32 to vector<1x1xf32>
    %broadcast_in_dim3A_1002 = vector.broadcast %jit3A_1000 : f32 to vector<1x1xf32>
    %select_n3A_1003 = arith.select %eq3A_998, %broadcast_in_dim3A_1001, %broadcast_in_dim3A_1002 : vector<1x1xi1>, vector<1x1xf32>
    %min3A_1004 = vector.broadcast %get3A_974 : vector<1x1xf32> to vector<160x128xf32>
    %min3A_1005 = arith.minimumf %get3A_16, %min3A_1004 : vector<160x128xf32>
    %max3A_1006 = vector.broadcast %get3A_964 : vector<1x1xf32> to vector<160x128xf32>
    %max3A_1007 = arith.maximumf %get3A_4, %max3A_1006 : vector<160x128xf32>
    %sub3A_1008 = arith.subf %min3A_1005, %max3A_1007 : vector<160x128xf32>
    %add3A_1009 = arith.constant 1.000000e+00 : f32
    %add3A_1010 = vector.broadcast %add3A_1009 : f32 to vector<160x128xf32>
    %add3A_1011 = arith.addf %sub3A_1008, %add3A_1010 : vector<160x128xf32>
    %min3A_1012 = vector.broadcast %get3A_979 : vector<1x1xf32> to vector<160x128xf32>
    %min3A_1013 = arith.minimumf %get3A_22, %min3A_1012 : vector<160x128xf32>
    %max3A_1014 = vector.broadcast %get3A_969 : vector<1x1xf32> to vector<160x128xf32>
    %max3A_1015 = arith.maximumf %get3A_10, %max3A_1014 : vector<160x128xf32>
    %sub3A_1016 = arith.subf %min3A_1013, %max3A_1015 : vector<160x128xf32>
    %add3A_1017 = arith.constant 1.000000e+00 : f32
    %add3A_1018 = vector.broadcast %add3A_1017 : f32 to vector<160x128xf32>
    %add3A_1019 = arith.addf %sub3A_1016, %add3A_1018 : vector<160x128xf32>
    %max3A_1020 = arith.constant 0.000000e+00 : f32
    %max3A_1021 = vector.broadcast %max3A_1020 : f32 to vector<160x128xf32>
    %max3A_1022 = arith.maximumf %add3A_1011, %max3A_1021 : vector<160x128xf32>
    %max3A_1023 = arith.constant 0.000000e+00 : f32
    %max3A_1024 = vector.broadcast %max3A_1023 : f32 to vector<160x128xf32>
    %max3A_1025 = arith.maximumf %add3A_1019, %max3A_1024 : vector<160x128xf32>
    %mul3A_1026 = arith.mulf %max3A_1022, %max3A_1025 : vector<160x128xf32>
    %add3A_1027 = vector.broadcast %mul3A_988 : vector<1x1xf32> to vector<160x128xf32>
    %add3A_1028 = arith.addf %mul3A, %add3A_1027 : vector<160x128xf32>
    %sub3A_1029 = arith.subf %add3A_1028, %mul3A_1026 : vector<160x128xf32>
    %div3A_1030 = arith.divf %mul3A_1026, %sub3A_1029 : vector<160x128xf32>
    %mul3A_1031 = vector.broadcast %select_n3A_1003 : vector<1x1xf32> to vector<160x128xf32>
    %mul3A_1032 = arith.mulf %div3A_1030, %mul3A_1031 : vector<160x128xf32>
    %gt3A_1033 = arith.cmpf ogt, %mul3A_1032, %max3A_959 : vector<160x128xf32>
    %jit3A_1034 = arith.constant 12 : i32
    %broadcast_in_dim3A_1035 = vector.broadcast %jit3A_1034 : i32 to vector<160x128xi32>
    %select_n3A_1036 = arith.select %gt3A_1033, %broadcast_in_dim3A_1035, %select_n3A_958 : vector<160x128xi1>, vector<160x128xi32>
    %max3A_1037 = arith.maximumf %max3A_959, %mul3A_1032 : vector<160x128xf32>
    %get3A_1038 = arith.constant 0 : index
    %get3A_1039 = arith.constant 13 : index
    %get3A_1040 = arith.constant 0 : index
    %get3A_1041 = vector.load %arg2[%get3A_1038, %get3A_1039, %get3A_1040] : memref<1x20x5xf32, #tpu.memory_space<vmem>>, vector<1x1x1xf32>
    %get3A_1042 = vector.shape_cast %get3A_1041 : vector<1x1x1xf32> to vector<1x1xf32>
    %get3A_1043 = arith.constant 0 : index
    %get3A_1044 = arith.constant 13 : index
    %get3A_1045 = arith.constant 1 : index
    %get3A_1046 = vector.load %arg2[%get3A_1043, %get3A_1044, %get3A_1045] : memref<1x20x5xf32, #tpu.memory_space<vmem>>, vector<1x1x1xf32>
    %get3A_1047 = vector.shape_cast %get3A_1046 : vector<1x1x1xf32> to vector<1x1xf32>
    %get3A_1048 = arith.constant 0 : index
    %get3A_1049 = arith.constant 13 : index
    %get3A_1050 = arith.constant 2 : index
    %get3A_1051 = vector.load %arg2[%get3A_1048, %get3A_1049, %get3A_1050] : memref<1x20x5xf32, #tpu.memory_space<vmem>>, vector<1x1x1xf32>
    %get3A_1052 = vector.shape_cast %get3A_1051 : vector<1x1x1xf32> to vector<1x1xf32>
    %get3A_1053 = arith.constant 0 : index
    %get3A_1054 = arith.constant 13 : index
    %get3A_1055 = arith.constant 3 : index
    %get3A_1056 = vector.load %arg2[%get3A_1053, %get3A_1054, %get3A_1055] : memref<1x20x5xf32, #tpu.memory_space<vmem>>, vector<1x1x1xf32>
    %get3A_1057 = vector.shape_cast %get3A_1056 : vector<1x1x1xf32> to vector<1x1xf32>
    %sub3A_1058 = arith.subf %get3A_1052, %get3A_1042 : vector<1x1xf32>
    %add3A_1059 = arith.constant 1.000000e+00 : f32
    %add3A_1060 = vector.broadcast %add3A_1059 : f32 to vector<1x1xf32>
    %add3A_1061 = arith.addf %sub3A_1058, %add3A_1060 : vector<1x1xf32>
    %sub3A_1062 = arith.subf %get3A_1057, %get3A_1047 : vector<1x1xf32>
    %add3A_1063 = arith.constant 1.000000e+00 : f32
    %add3A_1064 = vector.broadcast %add3A_1063 : f32 to vector<1x1xf32>
    %add3A_1065 = arith.addf %sub3A_1062, %add3A_1064 : vector<1x1xf32>
    %mul3A_1066 = arith.mulf %add3A_1061, %add3A_1065 : vector<1x1xf32>
    %abs3A_1067 = math.absf %get3A_1042 : vector<1x1xf32>
    %abs3A_1068 = math.absf %get3A_1047 : vector<1x1xf32>
    %add3A_1069 = arith.addf %abs3A_1067, %abs3A_1068 : vector<1x1xf32>
    %abs3A_1070 = math.absf %get3A_1052 : vector<1x1xf32>
    %add3A_1071 = arith.addf %add3A_1069, %abs3A_1070 : vector<1x1xf32>
    %abs3A_1072 = math.absf %get3A_1057 : vector<1x1xf32>
    %add3A_1073 = arith.addf %add3A_1071, %abs3A_1072 : vector<1x1xf32>
    %eq3A_1074 = arith.constant 0.000000e+00 : f32
    %eq3A_1075 = vector.broadcast %eq3A_1074 : f32 to vector<1x1xf32>
    %eq3A_1076 = arith.cmpf oeq, %add3A_1073, %eq3A_1075 : vector<1x1xf32>
    %jit3A_1077 = arith.constant 0.000000e+00 : f32
    %jit3A_1078 = arith.constant 1.000000e+00 : f32
    %broadcast_in_dim3A_1079 = vector.broadcast %jit3A_1077 : f32 to vector<1x1xf32>
    %broadcast_in_dim3A_1080 = vector.broadcast %jit3A_1078 : f32 to vector<1x1xf32>
    %select_n3A_1081 = arith.select %eq3A_1076, %broadcast_in_dim3A_1079, %broadcast_in_dim3A_1080 : vector<1x1xi1>, vector<1x1xf32>
    %min3A_1082 = vector.broadcast %get3A_1052 : vector<1x1xf32> to vector<160x128xf32>
    %min3A_1083 = arith.minimumf %get3A_16, %min3A_1082 : vector<160x128xf32>
    %max3A_1084 = vector.broadcast %get3A_1042 : vector<1x1xf32> to vector<160x128xf32>
    %max3A_1085 = arith.maximumf %get3A_4, %max3A_1084 : vector<160x128xf32>
    %sub3A_1086 = arith.subf %min3A_1083, %max3A_1085 : vector<160x128xf32>
    %add3A_1087 = arith.constant 1.000000e+00 : f32
    %add3A_1088 = vector.broadcast %add3A_1087 : f32 to vector<160x128xf32>
    %add3A_1089 = arith.addf %sub3A_1086, %add3A_1088 : vector<160x128xf32>
    %min3A_1090 = vector.broadcast %get3A_1057 : vector<1x1xf32> to vector<160x128xf32>
    %min3A_1091 = arith.minimumf %get3A_22, %min3A_1090 : vector<160x128xf32>
    %max3A_1092 = vector.broadcast %get3A_1047 : vector<1x1xf32> to vector<160x128xf32>
    %max3A_1093 = arith.maximumf %get3A_10, %max3A_1092 : vector<160x128xf32>
    %sub3A_1094 = arith.subf %min3A_1091, %max3A_1093 : vector<160x128xf32>
    %add3A_1095 = arith.constant 1.000000e+00 : f32
    %add3A_1096 = vector.broadcast %add3A_1095 : f32 to vector<160x128xf32>
    %add3A_1097 = arith.addf %sub3A_1094, %add3A_1096 : vector<160x128xf32>
    %max3A_1098 = arith.constant 0.000000e+00 : f32
    %max3A_1099 = vector.broadcast %max3A_1098 : f32 to vector<160x128xf32>
    %max3A_1100 = arith.maximumf %add3A_1089, %max3A_1099 : vector<160x128xf32>
    %max3A_1101 = arith.constant 0.000000e+00 : f32
    %max3A_1102 = vector.broadcast %max3A_1101 : f32 to vector<160x128xf32>
    %max3A_1103 = arith.maximumf %add3A_1097, %max3A_1102 : vector<160x128xf32>
    %mul3A_1104 = arith.mulf %max3A_1100, %max3A_1103 : vector<160x128xf32>
    %add3A_1105 = vector.broadcast %mul3A_1066 : vector<1x1xf32> to vector<160x128xf32>
    %add3A_1106 = arith.addf %mul3A, %add3A_1105 : vector<160x128xf32>
    %sub3A_1107 = arith.subf %add3A_1106, %mul3A_1104 : vector<160x128xf32>
    %div3A_1108 = arith.divf %mul3A_1104, %sub3A_1107 : vector<160x128xf32>
    %mul3A_1109 = vector.broadcast %select_n3A_1081 : vector<1x1xf32> to vector<160x128xf32>
    %mul3A_1110 = arith.mulf %div3A_1108, %mul3A_1109 : vector<160x128xf32>
    %gt3A_1111 = arith.cmpf ogt, %mul3A_1110, %max3A_1037 : vector<160x128xf32>
    %jit3A_1112 = arith.constant 13 : i32
    %broadcast_in_dim3A_1113 = vector.broadcast %jit3A_1112 : i32 to vector<160x128xi32>
    %select_n3A_1114 = arith.select %gt3A_1111, %broadcast_in_dim3A_1113, %select_n3A_1036 : vector<160x128xi1>, vector<160x128xi32>
    %max3A_1115 = arith.maximumf %max3A_1037, %mul3A_1110 : vector<160x128xf32>
    %get3A_1116 = arith.constant 0 : index
    %get3A_1117 = arith.constant 14 : index
    %get3A_1118 = arith.constant 0 : index
    %get3A_1119 = vector.load %arg2[%get3A_1116, %get3A_1117, %get3A_1118] : memref<1x20x5xf32, #tpu.memory_space<vmem>>, vector<1x1x1xf32>
    %get3A_1120 = vector.shape_cast %get3A_1119 : vector<1x1x1xf32> to vector<1x1xf32>
    %get3A_1121 = arith.constant 0 : index
    %get3A_1122 = arith.constant 14 : index
    %get3A_1123 = arith.constant 1 : index
    %get3A_1124 = vector.load %arg2[%get3A_1121, %get3A_1122, %get3A_1123] : memref<1x20x5xf32, #tpu.memory_space<vmem>>, vector<1x1x1xf32>
    %get3A_1125 = vector.shape_cast %get3A_1124 : vector<1x1x1xf32> to vector<1x1xf32>
    %get3A_1126 = arith.constant 0 : index
    %get3A_1127 = arith.constant 14 : index
    %get3A_1128 = arith.constant 2 : index
    %get3A_1129 = vector.load %arg2[%get3A_1126, %get3A_1127, %get3A_1128] : memref<1x20x5xf32, #tpu.memory_space<vmem>>, vector<1x1x1xf32>
    %get3A_1130 = vector.shape_cast %get3A_1129 : vector<1x1x1xf32> to vector<1x1xf32>
    %get3A_1131 = arith.constant 0 : index
    %get3A_1132 = arith.constant 14 : index
    %get3A_1133 = arith.constant 3 : index
    %get3A_1134 = vector.load %arg2[%get3A_1131, %get3A_1132, %get3A_1133] : memref<1x20x5xf32, #tpu.memory_space<vmem>>, vector<1x1x1xf32>
    %get3A_1135 = vector.shape_cast %get3A_1134 : vector<1x1x1xf32> to vector<1x1xf32>
    %sub3A_1136 = arith.subf %get3A_1130, %get3A_1120 : vector<1x1xf32>
    %add3A_1137 = arith.constant 1.000000e+00 : f32
    %add3A_1138 = vector.broadcast %add3A_1137 : f32 to vector<1x1xf32>
    %add3A_1139 = arith.addf %sub3A_1136, %add3A_1138 : vector<1x1xf32>
    %sub3A_1140 = arith.subf %get3A_1135, %get3A_1125 : vector<1x1xf32>
    %add3A_1141 = arith.constant 1.000000e+00 : f32
    %add3A_1142 = vector.broadcast %add3A_1141 : f32 to vector<1x1xf32>
    %add3A_1143 = arith.addf %sub3A_1140, %add3A_1142 : vector<1x1xf32>
    %mul3A_1144 = arith.mulf %add3A_1139, %add3A_1143 : vector<1x1xf32>
    %abs3A_1145 = math.absf %get3A_1120 : vector<1x1xf32>
    %abs3A_1146 = math.absf %get3A_1125 : vector<1x1xf32>
    %add3A_1147 = arith.addf %abs3A_1145, %abs3A_1146 : vector<1x1xf32>
    %abs3A_1148 = math.absf %get3A_1130 : vector<1x1xf32>
    %add3A_1149 = arith.addf %add3A_1147, %abs3A_1148 : vector<1x1xf32>
    %abs3A_1150 = math.absf %get3A_1135 : vector<1x1xf32>
    %add3A_1151 = arith.addf %add3A_1149, %abs3A_1150 : vector<1x1xf32>
    %eq3A_1152 = arith.constant 0.000000e+00 : f32
    %eq3A_1153 = vector.broadcast %eq3A_1152 : f32 to vector<1x1xf32>
    %eq3A_1154 = arith.cmpf oeq, %add3A_1151, %eq3A_1153 : vector<1x1xf32>
    %jit3A_1155 = arith.constant 0.000000e+00 : f32
    %jit3A_1156 = arith.constant 1.000000e+00 : f32
    %broadcast_in_dim3A_1157 = vector.broadcast %jit3A_1155 : f32 to vector<1x1xf32>
    %broadcast_in_dim3A_1158 = vector.broadcast %jit3A_1156 : f32 to vector<1x1xf32>
    %select_n3A_1159 = arith.select %eq3A_1154, %broadcast_in_dim3A_1157, %broadcast_in_dim3A_1158 : vector<1x1xi1>, vector<1x1xf32>
    %min3A_1160 = vector.broadcast %get3A_1130 : vector<1x1xf32> to vector<160x128xf32>
    %min3A_1161 = arith.minimumf %get3A_16, %min3A_1160 : vector<160x128xf32>
    %max3A_1162 = vector.broadcast %get3A_1120 : vector<1x1xf32> to vector<160x128xf32>
    %max3A_1163 = arith.maximumf %get3A_4, %max3A_1162 : vector<160x128xf32>
    %sub3A_1164 = arith.subf %min3A_1161, %max3A_1163 : vector<160x128xf32>
    %add3A_1165 = arith.constant 1.000000e+00 : f32
    %add3A_1166 = vector.broadcast %add3A_1165 : f32 to vector<160x128xf32>
    %add3A_1167 = arith.addf %sub3A_1164, %add3A_1166 : vector<160x128xf32>
    %min3A_1168 = vector.broadcast %get3A_1135 : vector<1x1xf32> to vector<160x128xf32>
    %min3A_1169 = arith.minimumf %get3A_22, %min3A_1168 : vector<160x128xf32>
    %max3A_1170 = vector.broadcast %get3A_1125 : vector<1x1xf32> to vector<160x128xf32>
    %max3A_1171 = arith.maximumf %get3A_10, %max3A_1170 : vector<160x128xf32>
    %sub3A_1172 = arith.subf %min3A_1169, %max3A_1171 : vector<160x128xf32>
    %add3A_1173 = arith.constant 1.000000e+00 : f32
    %add3A_1174 = vector.broadcast %add3A_1173 : f32 to vector<160x128xf32>
    %add3A_1175 = arith.addf %sub3A_1172, %add3A_1174 : vector<160x128xf32>
    %max3A_1176 = arith.constant 0.000000e+00 : f32
    %max3A_1177 = vector.broadcast %max3A_1176 : f32 to vector<160x128xf32>
    %max3A_1178 = arith.maximumf %add3A_1167, %max3A_1177 : vector<160x128xf32>
    %max3A_1179 = arith.constant 0.000000e+00 : f32
    %max3A_1180 = vector.broadcast %max3A_1179 : f32 to vector<160x128xf32>
    %max3A_1181 = arith.maximumf %add3A_1175, %max3A_1180 : vector<160x128xf32>
    %mul3A_1182 = arith.mulf %max3A_1178, %max3A_1181 : vector<160x128xf32>
    %add3A_1183 = vector.broadcast %mul3A_1144 : vector<1x1xf32> to vector<160x128xf32>
    %add3A_1184 = arith.addf %mul3A, %add3A_1183 : vector<160x128xf32>
    %sub3A_1185 = arith.subf %add3A_1184, %mul3A_1182 : vector<160x128xf32>
    %div3A_1186 = arith.divf %mul3A_1182, %sub3A_1185 : vector<160x128xf32>
    %mul3A_1187 = vector.broadcast %select_n3A_1159 : vector<1x1xf32> to vector<160x128xf32>
    %mul3A_1188 = arith.mulf %div3A_1186, %mul3A_1187 : vector<160x128xf32>
    %gt3A_1189 = arith.cmpf ogt, %mul3A_1188, %max3A_1115 : vector<160x128xf32>
    %jit3A_1190 = arith.constant 14 : i32
    %broadcast_in_dim3A_1191 = vector.broadcast %jit3A_1190 : i32 to vector<160x128xi32>
    %select_n3A_1192 = arith.select %gt3A_1189, %broadcast_in_dim3A_1191, %select_n3A_1114 : vector<160x128xi1>, vector<160x128xi32>
    %max3A_1193 = arith.maximumf %max3A_1115, %mul3A_1188 : vector<160x128xf32>
    %get3A_1194 = arith.constant 0 : index
    %get3A_1195 = arith.constant 15 : index
    %get3A_1196 = arith.constant 0 : index
    %get3A_1197 = vector.load %arg2[%get3A_1194, %get3A_1195, %get3A_1196] : memref<1x20x5xf32, #tpu.memory_space<vmem>>, vector<1x1x1xf32>
    %get3A_1198 = vector.shape_cast %get3A_1197 : vector<1x1x1xf32> to vector<1x1xf32>
    %get3A_1199 = arith.constant 0 : index
    %get3A_1200 = arith.constant 15 : index
    %get3A_1201 = arith.constant 1 : index
    %get3A_1202 = vector.load %arg2[%get3A_1199, %get3A_1200, %get3A_1201] : memref<1x20x5xf32, #tpu.memory_space<vmem>>, vector<1x1x1xf32>
    %get3A_1203 = vector.shape_cast %get3A_1202 : vector<1x1x1xf32> to vector<1x1xf32>
    %get3A_1204 = arith.constant 0 : index
    %get3A_1205 = arith.constant 15 : index
    %get3A_1206 = arith.constant 2 : index
    %get3A_1207 = vector.load %arg2[%get3A_1204, %get3A_1205, %get3A_1206] : memref<1x20x5xf32, #tpu.memory_space<vmem>>, vector<1x1x1xf32>
    %get3A_1208 = vector.shape_cast %get3A_1207 : vector<1x1x1xf32> to vector<1x1xf32>
    %get3A_1209 = arith.constant 0 : index
    %get3A_1210 = arith.constant 15 : index
    %get3A_1211 = arith.constant 3 : index
    %get3A_1212 = vector.load %arg2[%get3A_1209, %get3A_1210, %get3A_1211] : memref<1x20x5xf32, #tpu.memory_space<vmem>>, vector<1x1x1xf32>
    %get3A_1213 = vector.shape_cast %get3A_1212 : vector<1x1x1xf32> to vector<1x1xf32>
    %sub3A_1214 = arith.subf %get3A_1208, %get3A_1198 : vector<1x1xf32>
    %add3A_1215 = arith.constant 1.000000e+00 : f32
    %add3A_1216 = vector.broadcast %add3A_1215 : f32 to vector<1x1xf32>
    %add3A_1217 = arith.addf %sub3A_1214, %add3A_1216 : vector<1x1xf32>
    %sub3A_1218 = arith.subf %get3A_1213, %get3A_1203 : vector<1x1xf32>
    %add3A_1219 = arith.constant 1.000000e+00 : f32
    %add3A_1220 = vector.broadcast %add3A_1219 : f32 to vector<1x1xf32>
    %add3A_1221 = arith.addf %sub3A_1218, %add3A_1220 : vector<1x1xf32>
    %mul3A_1222 = arith.mulf %add3A_1217, %add3A_1221 : vector<1x1xf32>
    %abs3A_1223 = math.absf %get3A_1198 : vector<1x1xf32>
    %abs3A_1224 = math.absf %get3A_1203 : vector<1x1xf32>
    %add3A_1225 = arith.addf %abs3A_1223, %abs3A_1224 : vector<1x1xf32>
    %abs3A_1226 = math.absf %get3A_1208 : vector<1x1xf32>
    %add3A_1227 = arith.addf %add3A_1225, %abs3A_1226 : vector<1x1xf32>
    %abs3A_1228 = math.absf %get3A_1213 : vector<1x1xf32>
    %add3A_1229 = arith.addf %add3A_1227, %abs3A_1228 : vector<1x1xf32>
    %eq3A_1230 = arith.constant 0.000000e+00 : f32
    %eq3A_1231 = vector.broadcast %eq3A_1230 : f32 to vector<1x1xf32>
    %eq3A_1232 = arith.cmpf oeq, %add3A_1229, %eq3A_1231 : vector<1x1xf32>
    %jit3A_1233 = arith.constant 0.000000e+00 : f32
    %jit3A_1234 = arith.constant 1.000000e+00 : f32
    %broadcast_in_dim3A_1235 = vector.broadcast %jit3A_1233 : f32 to vector<1x1xf32>
    %broadcast_in_dim3A_1236 = vector.broadcast %jit3A_1234 : f32 to vector<1x1xf32>
    %select_n3A_1237 = arith.select %eq3A_1232, %broadcast_in_dim3A_1235, %broadcast_in_dim3A_1236 : vector<1x1xi1>, vector<1x1xf32>
    %min3A_1238 = vector.broadcast %get3A_1208 : vector<1x1xf32> to vector<160x128xf32>
    %min3A_1239 = arith.minimumf %get3A_16, %min3A_1238 : vector<160x128xf32>
    %max3A_1240 = vector.broadcast %get3A_1198 : vector<1x1xf32> to vector<160x128xf32>
    %max3A_1241 = arith.maximumf %get3A_4, %max3A_1240 : vector<160x128xf32>
    %sub3A_1242 = arith.subf %min3A_1239, %max3A_1241 : vector<160x128xf32>
    %add3A_1243 = arith.constant 1.000000e+00 : f32
    %add3A_1244 = vector.broadcast %add3A_1243 : f32 to vector<160x128xf32>
    %add3A_1245 = arith.addf %sub3A_1242, %add3A_1244 : vector<160x128xf32>
    %min3A_1246 = vector.broadcast %get3A_1213 : vector<1x1xf32> to vector<160x128xf32>
    %min3A_1247 = arith.minimumf %get3A_22, %min3A_1246 : vector<160x128xf32>
    %max3A_1248 = vector.broadcast %get3A_1203 : vector<1x1xf32> to vector<160x128xf32>
    %max3A_1249 = arith.maximumf %get3A_10, %max3A_1248 : vector<160x128xf32>
    %sub3A_1250 = arith.subf %min3A_1247, %max3A_1249 : vector<160x128xf32>
    %add3A_1251 = arith.constant 1.000000e+00 : f32
    %add3A_1252 = vector.broadcast %add3A_1251 : f32 to vector<160x128xf32>
    %add3A_1253 = arith.addf %sub3A_1250, %add3A_1252 : vector<160x128xf32>
    %max3A_1254 = arith.constant 0.000000e+00 : f32
    %max3A_1255 = vector.broadcast %max3A_1254 : f32 to vector<160x128xf32>
    %max3A_1256 = arith.maximumf %add3A_1245, %max3A_1255 : vector<160x128xf32>
    %max3A_1257 = arith.constant 0.000000e+00 : f32
    %max3A_1258 = vector.broadcast %max3A_1257 : f32 to vector<160x128xf32>
    %max3A_1259 = arith.maximumf %add3A_1253, %max3A_1258 : vector<160x128xf32>
    %mul3A_1260 = arith.mulf %max3A_1256, %max3A_1259 : vector<160x128xf32>
    %add3A_1261 = vector.broadcast %mul3A_1222 : vector<1x1xf32> to vector<160x128xf32>
    %add3A_1262 = arith.addf %mul3A, %add3A_1261 : vector<160x128xf32>
    %sub3A_1263 = arith.subf %add3A_1262, %mul3A_1260 : vector<160x128xf32>
    %div3A_1264 = arith.divf %mul3A_1260, %sub3A_1263 : vector<160x128xf32>
    %mul3A_1265 = vector.broadcast %select_n3A_1237 : vector<1x1xf32> to vector<160x128xf32>
    %mul3A_1266 = arith.mulf %div3A_1264, %mul3A_1265 : vector<160x128xf32>
    %gt3A_1267 = arith.cmpf ogt, %mul3A_1266, %max3A_1193 : vector<160x128xf32>
    %jit3A_1268 = arith.constant 15 : i32
    %broadcast_in_dim3A_1269 = vector.broadcast %jit3A_1268 : i32 to vector<160x128xi32>
    %select_n3A_1270 = arith.select %gt3A_1267, %broadcast_in_dim3A_1269, %select_n3A_1192 : vector<160x128xi1>, vector<160x128xi32>
    %max3A_1271 = arith.maximumf %max3A_1193, %mul3A_1266 : vector<160x128xf32>
    %get3A_1272 = arith.constant 0 : index
    %get3A_1273 = arith.constant 16 : index
    %get3A_1274 = arith.constant 0 : index
    %get3A_1275 = vector.load %arg2[%get3A_1272, %get3A_1273, %get3A_1274] : memref<1x20x5xf32, #tpu.memory_space<vmem>>, vector<1x1x1xf32>
    %get3A_1276 = vector.shape_cast %get3A_1275 : vector<1x1x1xf32> to vector<1x1xf32>
    %get3A_1277 = arith.constant 0 : index
    %get3A_1278 = arith.constant 16 : index
    %get3A_1279 = arith.constant 1 : index
    %get3A_1280 = vector.load %arg2[%get3A_1277, %get3A_1278, %get3A_1279] : memref<1x20x5xf32, #tpu.memory_space<vmem>>, vector<1x1x1xf32>
    %get3A_1281 = vector.shape_cast %get3A_1280 : vector<1x1x1xf32> to vector<1x1xf32>
    %get3A_1282 = arith.constant 0 : index
    %get3A_1283 = arith.constant 16 : index
    %get3A_1284 = arith.constant 2 : index
    %get3A_1285 = vector.load %arg2[%get3A_1282, %get3A_1283, %get3A_1284] : memref<1x20x5xf32, #tpu.memory_space<vmem>>, vector<1x1x1xf32>
    %get3A_1286 = vector.shape_cast %get3A_1285 : vector<1x1x1xf32> to vector<1x1xf32>
    %get3A_1287 = arith.constant 0 : index
    %get3A_1288 = arith.constant 16 : index
    %get3A_1289 = arith.constant 3 : index
    %get3A_1290 = vector.load %arg2[%get3A_1287, %get3A_1288, %get3A_1289] : memref<1x20x5xf32, #tpu.memory_space<vmem>>, vector<1x1x1xf32>
    %get3A_1291 = vector.shape_cast %get3A_1290 : vector<1x1x1xf32> to vector<1x1xf32>
    %sub3A_1292 = arith.subf %get3A_1286, %get3A_1276 : vector<1x1xf32>
    %add3A_1293 = arith.constant 1.000000e+00 : f32
    %add3A_1294 = vector.broadcast %add3A_1293 : f32 to vector<1x1xf32>
    %add3A_1295 = arith.addf %sub3A_1292, %add3A_1294 : vector<1x1xf32>
    %sub3A_1296 = arith.subf %get3A_1291, %get3A_1281 : vector<1x1xf32>
    %add3A_1297 = arith.constant 1.000000e+00 : f32
    %add3A_1298 = vector.broadcast %add3A_1297 : f32 to vector<1x1xf32>
    %add3A_1299 = arith.addf %sub3A_1296, %add3A_1298 : vector<1x1xf32>
    %mul3A_1300 = arith.mulf %add3A_1295, %add3A_1299 : vector<1x1xf32>
    %abs3A_1301 = math.absf %get3A_1276 : vector<1x1xf32>
    %abs3A_1302 = math.absf %get3A_1281 : vector<1x1xf32>
    %add3A_1303 = arith.addf %abs3A_1301, %abs3A_1302 : vector<1x1xf32>
    %abs3A_1304 = math.absf %get3A_1286 : vector<1x1xf32>
    %add3A_1305 = arith.addf %add3A_1303, %abs3A_1304 : vector<1x1xf32>
    %abs3A_1306 = math.absf %get3A_1291 : vector<1x1xf32>
    %add3A_1307 = arith.addf %add3A_1305, %abs3A_1306 : vector<1x1xf32>
    %eq3A_1308 = arith.constant 0.000000e+00 : f32
    %eq3A_1309 = vector.broadcast %eq3A_1308 : f32 to vector<1x1xf32>
    %eq3A_1310 = arith.cmpf oeq, %add3A_1307, %eq3A_1309 : vector<1x1xf32>
    %jit3A_1311 = arith.constant 0.000000e+00 : f32
    %jit3A_1312 = arith.constant 1.000000e+00 : f32
    %broadcast_in_dim3A_1313 = vector.broadcast %jit3A_1311 : f32 to vector<1x1xf32>
    %broadcast_in_dim3A_1314 = vector.broadcast %jit3A_1312 : f32 to vector<1x1xf32>
    %select_n3A_1315 = arith.select %eq3A_1310, %broadcast_in_dim3A_1313, %broadcast_in_dim3A_1314 : vector<1x1xi1>, vector<1x1xf32>
    %min3A_1316 = vector.broadcast %get3A_1286 : vector<1x1xf32> to vector<160x128xf32>
    %min3A_1317 = arith.minimumf %get3A_16, %min3A_1316 : vector<160x128xf32>
    %max3A_1318 = vector.broadcast %get3A_1276 : vector<1x1xf32> to vector<160x128xf32>
    %max3A_1319 = arith.maximumf %get3A_4, %max3A_1318 : vector<160x128xf32>
    %sub3A_1320 = arith.subf %min3A_1317, %max3A_1319 : vector<160x128xf32>
    %add3A_1321 = arith.constant 1.000000e+00 : f32
    %add3A_1322 = vector.broadcast %add3A_1321 : f32 to vector<160x128xf32>
    %add3A_1323 = arith.addf %sub3A_1320, %add3A_1322 : vector<160x128xf32>
    %min3A_1324 = vector.broadcast %get3A_1291 : vector<1x1xf32> to vector<160x128xf32>
    %min3A_1325 = arith.minimumf %get3A_22, %min3A_1324 : vector<160x128xf32>
    %max3A_1326 = vector.broadcast %get3A_1281 : vector<1x1xf32> to vector<160x128xf32>
    %max3A_1327 = arith.maximumf %get3A_10, %max3A_1326 : vector<160x128xf32>
    %sub3A_1328 = arith.subf %min3A_1325, %max3A_1327 : vector<160x128xf32>
    %add3A_1329 = arith.constant 1.000000e+00 : f32
    %add3A_1330 = vector.broadcast %add3A_1329 : f32 to vector<160x128xf32>
    %add3A_1331 = arith.addf %sub3A_1328, %add3A_1330 : vector<160x128xf32>
    %max3A_1332 = arith.constant 0.000000e+00 : f32
    %max3A_1333 = vector.broadcast %max3A_1332 : f32 to vector<160x128xf32>
    %max3A_1334 = arith.maximumf %add3A_1323, %max3A_1333 : vector<160x128xf32>
    %max3A_1335 = arith.constant 0.000000e+00 : f32
    %max3A_1336 = vector.broadcast %max3A_1335 : f32 to vector<160x128xf32>
    %max3A_1337 = arith.maximumf %add3A_1331, %max3A_1336 : vector<160x128xf32>
    %mul3A_1338 = arith.mulf %max3A_1334, %max3A_1337 : vector<160x128xf32>
    %add3A_1339 = vector.broadcast %mul3A_1300 : vector<1x1xf32> to vector<160x128xf32>
    %add3A_1340 = arith.addf %mul3A, %add3A_1339 : vector<160x128xf32>
    %sub3A_1341 = arith.subf %add3A_1340, %mul3A_1338 : vector<160x128xf32>
    %div3A_1342 = arith.divf %mul3A_1338, %sub3A_1341 : vector<160x128xf32>
    %mul3A_1343 = vector.broadcast %select_n3A_1315 : vector<1x1xf32> to vector<160x128xf32>
    %mul3A_1344 = arith.mulf %div3A_1342, %mul3A_1343 : vector<160x128xf32>
    %gt3A_1345 = arith.cmpf ogt, %mul3A_1344, %max3A_1271 : vector<160x128xf32>
    %jit3A_1346 = arith.constant 16 : i32
    %broadcast_in_dim3A_1347 = vector.broadcast %jit3A_1346 : i32 to vector<160x128xi32>
    %select_n3A_1348 = arith.select %gt3A_1345, %broadcast_in_dim3A_1347, %select_n3A_1270 : vector<160x128xi1>, vector<160x128xi32>
    %max3A_1349 = arith.maximumf %max3A_1271, %mul3A_1344 : vector<160x128xf32>
    %get3A_1350 = arith.constant 0 : index
    %get3A_1351 = arith.constant 17 : index
    %get3A_1352 = arith.constant 0 : index
    %get3A_1353 = vector.load %arg2[%get3A_1350, %get3A_1351, %get3A_1352] : memref<1x20x5xf32, #tpu.memory_space<vmem>>, vector<1x1x1xf32>
    %get3A_1354 = vector.shape_cast %get3A_1353 : vector<1x1x1xf32> to vector<1x1xf32>
    %get3A_1355 = arith.constant 0 : index
    %get3A_1356 = arith.constant 17 : index
    %get3A_1357 = arith.constant 1 : index
    %get3A_1358 = vector.load %arg2[%get3A_1355, %get3A_1356, %get3A_1357] : memref<1x20x5xf32, #tpu.memory_space<vmem>>, vector<1x1x1xf32>
    %get3A_1359 = vector.shape_cast %get3A_1358 : vector<1x1x1xf32> to vector<1x1xf32>
    %get3A_1360 = arith.constant 0 : index
    %get3A_1361 = arith.constant 17 : index
    %get3A_1362 = arith.constant 2 : index
    %get3A_1363 = vector.load %arg2[%get3A_1360, %get3A_1361, %get3A_1362] : memref<1x20x5xf32, #tpu.memory_space<vmem>>, vector<1x1x1xf32>
    %get3A_1364 = vector.shape_cast %get3A_1363 : vector<1x1x1xf32> to vector<1x1xf32>
    %get3A_1365 = arith.constant 0 : index
    %get3A_1366 = arith.constant 17 : index
    %get3A_1367 = arith.constant 3 : index
    %get3A_1368 = vector.load %arg2[%get3A_1365, %get3A_1366, %get3A_1367] : memref<1x20x5xf32, #tpu.memory_space<vmem>>, vector<1x1x1xf32>
    %get3A_1369 = vector.shape_cast %get3A_1368 : vector<1x1x1xf32> to vector<1x1xf32>
    %sub3A_1370 = arith.subf %get3A_1364, %get3A_1354 : vector<1x1xf32>
    %add3A_1371 = arith.constant 1.000000e+00 : f32
    %add3A_1372 = vector.broadcast %add3A_1371 : f32 to vector<1x1xf32>
    %add3A_1373 = arith.addf %sub3A_1370, %add3A_1372 : vector<1x1xf32>
    %sub3A_1374 = arith.subf %get3A_1369, %get3A_1359 : vector<1x1xf32>
    %add3A_1375 = arith.constant 1.000000e+00 : f32
    %add3A_1376 = vector.broadcast %add3A_1375 : f32 to vector<1x1xf32>
    %add3A_1377 = arith.addf %sub3A_1374, %add3A_1376 : vector<1x1xf32>
    %mul3A_1378 = arith.mulf %add3A_1373, %add3A_1377 : vector<1x1xf32>
    %abs3A_1379 = math.absf %get3A_1354 : vector<1x1xf32>
    %abs3A_1380 = math.absf %get3A_1359 : vector<1x1xf32>
    %add3A_1381 = arith.addf %abs3A_1379, %abs3A_1380 : vector<1x1xf32>
    %abs3A_1382 = math.absf %get3A_1364 : vector<1x1xf32>
    %add3A_1383 = arith.addf %add3A_1381, %abs3A_1382 : vector<1x1xf32>
    %abs3A_1384 = math.absf %get3A_1369 : vector<1x1xf32>
    %add3A_1385 = arith.addf %add3A_1383, %abs3A_1384 : vector<1x1xf32>
    %eq3A_1386 = arith.constant 0.000000e+00 : f32
    %eq3A_1387 = vector.broadcast %eq3A_1386 : f32 to vector<1x1xf32>
    %eq3A_1388 = arith.cmpf oeq, %add3A_1385, %eq3A_1387 : vector<1x1xf32>
    %jit3A_1389 = arith.constant 0.000000e+00 : f32
    %jit3A_1390 = arith.constant 1.000000e+00 : f32
    %broadcast_in_dim3A_1391 = vector.broadcast %jit3A_1389 : f32 to vector<1x1xf32>
    %broadcast_in_dim3A_1392 = vector.broadcast %jit3A_1390 : f32 to vector<1x1xf32>
    %select_n3A_1393 = arith.select %eq3A_1388, %broadcast_in_dim3A_1391, %broadcast_in_dim3A_1392 : vector<1x1xi1>, vector<1x1xf32>
    %min3A_1394 = vector.broadcast %get3A_1364 : vector<1x1xf32> to vector<160x128xf32>
    %min3A_1395 = arith.minimumf %get3A_16, %min3A_1394 : vector<160x128xf32>
    %max3A_1396 = vector.broadcast %get3A_1354 : vector<1x1xf32> to vector<160x128xf32>
    %max3A_1397 = arith.maximumf %get3A_4, %max3A_1396 : vector<160x128xf32>
    %sub3A_1398 = arith.subf %min3A_1395, %max3A_1397 : vector<160x128xf32>
    %add3A_1399 = arith.constant 1.000000e+00 : f32
    %add3A_1400 = vector.broadcast %add3A_1399 : f32 to vector<160x128xf32>
    %add3A_1401 = arith.addf %sub3A_1398, %add3A_1400 : vector<160x128xf32>
    %min3A_1402 = vector.broadcast %get3A_1369 : vector<1x1xf32> to vector<160x128xf32>
    %min3A_1403 = arith.minimumf %get3A_22, %min3A_1402 : vector<160x128xf32>
    %max3A_1404 = vector.broadcast %get3A_1359 : vector<1x1xf32> to vector<160x128xf32>
    %max3A_1405 = arith.maximumf %get3A_10, %max3A_1404 : vector<160x128xf32>
    %sub3A_1406 = arith.subf %min3A_1403, %max3A_1405 : vector<160x128xf32>
    %add3A_1407 = arith.constant 1.000000e+00 : f32
    %add3A_1408 = vector.broadcast %add3A_1407 : f32 to vector<160x128xf32>
    %add3A_1409 = arith.addf %sub3A_1406, %add3A_1408 : vector<160x128xf32>
    %max3A_1410 = arith.constant 0.000000e+00 : f32
    %max3A_1411 = vector.broadcast %max3A_1410 : f32 to vector<160x128xf32>
    %max3A_1412 = arith.maximumf %add3A_1401, %max3A_1411 : vector<160x128xf32>
    %max3A_1413 = arith.constant 0.000000e+00 : f32
    %max3A_1414 = vector.broadcast %max3A_1413 : f32 to vector<160x128xf32>
    %max3A_1415 = arith.maximumf %add3A_1409, %max3A_1414 : vector<160x128xf32>
    %mul3A_1416 = arith.mulf %max3A_1412, %max3A_1415 : vector<160x128xf32>
    %add3A_1417 = vector.broadcast %mul3A_1378 : vector<1x1xf32> to vector<160x128xf32>
    %add3A_1418 = arith.addf %mul3A, %add3A_1417 : vector<160x128xf32>
    %sub3A_1419 = arith.subf %add3A_1418, %mul3A_1416 : vector<160x128xf32>
    %div3A_1420 = arith.divf %mul3A_1416, %sub3A_1419 : vector<160x128xf32>
    %mul3A_1421 = vector.broadcast %select_n3A_1393 : vector<1x1xf32> to vector<160x128xf32>
    %mul3A_1422 = arith.mulf %div3A_1420, %mul3A_1421 : vector<160x128xf32>
    %gt3A_1423 = arith.cmpf ogt, %mul3A_1422, %max3A_1349 : vector<160x128xf32>
    %jit3A_1424 = arith.constant 17 : i32
    %broadcast_in_dim3A_1425 = vector.broadcast %jit3A_1424 : i32 to vector<160x128xi32>
    %select_n3A_1426 = arith.select %gt3A_1423, %broadcast_in_dim3A_1425, %select_n3A_1348 : vector<160x128xi1>, vector<160x128xi32>
    %max3A_1427 = arith.maximumf %max3A_1349, %mul3A_1422 : vector<160x128xf32>
    %get3A_1428 = arith.constant 0 : index
    %get3A_1429 = arith.constant 18 : index
    %get3A_1430 = arith.constant 0 : index
    %get3A_1431 = vector.load %arg2[%get3A_1428, %get3A_1429, %get3A_1430] : memref<1x20x5xf32, #tpu.memory_space<vmem>>, vector<1x1x1xf32>
    %get3A_1432 = vector.shape_cast %get3A_1431 : vector<1x1x1xf32> to vector<1x1xf32>
    %get3A_1433 = arith.constant 0 : index
    %get3A_1434 = arith.constant 18 : index
    %get3A_1435 = arith.constant 1 : index
    %get3A_1436 = vector.load %arg2[%get3A_1433, %get3A_1434, %get3A_1435] : memref<1x20x5xf32, #tpu.memory_space<vmem>>, vector<1x1x1xf32>
    %get3A_1437 = vector.shape_cast %get3A_1436 : vector<1x1x1xf32> to vector<1x1xf32>
    %get3A_1438 = arith.constant 0 : index
    %get3A_1439 = arith.constant 18 : index
    %get3A_1440 = arith.constant 2 : index
    %get3A_1441 = vector.load %arg2[%get3A_1438, %get3A_1439, %get3A_1440] : memref<1x20x5xf32, #tpu.memory_space<vmem>>, vector<1x1x1xf32>
    %get3A_1442 = vector.shape_cast %get3A_1441 : vector<1x1x1xf32> to vector<1x1xf32>
    %get3A_1443 = arith.constant 0 : index
    %get3A_1444 = arith.constant 18 : index
    %get3A_1445 = arith.constant 3 : index
    %get3A_1446 = vector.load %arg2[%get3A_1443, %get3A_1444, %get3A_1445] : memref<1x20x5xf32, #tpu.memory_space<vmem>>, vector<1x1x1xf32>
    %get3A_1447 = vector.shape_cast %get3A_1446 : vector<1x1x1xf32> to vector<1x1xf32>
    %sub3A_1448 = arith.subf %get3A_1442, %get3A_1432 : vector<1x1xf32>
    %add3A_1449 = arith.constant 1.000000e+00 : f32
    %add3A_1450 = vector.broadcast %add3A_1449 : f32 to vector<1x1xf32>
    %add3A_1451 = arith.addf %sub3A_1448, %add3A_1450 : vector<1x1xf32>
    %sub3A_1452 = arith.subf %get3A_1447, %get3A_1437 : vector<1x1xf32>
    %add3A_1453 = arith.constant 1.000000e+00 : f32
    %add3A_1454 = vector.broadcast %add3A_1453 : f32 to vector<1x1xf32>
    %add3A_1455 = arith.addf %sub3A_1452, %add3A_1454 : vector<1x1xf32>
    %mul3A_1456 = arith.mulf %add3A_1451, %add3A_1455 : vector<1x1xf32>
    %abs3A_1457 = math.absf %get3A_1432 : vector<1x1xf32>
    %abs3A_1458 = math.absf %get3A_1437 : vector<1x1xf32>
    %add3A_1459 = arith.addf %abs3A_1457, %abs3A_1458 : vector<1x1xf32>
    %abs3A_1460 = math.absf %get3A_1442 : vector<1x1xf32>
    %add3A_1461 = arith.addf %add3A_1459, %abs3A_1460 : vector<1x1xf32>
    %abs3A_1462 = math.absf %get3A_1447 : vector<1x1xf32>
    %add3A_1463 = arith.addf %add3A_1461, %abs3A_1462 : vector<1x1xf32>
    %eq3A_1464 = arith.constant 0.000000e+00 : f32
    %eq3A_1465 = vector.broadcast %eq3A_1464 : f32 to vector<1x1xf32>
    %eq3A_1466 = arith.cmpf oeq, %add3A_1463, %eq3A_1465 : vector<1x1xf32>
    %jit3A_1467 = arith.constant 0.000000e+00 : f32
    %jit3A_1468 = arith.constant 1.000000e+00 : f32
    %broadcast_in_dim3A_1469 = vector.broadcast %jit3A_1467 : f32 to vector<1x1xf32>
    %broadcast_in_dim3A_1470 = vector.broadcast %jit3A_1468 : f32 to vector<1x1xf32>
    %select_n3A_1471 = arith.select %eq3A_1466, %broadcast_in_dim3A_1469, %broadcast_in_dim3A_1470 : vector<1x1xi1>, vector<1x1xf32>
    %min3A_1472 = vector.broadcast %get3A_1442 : vector<1x1xf32> to vector<160x128xf32>
    %min3A_1473 = arith.minimumf %get3A_16, %min3A_1472 : vector<160x128xf32>
    %max3A_1474 = vector.broadcast %get3A_1432 : vector<1x1xf32> to vector<160x128xf32>
    %max3A_1475 = arith.maximumf %get3A_4, %max3A_1474 : vector<160x128xf32>
    %sub3A_1476 = arith.subf %min3A_1473, %max3A_1475 : vector<160x128xf32>
    %add3A_1477 = arith.constant 1.000000e+00 : f32
    %add3A_1478 = vector.broadcast %add3A_1477 : f32 to vector<160x128xf32>
    %add3A_1479 = arith.addf %sub3A_1476, %add3A_1478 : vector<160x128xf32>
    %min3A_1480 = vector.broadcast %get3A_1447 : vector<1x1xf32> to vector<160x128xf32>
    %min3A_1481 = arith.minimumf %get3A_22, %min3A_1480 : vector<160x128xf32>
    %max3A_1482 = vector.broadcast %get3A_1437 : vector<1x1xf32> to vector<160x128xf32>
    %max3A_1483 = arith.maximumf %get3A_10, %max3A_1482 : vector<160x128xf32>
    %sub3A_1484 = arith.subf %min3A_1481, %max3A_1483 : vector<160x128xf32>
    %add3A_1485 = arith.constant 1.000000e+00 : f32
    %add3A_1486 = vector.broadcast %add3A_1485 : f32 to vector<160x128xf32>
    %add3A_1487 = arith.addf %sub3A_1484, %add3A_1486 : vector<160x128xf32>
    %max3A_1488 = arith.constant 0.000000e+00 : f32
    %max3A_1489 = vector.broadcast %max3A_1488 : f32 to vector<160x128xf32>
    %max3A_1490 = arith.maximumf %add3A_1479, %max3A_1489 : vector<160x128xf32>
    %max3A_1491 = arith.constant 0.000000e+00 : f32
    %max3A_1492 = vector.broadcast %max3A_1491 : f32 to vector<160x128xf32>
    %max3A_1493 = arith.maximumf %add3A_1487, %max3A_1492 : vector<160x128xf32>
    %mul3A_1494 = arith.mulf %max3A_1490, %max3A_1493 : vector<160x128xf32>
    %add3A_1495 = vector.broadcast %mul3A_1456 : vector<1x1xf32> to vector<160x128xf32>
    %add3A_1496 = arith.addf %mul3A, %add3A_1495 : vector<160x128xf32>
    %sub3A_1497 = arith.subf %add3A_1496, %mul3A_1494 : vector<160x128xf32>
    %div3A_1498 = arith.divf %mul3A_1494, %sub3A_1497 : vector<160x128xf32>
    %mul3A_1499 = vector.broadcast %select_n3A_1471 : vector<1x1xf32> to vector<160x128xf32>
    %mul3A_1500 = arith.mulf %div3A_1498, %mul3A_1499 : vector<160x128xf32>
    %gt3A_1501 = arith.cmpf ogt, %mul3A_1500, %max3A_1427 : vector<160x128xf32>
    %jit3A_1502 = arith.constant 18 : i32
    %broadcast_in_dim3A_1503 = vector.broadcast %jit3A_1502 : i32 to vector<160x128xi32>
    %select_n3A_1504 = arith.select %gt3A_1501, %broadcast_in_dim3A_1503, %select_n3A_1426 : vector<160x128xi1>, vector<160x128xi32>
    %max3A_1505 = arith.maximumf %max3A_1427, %mul3A_1500 : vector<160x128xf32>
    %get3A_1506 = arith.constant 0 : index
    %get3A_1507 = arith.constant 19 : index
    %get3A_1508 = arith.constant 0 : index
    %get3A_1509 = vector.load %arg2[%get3A_1506, %get3A_1507, %get3A_1508] : memref<1x20x5xf32, #tpu.memory_space<vmem>>, vector<1x1x1xf32>
    %get3A_1510 = vector.shape_cast %get3A_1509 : vector<1x1x1xf32> to vector<1x1xf32>
    %get3A_1511 = arith.constant 0 : index
    %get3A_1512 = arith.constant 19 : index
    %get3A_1513 = arith.constant 1 : index
    %get3A_1514 = vector.load %arg2[%get3A_1511, %get3A_1512, %get3A_1513] : memref<1x20x5xf32, #tpu.memory_space<vmem>>, vector<1x1x1xf32>
    %get3A_1515 = vector.shape_cast %get3A_1514 : vector<1x1x1xf32> to vector<1x1xf32>
    %get3A_1516 = arith.constant 0 : index
    %get3A_1517 = arith.constant 19 : index
    %get3A_1518 = arith.constant 2 : index
    %get3A_1519 = vector.load %arg2[%get3A_1516, %get3A_1517, %get3A_1518] : memref<1x20x5xf32, #tpu.memory_space<vmem>>, vector<1x1x1xf32>
    %get3A_1520 = vector.shape_cast %get3A_1519 : vector<1x1x1xf32> to vector<1x1xf32>
    %get3A_1521 = arith.constant 0 : index
    %get3A_1522 = arith.constant 19 : index
    %get3A_1523 = arith.constant 3 : index
    %get3A_1524 = vector.load %arg2[%get3A_1521, %get3A_1522, %get3A_1523] : memref<1x20x5xf32, #tpu.memory_space<vmem>>, vector<1x1x1xf32>
    %get3A_1525 = vector.shape_cast %get3A_1524 : vector<1x1x1xf32> to vector<1x1xf32>
    %sub3A_1526 = arith.subf %get3A_1520, %get3A_1510 : vector<1x1xf32>
    %add3A_1527 = arith.constant 1.000000e+00 : f32
    %add3A_1528 = vector.broadcast %add3A_1527 : f32 to vector<1x1xf32>
    %add3A_1529 = arith.addf %sub3A_1526, %add3A_1528 : vector<1x1xf32>
    %sub3A_1530 = arith.subf %get3A_1525, %get3A_1515 : vector<1x1xf32>
    %add3A_1531 = arith.constant 1.000000e+00 : f32
    %add3A_1532 = vector.broadcast %add3A_1531 : f32 to vector<1x1xf32>
    %add3A_1533 = arith.addf %sub3A_1530, %add3A_1532 : vector<1x1xf32>
    %mul3A_1534 = arith.mulf %add3A_1529, %add3A_1533 : vector<1x1xf32>
    %abs3A_1535 = math.absf %get3A_1510 : vector<1x1xf32>
    %abs3A_1536 = math.absf %get3A_1515 : vector<1x1xf32>
    %add3A_1537 = arith.addf %abs3A_1535, %abs3A_1536 : vector<1x1xf32>
    %abs3A_1538 = math.absf %get3A_1520 : vector<1x1xf32>
    %add3A_1539 = arith.addf %add3A_1537, %abs3A_1538 : vector<1x1xf32>
    %abs3A_1540 = math.absf %get3A_1525 : vector<1x1xf32>
    %add3A_1541 = arith.addf %add3A_1539, %abs3A_1540 : vector<1x1xf32>
    %eq3A_1542 = arith.constant 0.000000e+00 : f32
    %eq3A_1543 = vector.broadcast %eq3A_1542 : f32 to vector<1x1xf32>
    %eq3A_1544 = arith.cmpf oeq, %add3A_1541, %eq3A_1543 : vector<1x1xf32>
    %jit3A_1545 = arith.constant 0.000000e+00 : f32
    %jit3A_1546 = arith.constant 1.000000e+00 : f32
    %broadcast_in_dim3A_1547 = vector.broadcast %jit3A_1545 : f32 to vector<1x1xf32>
    %broadcast_in_dim3A_1548 = vector.broadcast %jit3A_1546 : f32 to vector<1x1xf32>
    %select_n3A_1549 = arith.select %eq3A_1544, %broadcast_in_dim3A_1547, %broadcast_in_dim3A_1548 : vector<1x1xi1>, vector<1x1xf32>
    %min3A_1550 = vector.broadcast %get3A_1520 : vector<1x1xf32> to vector<160x128xf32>
    %min3A_1551 = arith.minimumf %get3A_16, %min3A_1550 : vector<160x128xf32>
    %max3A_1552 = vector.broadcast %get3A_1510 : vector<1x1xf32> to vector<160x128xf32>
    %max3A_1553 = arith.maximumf %get3A_4, %max3A_1552 : vector<160x128xf32>
    %sub3A_1554 = arith.subf %min3A_1551, %max3A_1553 : vector<160x128xf32>
    %add3A_1555 = arith.constant 1.000000e+00 : f32
    %add3A_1556 = vector.broadcast %add3A_1555 : f32 to vector<160x128xf32>
    %add3A_1557 = arith.addf %sub3A_1554, %add3A_1556 : vector<160x128xf32>
    %min3A_1558 = vector.broadcast %get3A_1525 : vector<1x1xf32> to vector<160x128xf32>
    %min3A_1559 = arith.minimumf %get3A_22, %min3A_1558 : vector<160x128xf32>
    %max3A_1560 = vector.broadcast %get3A_1515 : vector<1x1xf32> to vector<160x128xf32>
    %max3A_1561 = arith.maximumf %get3A_10, %max3A_1560 : vector<160x128xf32>
    %sub3A_1562 = arith.subf %min3A_1559, %max3A_1561 : vector<160x128xf32>
    %add3A_1563 = arith.constant 1.000000e+00 : f32
    %add3A_1564 = vector.broadcast %add3A_1563 : f32 to vector<160x128xf32>
    %add3A_1565 = arith.addf %sub3A_1562, %add3A_1564 : vector<160x128xf32>
    %max3A_1566 = arith.constant 0.000000e+00 : f32
    %max3A_1567 = vector.broadcast %max3A_1566 : f32 to vector<160x128xf32>
    %max3A_1568 = arith.maximumf %add3A_1557, %max3A_1567 : vector<160x128xf32>
    %max3A_1569 = arith.constant 0.000000e+00 : f32
    %max3A_1570 = vector.broadcast %max3A_1569 : f32 to vector<160x128xf32>
    %max3A_1571 = arith.maximumf %add3A_1565, %max3A_1570 : vector<160x128xf32>
    %mul3A_1572 = arith.mulf %max3A_1568, %max3A_1571 : vector<160x128xf32>
    %add3A_1573 = vector.broadcast %mul3A_1534 : vector<1x1xf32> to vector<160x128xf32>
    %add3A_1574 = arith.addf %mul3A, %add3A_1573 : vector<160x128xf32>
    %sub3A_1575 = arith.subf %add3A_1574, %mul3A_1572 : vector<160x128xf32>
    %div3A_1576 = arith.divf %mul3A_1572, %sub3A_1575 : vector<160x128xf32>
    %mul3A_1577 = vector.broadcast %select_n3A_1549 : vector<1x1xf32> to vector<160x128xf32>
    %mul3A_1578 = arith.mulf %div3A_1576, %mul3A_1577 : vector<160x128xf32>
    %gt3A_1579 = arith.cmpf ogt, %mul3A_1578, %max3A_1505 : vector<160x128xf32>
    %jit3A_1580 = arith.constant 19 : i32
    %broadcast_in_dim3A_1581 = vector.broadcast %jit3A_1580 : i32 to vector<160x128xi32>
    %select_n3A_1582 = arith.select %gt3A_1579, %broadcast_in_dim3A_1581, %select_n3A_1504 : vector<160x128xi1>, vector<160x128xi32>
    %max3A_1583 = arith.maximumf %max3A_1505, %mul3A_1578 : vector<160x128xf32>
    %iota3A = tpu.iota {dimensions = array<i32: 0>} : vector<160x128xi32>
    %iota3A_1584 = tpu.iota {dimensions = array<i32: 1>} : vector<160x128xi32>
    %mul3A_1585 = arith.constant 128 : i32
    %mul3A_1586 = vector.broadcast %mul3A_1585 : i32 to vector<160x128xi32>
    %mul3A_1587 = arith.muli %iota3A, %mul3A_1586 : vector<160x128xi32>
    %add3A_1588 = arith.addi %mul3A_1587, %iota3A_1584 : vector<160x128xi32>
    %lt3A = arith.constant 20020 : i32
    %lt3A_1589 = vector.broadcast %lt3A : i32 to vector<160x128xi32>
    %lt3A_1590 = arith.cmpi slt, %add3A_1588, %lt3A_1589 : vector<160x128xi32>
    %ge3A = arith.constant 5.000000e-01 : f32
    %ge3A_1591 = vector.broadcast %ge3A : f32 to vector<160x128xf32>
    %ge3A_1592 = arith.cmpf oge, %max3A_1583, %ge3A_1591 : vector<160x128xf32>
    %jit3A_1593 = arith.constant -1.000000e+00 : f32
    %broadcast_in_dim3A_1594 = vector.broadcast %jit3A_1593 : f32 to vector<160x128xf32>
    %select_n3A_1595 = arith.select %ge3A_1592, %max3A_1583, %broadcast_in_dim3A_1594 : vector<160x128xi1>, vector<160x128xf32>
    %jit3A_1596 = arith.constant -2.000000e+00 : f32
    %broadcast_in_dim3A_1597 = vector.broadcast %jit3A_1596 : f32 to vector<160x128xf32>
    %select_n3A_1598 = arith.select %lt3A_1590, %select_n3A_1595, %broadcast_in_dim3A_1597 : vector<160x128xi1>, vector<160x128xf32>
    %swap3A = arith.constant 0 : index
    %swap3A_1599 = arith.constant 0 : index
    %swap3A_1600 = arith.constant 0 : index
    %swap3A_1601 = arith.constant 0 : index
    %swap3A_1602 = vector.load %arg3[%swap3A, %swap3A_1599, %swap3A_1600, %swap3A_1601] : memref<1x2x160x128xf32, #tpu.memory_space<vmem>>, vector<1x1x160x128xf32>
    %swap3A_1603 = vector.shape_cast %swap3A_1602 : vector<1x1x160x128xf32> to vector<160x128xf32>
    %swap3A_1604 = vector.shape_cast %select_n3A_1598 : vector<160x128xf32> to vector<1x1x160x128xf32>
    tpu.vector_store %arg3[%swap3A, %swap3A_1599, %swap3A_1600, %swap3A_1601], %swap3A_1604 {strides = array<i32>} : memref<1x2x160x128xf32, #tpu.memory_space<vmem>>, vector<1x1x160x128xf32>,
    %lt3A_1605 = arith.constant 5.000000e-01 : f32
    %lt3A_1606 = vector.broadcast %lt3A_1605 : f32 to vector<160x128xf32>
    %lt3A_1607 = arith.cmpf olt, %max3A_1583, %lt3A_1606 : vector<160x128xf32>
    %ge3A_1608 = arith.constant 1.000000e-01 : f32
    %ge3A_1609 = vector.broadcast %ge3A_1608 : f32 to vector<160x128xf32>
    %ge3A_1610 = arith.cmpf oge, %max3A_1583, %ge3A_1609 : vector<160x128xf32>
    %and3A = arith.andi %lt3A_1607, %ge3A_1610 : vector<160x128xi1>
    %jit3A_1611 = arith.constant -1.000000e+00 : f32
    %broadcast_in_dim3A_1612 = vector.broadcast %jit3A_1611 : f32 to vector<160x128xf32>
    %select_n3A_1613 = arith.select %and3A, %max3A_1583, %broadcast_in_dim3A_1612 : vector<160x128xi1>, vector<160x128xf32>
    %jit3A_1614 = arith.constant -2.000000e+00 : f32
    %broadcast_in_dim3A_1615 = vector.broadcast %jit3A_1614 : f32 to vector<160x128xf32>
    %select_n3A_1616 = arith.select %lt3A_1590, %select_n3A_1613, %broadcast_in_dim3A_1615 : vector<160x128xi1>, vector<160x128xf32>
    %swap3A_1617 = arith.constant 0 : index
    %swap3A_1618 = arith.constant 1 : index
    %swap3A_1619 = arith.constant 0 : index
    %swap3A_1620 = arith.constant 0 : index
    %swap3A_1621 = vector.load %arg3[%swap3A_1617, %swap3A_1618, %swap3A_1619, %swap3A_1620] : memref<1x2x160x128xf32, #tpu.memory_space<vmem>>, vector<1x1x160x128xf32>
    %swap3A_1622 = vector.shape_cast %swap3A_1621 : vector<1x1x160x128xf32> to vector<160x128xf32>
    %swap3A_1623 = vector.shape_cast %select_n3A_1616 : vector<160x128xf32> to vector<1x1x160x128xf32>
    tpu.vector_store %arg3[%swap3A_1617, %swap3A_1618, %swap3A_1619, %swap3A_1620], %swap3A_1623 {strides = array<i32>} : memref<1x2x160x128xf32, #tpu.memory_space<vmem>>, vector<1x1x160x128xf32>,
    %swap3A_1624 = arith.constant 0 : index
    %swap3A_1625 = arith.constant 0 : index
    %swap3A_1626 = arith.constant 0 : index
    %swap3A_1627 = vector.load %arg4[%swap3A_1624, %swap3A_1625, %swap3A_1626] : memref<1x160x128xi32, #tpu.memory_space<vmem>>, vector<1x160x128xi32>
    %swap3A_1628 = vector.shape_cast %swap3A_1627 : vector<1x160x128xi32> to vector<160x128xi32>
    %swap3A_1629 = vector.shape_cast %select_n3A_1582 : vector<160x128xi32> to vector<1x160x128xi32>
    tpu.vector_store %arg4[%swap3A_1624, %swap3A_1625, %swap3A_1626], %swap3A_1629 {strides = array<i32>} : memref<1x160x128xi32, #tpu.memory_space<vmem>>, vector<1x160x128xi32>,
    return
  }
  func.func @transform_0(%arg0: i32) -> (i32, i32, i32, i32) {
    %c0_i32 = arith.constant 0 : i32
    %c0_i32_0 = arith.constant 0 : i32
    %c0_i32_1 = arith.constant 0 : i32
    %c0_i32_2 = arith.constant 0 : i32
    return %arg0, %c0_i32, %c0_i32_0, %c0_i32_1 : i32, i32, i32, i32
  }
  func.func @transform_1(%arg0: i32) -> (i32, i32, i32) {
    %c0_i32 = arith.constant 0 : i32
    %c0_i32_0 = arith.constant 0 : i32
    %c0_i32_1 = arith.constant 0 : i32
    return %arg0, %c0_i32, %c0_i32_0 : i32, i32, i32
  }
  func.func @transform_2(%arg0: i32) -> (i32, i32, i32, i32) {
    %c0_i32 = arith.constant 0 : i32
    %c0_i32_0 = arith.constant 0 : i32
    %c0_i32_1 = arith.constant 0 : i32
    %c0_i32_2 = arith.constant 0 : i32
    return %arg0, %c0_i32, %c0_i32_0, %c0_i32_1 : i32, i32, i32, i32
  }
  func.func @transform_3(%arg0: i32) -> (i32, i32, i32) {
    %c0_i32 = arith.constant 0 : i32
    %c0_i32_0 = arith.constant 0 : i32
    %c0_i32_1 = arith.constant 0 : i32
    return %arg0, %c0_i32, %c0_i32_0 : i32, i32, i32
  }
}

module attributes {stable_mosaic.version = 14 : i64} {
  func.func @_epilogue_kernel(%arg0: i32, %arg1: memref<1x128x16xf32, #tpu.memory_space<vmem>>, %arg2: memref<1x128x5xf32, #tpu.memory_space<vmem>>, %arg3: memref<1x128x324xf32, #tpu.memory_space<vmem>>, %arg4: memref<1x128x324xf32, #tpu.memory_space<vmem>>) attributes {dimension_semantics = [#tpu.dimension_semantics<arbitrary>], iteration_bounds = array<i64: 16>, scalar_prefetch = 0 : i64, scratch_operands = 0 : i64, tpu.core_type = #tpu.core_type<tc>, window_params = [{transform_indices = @transform_0, window_bounds = array<i64: 1, 128, 16>}, {transform_indices = @transform_1, window_bounds = array<i64: 1, 128, 5>}, {transform_indices = @transform_2, window_bounds = array<i64: 1, 128, 324>}, {transform_indices = @transform_3, window_bounds = array<i64: 1, 128, 324>}]} {
    %get3A = arith.constant 0 : index
    %get3A_0 = arith.constant 0 : index
    %get3A_1 = arith.constant 0 : index
    %get3A_2 = vector.load %arg1[%get3A, %get3A_0, %get3A_1] : memref<1x128x16xf32, #tpu.memory_space<vmem>>, vector<1x128x16xf32>
    %get3A_3 = vector.shape_cast %get3A_2 : vector<1x128x16xf32> to vector<128x16xf32>
    %slice3A = vector.extract_strided_slice %get3A_3 {offsets = [0, 0], sizes = [128, 1], strides = [1, 1]} : vector<128x16xf32> to vector<128x1xf32>
    %slice3A_4 = vector.extract_strided_slice %get3A_3 {offsets = [0, 1], sizes = [128, 1], strides = [1, 1]} : vector<128x16xf32> to vector<128x1xf32>
    %slice3A_5 = vector.extract_strided_slice %get3A_3 {offsets = [0, 2], sizes = [128, 1], strides = [1, 1]} : vector<128x16xf32> to vector<128x1xf32>
    %slice3A_6 = vector.extract_strided_slice %get3A_3 {offsets = [0, 3], sizes = [128, 1], strides = [1, 1]} : vector<128x16xf32> to vector<128x1xf32>
    %slice3A_7 = vector.extract_strided_slice %get3A_3 {offsets = [0, 4], sizes = [128, 1], strides = [1, 1]} : vector<128x16xf32> to vector<128x1xf32>
    %slice3A_8 = vector.extract_strided_slice %get3A_3 {offsets = [0, 5], sizes = [128, 1], strides = [1, 1]} : vector<128x16xf32> to vector<128x1xf32>
    %slice3A_9 = vector.extract_strided_slice %get3A_3 {offsets = [0, 6], sizes = [128, 1], strides = [1, 1]} : vector<128x16xf32> to vector<128x1xf32>
    %slice3A_10 = vector.extract_strided_slice %get3A_3 {offsets = [0, 7], sizes = [128, 1], strides = [1, 1]} : vector<128x16xf32> to vector<128x1xf32>
    %slice3A_11 = vector.extract_strided_slice %get3A_3 {offsets = [0, 8], sizes = [128, 1], strides = [1, 1]} : vector<128x16xf32> to vector<128x1xf32>
    %sub3A = arith.subf %slice3A_5, %slice3A : vector<128x1xf32>
    %add3A = arith.constant 1.000000e+00 : f32
    %add3A_12 = vector.broadcast %add3A : f32 to vector<128x1xf32>
    %add3A_13 = arith.addf %sub3A, %add3A_12 : vector<128x1xf32>
    %sub3A_14 = arith.subf %slice3A_6, %slice3A_4 : vector<128x1xf32>
    %add3A_15 = arith.constant 1.000000e+00 : f32
    %add3A_16 = vector.broadcast %add3A_15 : f32 to vector<128x1xf32>
    %add3A_17 = arith.addf %sub3A_14, %add3A_16 : vector<128x1xf32>
    %mul3A = arith.constant 5.000000e-01 : f32
    %mul3A_18 = vector.broadcast %mul3A : f32 to vector<128x1xf32>
    %mul3A_19 = arith.mulf %mul3A_18, %add3A_13 : vector<128x1xf32>
    %add3A_20 = arith.addf %slice3A, %mul3A_19 : vector<128x1xf32>
    %mul3A_21 = arith.constant 5.000000e-01 : f32
    %mul3A_22 = vector.broadcast %mul3A_21 : f32 to vector<128x1xf32>
    %mul3A_23 = arith.mulf %mul3A_22, %add3A_17 : vector<128x1xf32>
    %add3A_24 = arith.addf %slice3A_4, %mul3A_23 : vector<128x1xf32>
    %sub3A_25 = arith.subf %slice3A_9, %slice3A_7 : vector<128x1xf32>
    %add3A_26 = arith.constant 1.000000e+00 : f32
    %add3A_27 = vector.broadcast %add3A_26 : f32 to vector<128x1xf32>
    %add3A_28 = arith.addf %sub3A_25, %add3A_27 : vector<128x1xf32>
    %sub3A_29 = arith.subf %slice3A_10, %slice3A_8 : vector<128x1xf32>
    %add3A_30 = arith.constant 1.000000e+00 : f32
    %add3A_31 = vector.broadcast %add3A_30 : f32 to vector<128x1xf32>
    %add3A_32 = arith.addf %sub3A_29, %add3A_31 : vector<128x1xf32>
    %mul3A_33 = arith.constant 5.000000e-01 : f32
    %mul3A_34 = vector.broadcast %mul3A_33 : f32 to vector<128x1xf32>
    %mul3A_35 = arith.mulf %mul3A_34, %add3A_28 : vector<128x1xf32>
    %add3A_36 = arith.addf %slice3A_7, %mul3A_35 : vector<128x1xf32>
    %mul3A_37 = arith.constant 5.000000e-01 : f32
    %mul3A_38 = vector.broadcast %mul3A_37 : f32 to vector<128x1xf32>
    %mul3A_39 = arith.mulf %mul3A_38, %add3A_32 : vector<128x1xf32>
    %add3A_40 = arith.addf %slice3A_8, %mul3A_39 : vector<128x1xf32>
    %sub3A_41 = arith.subf %add3A_36, %add3A_20 : vector<128x1xf32>
    %div3A = arith.divf %sub3A_41, %add3A_13 : vector<128x1xf32>
    %div3A_42 = arith.constant 1.000000e-01 : f32
    %div3A_43 = vector.broadcast %div3A_42 : f32 to vector<128x1xf32>
    %div3A_44 = arith.divf %div3A, %div3A_43 : vector<128x1xf32>
    %sub3A_45 = arith.subf %add3A_40, %add3A_24 : vector<128x1xf32>
    %div3A_46 = arith.divf %sub3A_45, %add3A_17 : vector<128x1xf32>
    %div3A_47 = arith.constant 1.000000e-01 : f32
    %div3A_48 = vector.broadcast %div3A_47 : f32 to vector<128x1xf32>
    %div3A_49 = arith.divf %div3A_46, %div3A_48 : vector<128x1xf32>
    %div3A_50 = arith.divf %add3A_28, %add3A_13 : vector<128x1xf32>
    %log3A = math.log %div3A_50 : vector<128x1xf32>
    %div3A_51 = arith.constant 2.000000e-01 : f32
    %div3A_52 = vector.broadcast %div3A_51 : f32 to vector<128x1xf32>
    %div3A_53 = arith.divf %log3A, %div3A_52 : vector<128x1xf32>
    %div3A_54 = arith.divf %add3A_32, %add3A_17 : vector<128x1xf32>
    %log3A_55 = math.log %div3A_54 : vector<128x1xf32>
    %div3A_56 = arith.constant 2.000000e-01 : f32
    %div3A_57 = vector.broadcast %div3A_56 : f32 to vector<128x1xf32>
    %div3A_58 = arith.divf %log3A_55, %div3A_57 : vector<128x1xf32>
    %convert_element_type3A = arith.sitofp %arg0 : i32 to f32
    %broadcast_in_dim3A = vector.broadcast %convert_element_type3A : f32 to vector<128x1xf32>
    %concatenate3A = tpu.concatenate %broadcast_in_dim3A, %slice3A, %slice3A_4, %slice3A_5, %slice3A_6 in 1 : vector<128x1xf32>, vector<128x1xf32>, vector<128x1xf32>, vector<128x1xf32>, vector<128x1xf32> -> vector<128x5xf32>
    %swap3A = arith.constant 0 : index
    %swap3A_59 = arith.constant 0 : index
    %swap3A_60 = arith.constant 0 : index
    %swap3A_61 = vector.load %arg2[%swap3A, %swap3A_59, %swap3A_60] : memref<1x128x5xf32, #tpu.memory_space<vmem>>, vector<1x128x5xf32>
    %swap3A_62 = vector.shape_cast %swap3A_61 : vector<1x128x5xf32> to vector<128x5xf32>
    %swap3A_63 = vector.shape_cast %concatenate3A : vector<128x5xf32> to vector<1x128x5xf32>
    tpu.vector_store %arg2[%swap3A, %swap3A_59, %swap3A_60], %swap3A_63 {strides = array<i32>} : memref<1x128x5xf32, #tpu.memory_space<vmem>>, vector<1x128x5xf32>,
    %convert_element_type3A_64 = arith.fptosi %slice3A_11 : vector<128x1xf32> to vector<128x1xi32>
    %gt3A = arith.constant 0.000000e+00 : f32
    %gt3A_65 = vector.broadcast %gt3A : f32 to vector<128x1xf32>
    %gt3A_66 = arith.cmpf ogt, %slice3A_11, %gt3A_65 : vector<128x1xf32>
    %iota3A = tpu.iota {dimensions = array<i32: 1>} : vector<128x324xi32>
    %shift_right_arithmetic3A = arith.constant 2 : i32
    %shift_right_arithmetic3A_67 = vector.broadcast %shift_right_arithmetic3A : i32 to vector<128x324xi32>
    %shift_right_arithmetic3A_68 = arith.shrsi %iota3A, %shift_right_arithmetic3A_67 : vector<128x324xi32>
    %and3A = arith.constant 3 : i32
    %and3A_69 = vector.broadcast %and3A : i32 to vector<128x324xi32>
    %and3A_70 = arith.andi %iota3A, %and3A_69 : vector<128x324xi32>
    %eq3A = vector.broadcast %convert_element_type3A_64 : vector<128x1xi32> to vector<128x324xi32>
    %eq3A_71 = arith.cmpi eq, %shift_right_arithmetic3A_68, %eq3A : vector<128x324xi32>
    %and3A_72 = vector.broadcast %gt3A_66 : vector<128x1xi1> to vector<128x324xi1>
    %and3A_73 = arith.andi %eq3A_71, %and3A_72 : vector<128x324xi1>
    %eq3A_74 = arith.constant 0 : i32
    %eq3A_75 = vector.broadcast %eq3A_74 : i32 to vector<128x324xi32>
    %eq3A_76 = arith.cmpi eq, %and3A_70, %eq3A_75 : vector<128x324xi32>
    %eq3A_77 = arith.constant 1 : i32
    %eq3A_78 = vector.broadcast %eq3A_77 : i32 to vector<128x324xi32>
    %eq3A_79 = arith.cmpi eq, %and3A_70, %eq3A_78 : vector<128x324xi32>
    %eq3A_80 = arith.constant 2 : i32
    %eq3A_81 = vector.broadcast %eq3A_80 : i32 to vector<128x324xi32>
    %eq3A_82 = arith.cmpi eq, %and3A_70, %eq3A_81 : vector<128x324xi32>
    %broadcast_in_dim3A_83 = vector.shape_cast %div3A_53 : vector<128x1xf32> to vector<128x1xf32>
    %broadcast_in_dim3A_84 = vector.broadcast %broadcast_in_dim3A_83 : vector<128x1xf32> to vector<128x324xf32>
    %broadcast_in_dim3A_85 = vector.shape_cast %div3A_58 : vector<128x1xf32> to vector<128x1xf32>
    %broadcast_in_dim3A_86 = vector.broadcast %broadcast_in_dim3A_85 : vector<128x1xf32> to vector<128x324xf32>
    %select_n3A = arith.select %eq3A_82, %broadcast_in_dim3A_84, %broadcast_in_dim3A_86 : vector<128x324xi1>, vector<128x324xf32>
    %broadcast_in_dim3A_87 = vector.shape_cast %div3A_49 : vector<128x1xf32> to vector<128x1xf32>
    %broadcast_in_dim3A_88 = vector.broadcast %broadcast_in_dim3A_87 : vector<128x1xf32> to vector<128x324xf32>
    %select_n3A_89 = arith.select %eq3A_79, %broadcast_in_dim3A_88, %select_n3A : vector<128x324xi1>, vector<128x324xf32>
    %broadcast_in_dim3A_90 = vector.shape_cast %div3A_44 : vector<128x1xf32> to vector<128x1xf32>
    %broadcast_in_dim3A_91 = vector.broadcast %broadcast_in_dim3A_90 : vector<128x1xf32> to vector<128x324xf32>
    %select_n3A_92 = arith.select %eq3A_76, %broadcast_in_dim3A_91, %select_n3A_89 : vector<128x324xi1>, vector<128x324xf32>
    %jit3A = arith.constant 0.000000e+00 : f32
    %broadcast_in_dim3A_93 = vector.broadcast %jit3A : f32 to vector<128x324xf32>
    %select_n3A_94 = arith.select %and3A_73, %select_n3A_92, %broadcast_in_dim3A_93 : vector<128x324xi1>, vector<128x324xf32>
    %swap3A_95 = arith.constant 0 : index
    %swap3A_96 = arith.constant 0 : index
    %swap3A_97 = arith.constant 0 : index
    %swap3A_98 = vector.load %arg3[%swap3A_95, %swap3A_96, %swap3A_97] : memref<1x128x324xf32, #tpu.memory_space<vmem>>, vector<1x128x324xf32>
    %swap3A_99 = vector.shape_cast %swap3A_98 : vector<1x128x324xf32> to vector<128x324xf32>
    %swap3A_100 = vector.shape_cast %select_n3A_94 : vector<128x324xf32> to vector<1x128x324xf32>
    tpu.vector_store %arg3[%swap3A_95, %swap3A_96, %swap3A_97], %swap3A_100 {strides = array<i32>} : memref<1x128x324xf32, #tpu.memory_space<vmem>>, vector<1x128x324xf32>,
    %jit3A_101 = arith.constant 1.000000e+00 : f32
    %jit3A_102 = arith.constant 0.000000e+00 : f32
    %broadcast_in_dim3A_103 = vector.broadcast %jit3A_101 : f32 to vector<128x324xf32>
    %broadcast_in_dim3A_104 = vector.broadcast %jit3A_102 : f32 to vector<128x324xf32>
    %select_n3A_105 = arith.select %and3A_73, %broadcast_in_dim3A_103, %broadcast_in_dim3A_104 : vector<128x324xi1>, vector<128x324xf32>
    %swap3A_106 = arith.constant 0 : index
    %swap3A_107 = arith.constant 0 : index
    %swap3A_108 = arith.constant 0 : index
    %swap3A_109 = vector.load %arg4[%swap3A_106, %swap3A_107, %swap3A_108] : memref<1x128x324xf32, #tpu.memory_space<vmem>>, vector<1x128x324xf32>
    %swap3A_110 = vector.shape_cast %swap3A_109 : vector<1x128x324xf32> to vector<128x324xf32>
    %swap3A_111 = vector.shape_cast %select_n3A_105 : vector<128x324xf32> to vector<1x128x324xf32>
    tpu.vector_store %arg4[%swap3A_106, %swap3A_107, %swap3A_108], %swap3A_111 {strides = array<i32>} : memref<1x128x324xf32, #tpu.memory_space<vmem>>, vector<1x128x324xf32>,
    return
  }
  func.func @transform_0(%arg0: i32) -> (i32, i32, i32) {
    %c0_i32 = arith.constant 0 : i32
    %c0_i32_0 = arith.constant 0 : i32
    %c0_i32_1 = arith.constant 0 : i32
    return %arg0, %c0_i32, %c0_i32_0 : i32, i32, i32
  }
  func.func @transform_1(%arg0: i32) -> (i32, i32, i32) {
    %c0_i32 = arith.constant 0 : i32
    %c0_i32_0 = arith.constant 0 : i32
    %c0_i32_1 = arith.constant 0 : i32
    return %arg0, %c0_i32, %c0_i32_0 : i32, i32, i32
  }
  func.func @transform_2(%arg0: i32) -> (i32, i32, i32) {
    %c0_i32 = arith.constant 0 : i32
    %c0_i32_0 = arith.constant 0 : i32
    %c0_i32_1 = arith.constant 0 : i32
    return %arg0, %c0_i32, %c0_i32_0 : i32, i32, i32
  }
  func.func @transform_3(%arg0: i32) -> (i32, i32, i32) {
    %c0_i32 = arith.constant 0 : i32
    %c0_i32_0 = arith.constant 0 : i32
    %c0_i32_1 = arith.constant 0 : i32
    return %arg0, %c0_i32, %c0_i32_0 : i32, i32, i32
  }
}

</mosaic_0001>

<sc_bundles>
// kernel: kernel.5.cloned.1.call-start
scs
__scs_entry_jumppad:
0x0: {  	(pc) =	sbr.rel $0x88, $3  }
0x1: {  	(tag) =	ssettag $0x0;
	lr =	simm.s32 $0x1  }
0x2: {  	[smem:$0x3F9F] =	sst lr;
	_ =	strace $0xD0000000  }
0x3: {  	_ = 	snop  }
0x4: {  	_ = 	snop  }
0x5: {  	_ = 	snop  }
0x6: {  	_ = 	snop  }
0x7: {  	_ = 	snop  }
__scs_overlays_trampoline_lowered:
0x8: {  	[smem:$0x3FAE] =	sst s0  }
0x9: {  	[smem:$0x3FAF] =	sst s1  }
0xa: {  	[smem:$0x3FB0] =	sst s2  }
0xb: {  	[smem:$0x3FB1] =	sst s3  }
0xc: {  	[smem:$0x3FB2] =	sst s4  }
0xd: {  	[smem:$0x3FB3] =	sst s5  }
0xe: {  	[smem:$0x3FB4] =	sst s6  }
0xf: {  	[smem:$0x3FB5] =	sst s7  }
0x10: {  	[smem:$0x3FB6] =	sst s8  }
0x11: {  	[smem:$0x3FB7] =	sst s9;
	s0 =	simm.s32 @!p0 $0x0  }
0x12: {  	s1 =	sld [smem:$0x3F9D];
	s0 =	simm.s32 @p0 $0x1  }
0x13: {  	[smem:$0x3FB8] =	sst s0;
	s0 =	simm.s32 @!p1 $0x0  }
0x14: {  	s2 =	sld [smem:$0x3F9C];
	s0 =	simm.s32 @p1 $0x1  }
0x15: {  	[smem:$0x3FB9] =	sst s0;
	s0 =	simm.s32 @!p2 $0x0  }
0x16: {  	s3 =	sld [smem:$0x3FDB];
	s0 =	simm.s32 @p2 $0x1  }
0x17: {  	s4 =	simm.s32 $0x1BF5;
	[smem:$0x3FBB] =	sst s0  }
0x18: {  	s0 =	sld [smem:$0x3F9E];
	_ =	swait.ge [sflag:s4], $0x0  }
0x19: {  	s7 =	sld [smem:$0x3F9F]  }
0x1a: {  	s8 =	sadd.s32 $0xFFFFE003, lr  }
0x1b: {  	s9 =	sadd.s32 $0xFFFFFEF7, lr;
	s5 =	simm.s32 $0xFFFFFFFF;
	p2 =	slt.u32 s8, $0xFFFFF086  }
0x1c: {  	p1 =	slt.u32 s9, $0xF7A;
	s5 =	simm.s32 @!p2 $0x0  }
0x1d: {  	s5 =	simm.s32 @p1 $0x1;
	p0 =	seq.s32 s7, s2  }
0x1e: {  	s7 =	smul.u32 @!p0 $0xF7A, s2;
	p2 =	seq.s32 @!p0 s5, $0x0  }
0x1f: {  	s9 =	smul.u32 $0xF7A, s1;
	s8 =	simm.s32 @!p0 $0x1BF5;
	p2 =	por !p2, p0  }
0x20: {  	[sflag:s8] =	ssyncset.s32 @!p0 $0xFFFFF086;
	s6 =	sadd.s32 @!p0 s3, s7;
	s7 =	simm.s32 @!p0 $0x108  }
0x21: {  	s3 =	sadd.s32 s3, s9;
	s6 =	sadd.s32 @!p0 $0x88, s6;
	s7 =	simm.s32 @p2 $0x1082  }
0x22: {  	[simem:s7], [sflag:s8] =	dma.local @!p0 [hbm:s6], $0xF7A  }
0x23: {  	s9 =	sor.u32 $0xD0000000, s2;
	s6 =	simm.s32 $0x108;
	_ =	swait.ge @!p0 [sflag:s8], $0x0  }
0x24: {  	s3 =	sadd.s32 $0x88, s3;
	s6 =	simm.s32 @!p1 $0x1082;
	[sflag:s4] =	ssyncset.s32 $0xFFFFF086  }
0x25: {  	[simem:s6], [sflag:s4] =	dma.local [hbm:s3], $0xF7A  }
0x26: {  	[smem:$0x3F9F] =	sst s1;
	(tag) =	ssettag s2;
	_ =	strace s9  }
0x27: {  	s1 =	sld [smem:$0x3FAF]  }
0x28: {  	s2 =	sld [smem:$0x3FB0]  }
0x29: {  	s4 =	sld [smem:$0x3FB2]  }
0x2a: {  	p0 =	seq.s32 s5, $0x0;
	s5 =	sld [smem:$0x3FB3]  }
0x2b: {  	s6 =	sld [smem:$0x3FB4]  }
0x2c: {  	s7 =	sld [smem:$0x3FB5]  }
0x2d: {  	s3 =	simm.s32 $0x108;
	s8 =	sld [smem:$0x3FB6]  }
0x2e: {  	s3 =	simm.s32 @!p0 $0x1082;
	s9 =	sld [smem:$0x3FB7]  }
0x2f: {  	lr =	sadd.s32 s0, s3;
	s0 =	sld [smem:$0x3FAE]  }
0x30: {  	s3 =	sld [smem:$0x3FB1]  }
0x31: {  	[smem:$0x3FBA] =	sst s10  }
0x32: {  	s10 =	sld [smem:$0x3FB8];
	_ =	sdelay $0x3  }
0x33: {  	p0 =	seq.s32 s10, $0x1;
	s10 =	sld [smem:$0x3FBA];
	_ =	sdelay $0x3  }
0x34: {  	[smem:$0x3FBA] =	sst s10  }
0x35: {  	s10 =	sld [smem:$0x3FB9];
	_ =	sdelay $0x3  }
0x36: {  	p1 =	seq.s32 s10, $0x1;
	s10 =	sld [smem:$0x3FBA];
	_ =	sdelay $0x3  }
0x37: {  	[smem:$0x3FBA] =	sst s10  }
0x38: {  	s10 =	sld [smem:$0x3FBB]  }
0x39: {  	_ = 	snop;
	(pc) =	sbr.ind lr, $3  }
0x3a: {  	_ = 	snop  }
0x3b: {  	_ = 	snop  }
0x3c: {  	p2 =	seq.s32 s10, $0x1;
	s10 =	sld [smem:$0x3FBA]  }
0x3d: {  	_ =	shalt  }
0x3e: {  	_ =	shalt  }
0x3f: {  	_ =	shalt  }
0x40: {  	_ =	shalt  }
0x41: {  	_ =	shalt  }
0x42: {  	_ =	shalt  }
0x43: {  	_ =	shalt  }
0x44: {  	_ =	shalt  }
0x45: {  	_ =	shalt  }
0x46: {  	_ =	shalt  }
0x47: {  	_ =	shalt  }
0x48: {  	_ =	shalt  }
0x49: {  	_ =	shalt  }
0x4a: {  	_ =	shalt  }
0x4b: {  	_ =	shalt  }
0x4c: {  	_ =	shalt  }
0x4d: {  	_ =	shalt  }
0x4e: {  	_ =	shalt  }
0x4f: {  	_ =	shalt  }
0x50: {  	_ =	shalt  }
0x51: {  	_ =	shalt  }
0x52: {  	_ =	shalt  }
0x53: {  	_ =	shalt  }
0x54: {  	_ =	shalt  }
0x55: {  	_ =	shalt  }
0x56: {  	_ =	shalt  }
0x57: {  	_ =	shalt  }
0x58: {  	_ =	shalt  }
0x59: {  	_ =	shalt  }
0x5a: {  	_ =	shalt  }
0x5b: {  	_ =	shalt  }
0x5c: {  	_ =	shalt  }
0x5d: {  	_ =	shalt  }
0x5e: {  	_ =	shalt  }
0x5f: {  	_ =	shalt  }
0x60: {  	_ =	shalt  }
0x61: {  	_ =	shalt  }
0x62: {  	_ =	shalt  }
0x63: {  	_ =	shalt  }
0x64: {  	_ =	shalt  }
0x65: {  	_ =	shalt  }
0x66: {  	_ =	shalt  }
0x67: {  	_ =	shalt  }
0x68: {  	_ =	shalt  }
0x69: {  	_ =	shalt  }
0x6a: {  	_ =	shalt  }
0x6b: {  	_ =	shalt  }
0x6c: {  	_ =	shalt  }
0x6d: {  	_ =	shalt  }
0x6e: {  	_ =	shalt  }
0x6f: {  	_ =	shalt  }
0x70: {  	_ =	shalt  }
0x71: {  	_ =	shalt  }
0x72: {  	_ =	shalt  }
0x73: {  	_ =	shalt  }
0x74: {  	_ =	shalt  }
0x75: {  	_ =	shalt  }
0x76: {  	_ =	shalt  }
0x77: {  	_ =	shalt  }
0x78: {  	_ =	shalt  }
0x79: {  	_ =	shalt  }
0x7a: {  	_ =	shalt  }
0x7b: {  	_ =	shalt  }
0x7c: {  	_ =	shalt  }
0x7d: {  	_ =	shalt  }
0x7e: {  	_ =	shalt  }
0x7f: {  	_ =	shalt  }
0x80: {  	_ =	shalt  }
0x81: {  	_ =	shalt  }
0x82: {  	_ =	shalt  }
0x83: {  	_ =	shalt  }
0x84: {  	_ =	shalt  }
0x85: {  	_ =	shalt  }
0x86: {  	_ =	shalt  }
0x87: {  	_ =	shalt  }
.Lfunc_end0:
.L_simem_size_0:
called_computation_lowered:
.L_overlay_start_0:
0x88: {  	s2 =	sld [smem:$0x3FD9]  }
0x89: {  	s3 =	sld [smem:$0x3FFE];
	_ =	sdelay $0x1  }
0x8a: {  	s1 =	srdreg.scid  }
0x8b: {  	s0 =	sand.u32 $0x1, s1  }
0x8c: {  	s14 =	sshll.u32 s0, $0xA;
	s2 =	sadd.s32 s3, s2  }
0x8d: {  	s2 =	sadd.s32 s2, s14  }
0x8e: {  	[smem:$0x3FC6] =	sst s2  }
0x8f: {  	_ = 	snop  }
0x90: {  	s2 =	sld [smem:$0x3FD0];
	_ =	sdelay $0x2  }
0x91: {  	s15 =	simm.s32 $0xA;
	s4 =	simm.s32 $0x10  }
0x92: {  	[smem:s4], [sflag:s15] =	dma.local [hbm:s2], $0x1  }
0x93: {  	_ =	swait.eq [sflag:s15], $0x1  }
0x94: {  	s16 =	sld [smem:$0x10]  }
0x95: {  	s17 =	sld [smem:$0x11];
	[sflag:s15] =	ssyncset.done $0x0  }
0x96: {  	s5 =	sld [smem:$0x12];
	[sflag:s15] =	ssyncadd.s32 $0xFFFFFFFF  }
0x97: {  	s18 =	sld [smem:$0x13];
	(tm) =	ssettm $0x1  }
0x98: {  	s6 =	sld [smem:$0x3FFB];
	_ =	sdelay $0x3  }
0x99: {  	_ =	strace s6  }
0x9a: {  	s6 =	sld [smem:$0x3FFC];
	_ =	sdelay $0x3  }
0x9b: {  	_ =	strace s6  }
0x9c: {  	s6 =	sld [smem:$0x3FFD];
	_ =	sdelay $0x3  }
0x9d: {  	_ =	strace s6  }
0x9e: {  	_ =	strace $0x8FFFFFFF  }
0x9f: {  	s19 =	sld [smem:$0x3FDB];
	_ =	sdelay $0x1  }
0xa0: {  	s7 =	simm.s32 $_scs_section_size  }
0xa1: {  	s8 =	simm.s32 $_size__tile_overlayer_lowered;
	s9 =	simm.s32 $_tile_overlayer_lowered  }
0xa2: {  	s22 =	simm.s32 $0x1BFF;
	s21 =	sshll.u32 s9, $0x1;
	s6 =	sadd.s32 s7, s19  }
0xa3: {  	s10 =	simm.s32 $0x0;
	s20 =	sshll.u32 s8, $0x1;
	s8 =	sadd.s32 s21, s6  }
0xa4: {  	[timem:s10], [sflag:s22] =	dma.local [hbm:s8], s20  }
0xa5: {  	_ =	swait.ge [sflag:s22], s20  }
0xa6: {  	s7 =	ssub.s32 $0x0, s20;
	[sflag:s22] =	ssyncset.done $0x0  }
0xa7: {  	[sflag:s22] =	ssyncadd.s32 s7;
	_ =	sdelay $0x1  }
0xa8: {  	s23 =	simm.s32 $0x1B8B  }
0xa9: {  	_ =	swait.ge [sflag:s23], $0x1  }
0xaa: {  	[sflag:s23] =	ssyncset.done $0x0  }
0xab: {  	s25 =	simm.s32 $0x1B8E;
	s24 =	sld [smem:$0x3FFE];
	[sflag:s23] =	ssyncadd.s32 $0xFFFFFFFF  }
0xac: {  	s26 =	simm.s32 $execute0_lowered;
	[smem:$0x3FD2] =	sst s25  }
0xad: {  	s8 =	sshll.u32 s26, $0x1;
	_ =	strace $0x80000046;
	[dreg:$0x1] =	wrdreg $0xFFFFFFFF  }
0xae: {  	s28 =	simm.s32 $_size_execute0_lowered;
	s6 =	sadd.s32 s6, s8;
	[dreg:$0x0] =	wrdreg $0x0  }
0xaf: {  	s8 =	sshll.u32 s28, $0x1;
	[dreg:$0x2] =	wrdreg s6  }
0xb0: {  	[dreg:$0x3] =	wrdreg s8  }
0xb1: {  	[dreg:$0x4] =	wrdreg $0xC0  }
0xb2: {  	_ =	task [dreg:s10], $0x5FFFF  }
0xb3: {  	[dreg:$0x1] =	wrdreg $0xFFFFFFFF  }
0xb4: {  	[dreg:$0x0] =	wrdreg $0x60  }
0xb5: {  	[dreg:$0x2] =	wrdreg s18  }
0xb6: {  	[dreg:$0x3] =	wrdreg s24  }
0xb7: {  	[dreg:$0x4] =	wrdreg s5  }
0xb8: {  	[dreg:$0x5] =	wrdreg s16  }
0xb9: {  	[dreg:$0x6] =	wrdreg s17  }
0xba: {  	[dreg:$0x7] =	wrdreg $0x9  }
0xbb: {  	_ =	task.clear_ibuf [dreg:s10], $0x8FFFF;
	_ =	strace $0x90000046  }
0xbc: {  	s29 =	simm.s32 $0x9;
	_ =	strace $0x80000048  }
0xbd: {  	_ =	swait.ge [sflag:s29], $0x1  }
0xbe: {  	[sflag:s29] =	ssyncadd.s32 $0xFFFFFFFF  }
0xbf: {  	_ =	strace $0x90000048  }
0xc0: {  	_ =	sfence  }
0xc1: {  	s30 =	sld [smem:$0x0];
	_ =	sdelay $0x2  }
0xc2: {  	s31 =	sshll.u32 s1, $0xD;
	s1 =	sshrl.u32 s1, $0x2  }
0xc3: {  	s3 =	sand.u32 $0x4000, s31;
	s1 =	sadd.s32 s1, s30  }
0xc4: {  	s0 =	sor.u32 s3, s0;
	s1 =	sshll.u32 s1, $0x11  }
0xc5: {  	s0 =	sor.u32 s1, s0  }
0xc6: {  	s0 =	sadd.s32 $0x8F2B, s0  }
0xc7: {  	[sflag:s0] =	ssyncadd.remote.s32 $0x1  }
0xc8: {  	_ =	sfence.sel $0xFFFF  }
0xc9: {  	[dreg:$0x0] =	wrdreg $0xFFFFFFFF;
	(pc) =	sbr.abs _section_cstart, $3  }
0xca: {  	[dreg:$0x1] =	wrdreg $0xFFFFFFFF  }
0xcb: {  	_ =	task.clear_ibuf [dreg:s10], $0x2FFFF;
	_ =	strace $0x9FFFFFFF  }
0xcc: {  	(tm) =	ssettm $0x7FFFFFFF  }
0xcd: {  	_ =	shalt  }
tec
execute0_lowered:
.L_overlay_start_1:
0x0: {  	(tag) =	ssettag $0x1  }
0x1: {  	s1 =	rddreg [dreg:$0x0]  }
0x2: {  	s2 =	rddreg [dreg:$0x1]  }
0x3: {  	s6 =	rddreg [dreg:$0x3]  }
0x4: {  	s7 =	rddreg [dreg:$0x4];
	s3 =	simm.s32 $0x0;
	s13 =	stileid.u32  }
0x5: {  	s0 =	srdreg.scid;
	v1 =	vlaneseq.u32;
	v19 =	vimm.s32 $0xBA987654;
	s14 =	simm.s32 $0x2;
	s15 =	simm.s32 $0x5000  }
0x6: {  	vm0 =	vmxor vm0, vm0;
	s25 =	simm.s32 $0x5580;
	v21 =	vimm.s32 $0x32100000;
	s16 =	simm.s32 $0x5080;
	s26 =	simm.s32 $0x8680;
	v28 =	vimm.f32 $-3.000000000e+00  }
0x7: {  	s17 =	simm.s32 $0x8700;
	s18 =	simm.s32 $0x60;
	vm1 =	vcmask $0xF0C;
	vm2 =	vcmask $0xF08;
	vm3 =	vmmov $0x1;
	s28 =	simm.s32 $0x8B80  }
0x8: {  	s29 =	simm.s32 $0x8980;
	s30 =	simm.s32 $0x8C00;
	vm4 =	vmmov $0xf;
	vm5 =	vmmov $0xff;
	vm6 =	vmmov $0x1ff;
	s5 =	smul.u32 $0x14000, s13  }
0x9: {  	s31 =	simm.s32 $0x5600;
	[smem:$0x7FF] =	sst s3;
	s8 =	smul.u32 $0xA000, s13;
	v5 =	vand.u32 $0x7, v1;
	v4 =	vmul.u32 $0x10, v1;
	v23 =	vunpack.c.l.s4.s8 v19  }
0xa: {  	s4 =	sadd.s32 $0x1800, s2;
	s0 =	sand.u32 $0x1, s0;
	s20 =	smul.u32 $0x5000, s13;
	v25 =	vunpack.c.l.s4.s8 v21;
	v22 =	vor.u32 $0x80000010, v1;
	v24 =	vor.u32 $0x80000030, v1  }
0xb: {  	s11 =	sshll.u32 s13, $0xB;
	s24 =	sshll.u32 s13, $0x4;
	v26 =	vor.u32 $0x80000000, v1;
	p0 =	seq.s32 s0, $0x0;
	v7 =	vmul.u32 $0x10, v5;
	v0 =	vmov s5  }
0xc: {  	_ =	strace $0x80000047;
	s12 =	ssub.s32 $0x2, s0;
	s21 =	sshll.u32 s0, $0x7;
	v6 =	vmov s20;
	vm0 =	vmneg @p0 vm0;
	v8 =	vor.u32 $0x1, v4  }
0xd: {  	s2 =	sadd.s32 s11, s2;
	s6 =	sadd.s32 s6, s24;
	[dreg:$0x6] =	wrdreg s25;
	v9 =	vor.u32 $0x2, v4;
	v10 =	vor.u32 $0x3, v4;
	v11 =	vor.u32 $0x4, v4  }
0xe: {  	s7 =	sadd.s32 s7, s24;
	[dreg:$0x7] =	wrdreg s26;
	s25 =	simm.s32 $0x8B00;
	v12 =	vor.u32 $0x5, v4;
	v13 =	vor.u32 $0x6, v4;
	v14 =	vor.u32 $0x7, v4  }
0xf: {  	s9 =	sadd.s32 $0x5000, s5;
	s10 =	sadd.s32 $0xA000, s5;
	s5 =	sadd.s32 $0xF000, s5;
	v15 =	vor.u32 $0x8, v4;
	v16 =	vor.u32 $0x9, v4;
	v17 =	vor.u32 $0xA, v4  }
0x10: {  	s22 =	sshrl.u32 s12, $0x1;
	s8 =	sor.u32 s21, s8;
	v18 =	vor.u32 $0xB, v4;
	v19 =	vor.u32 $0xC, v4;
	v20 =	vor.u32 $0xD, v4;
	s20 =	simm.s32 $0x8A00  }
0x11: {  	v21 =	vor.u32 $0xE, v4;
	v27 =	vunpack.c.0.s8.s32 v23;
	v23 =	vor.u32 $0x80000020, v1;
	s21 =	simm.s32 $0x1;
	p0 =	sne.s32 s0, $0x0;
	s0 =	simm.s32 $0x8600  }
0x12: {  	v29 =	vunpack.c.0.s8.s32 v25;
	v25 =	vor.u32 $0xF, v4;
	v2 =	vmov s9;
	s11 =	ssub.s32 s12, s22;
	s23 =	sshrl.u32 s8, $0x3;
	s8 =	sadd.s32 $0x29A00, s2  }
0x13: {  	v3 =	vmov s10;
	v5 =	vmov s5;
	s9 =	sadd.s32 $0x4, s7;
	s10 =	sadd.s32 $0x29800, s2;
	s2 =	simm.s32 $0x0;
	v30 =	vand.u32 $0xF, v27  }
0x14: {  	v7 =	vor.u32 $0xFFFFFF80, v7;
	s5 =	sadd.s32 s1, s23;
	s11 =	smax.u32 s11, $0x1;
	s23 =	simm.s32 $0x8A80;
	v27 =	vor.u32 $0x80000040, v1;
	v29 =	vcombine.low v29, v30  }
.LBB2_1:
0x15: {  	s1 =	simm.s32 $0x80;
	s12 =	simm.s32 $0x100  }
0x16: {  	[tilespmem:s3], [sflag:$0x2] =	stream.strided.gather [hbm4b:s5+s1], $0x5000, s12, s1, $0x38;
	[tilespmem:$0x8C80] =	vst v63  }
0x17: {  	_ =	swait.ge [sflag:s14], $0x5000  }
0x18: {  	[sflag:s14] =	ssyncset.done $0x0  }
0x19: {  	v30 =	vor.u32 s3, v4;
	v31 =	vor.u32 s3, v8;
	[sflag:s14] =	ssyncadd.s32 $0xFFFFB000  }
0x1a: {  	v30 =	vand.u32 v7, v30;
	[tilespmem:s15], [sflag:$0x2] =	stream.linear.gather [hbm4b:s6+s3], $0x80, $0x38;
	[tilespmem:$0x8C80] =	vst v63  }
0x1b: {  	v32 =	vor.u32 s3, v9;
	_ =	swait.ge [sflag:s14], $0x80  }
0x1c: {  	v33 =	vor.u32 s3, v10;
	[sflag:s14] =	ssyncset.done $0x0  }
0x1d: {  	v34 =	vor.u32 s3, v11;
	[sflag:s14] =	ssyncadd.s32 $0xFFFFFF80  }
0x1e: {  	v35 =	vor.u32 s3, v12;
	v31 =	vld.idx.msk [tilespmem:v31+s3+$0x0], $0xffff  }
0x1f: {  	v36 =	vor.u32 s3, v13;
	v30 =	vld.idx.msk [tilespmem:v30+s3+$0x0], $0xffff  }
0x20: {  	v37 =	vor.u32 s3, v14;
	v32 =	vld.idx.msk [tilespmem:v32+s3+$0x0], $0xffff  }
0x21: {  	v38 =	vor.u32 s3, v15;
	v33 =	vld.idx.msk [tilespmem:v33+s3+$0x0], $0xffff  }
0x22: {  	v39 =	vor.u32 s3, v16;
	v34 =	vld.idx.msk [tilespmem:v34+s3+$0x0], $0xffff  }
0x23: {  	v40 =	vor.u32 s3, v17;
	v35 =	vld.idx.msk [tilespmem:v35+s3+$0x0], $0xffff  }
0x24: {  	v41 =	vor.u32 s3, v18;
	v36 =	vld.idx.msk [tilespmem:v36+s3+$0x0], $0xffff;
	v30 =	vmax.f32 v30, v31  }
0x25: {  	v56 =	vor.u32 s3, v19;
	v31 =	vld.idx.msk [tilespmem:v37+s3+$0x0], $0xffff;
	v30 =	vmax.f32 v30, v32  }
0x26: {  	v58 =	vor.u32 s3, v20;
	v57 =	vld.idx.msk [tilespmem:v38+s3+$0x0], $0xffff;
	v30 =	vmax.f32 v30, v33  }
0x27: {  	v60 =	vor.u32 s3, v21;
	v59 =	vld.idx.msk [tilespmem:v39+s3+$0x0], $0xffff;
	v30 =	vmax.f32 v30, v34  }
0x28: {  	v62 =	vor.u32 s3, v25;
	v61 =	vld.idx.msk [tilespmem:v40+s3+$0x0], $0xffff;
	v30 =	vmax.f32 v30, v35  }
0x29: {  	v63 =	vld.idx.msk [tilespmem:v41+s3+$0x0], $0xffff;
	v30 =	vmax.f32 v30, v36  }
0x2a: {  	v41 =	vld.idx.msk [tilespmem:v56+s3+$0x0], $0xffff;
	v30 =	vmax.f32 v30, v31  }
0x2b: {  	v31 =	vld.idx.msk [tilespmem:v58+s3+$0x0], $0xffff;
	v30 =	vmax.f32 v30, v57  }
0x2c: {  	v42 =	vld.idx.msk [tilespmem:v60+s3+$0x0], $0xffff;
	v30 =	vmax.f32 v30, v59  }
0x2d: {  	v43 =	vld.idx.msk [tilespmem:v62+s3+$0x0], $0xffff;
	v30 =	vmax.f32 v30, v61  }
0x2e: {  	s26 =	simm.s32 $0x100;
	v30 =	vmax.f32 v30, v63  }
0x2f: {  	v44 =	vor.u32 s26, v4;
	v45 =	vor.u32 s26, v8;
	v30 =	vmax.f32 v30, v41  }
0x30: {  	v34 =	vand.u32 v7, v44;
	v30 =	vmax.f32 v30, v31  }
0x31: {  	v31 =	vor.u32 s26, v9;
	v30 =	vmax.f32 v30, v42  }
0x32: {  	v46 =	vor.u32 s26, v10;
	v30 =	vmax.f32 v30, v43  }
0x33: {  	v47 =	vor.u32 s26, v11;
	[tilespmem:s16+$0x0] =	vst v30  }
0x34: {  	v48 =	vor.u32 s26, v12;
	v30 =	vld.idx.msk [tilespmem:v45+s3+$0x0], $0xffff  }
0x35: {  	v49 =	vor.u32 s26, v13;
	v34 =	vld.idx.msk [tilespmem:v34+s3+$0x0], $0xffff  }
0x36: {  	v50 =	vor.u32 s26, v14;
	v31 =	vld.idx.msk [tilespmem:v31+s3+$0x0], $0xffff  }
0x37: {  	v51 =	vor.u32 s26, v15;
	v32 =	vld.idx.msk [tilespmem:v46+s3+$0x0], $0xffff  }
0x38: {  	v52 =	vor.u32 s26, v16;
	v33 =	vld.idx.msk [tilespmem:v47+s3+$0x0], $0xffff  }
0x39: {  	v53 =	vor.u32 s26, v17;
	v35 =	vld.idx.msk [tilespmem:v48+s3+$0x0], $0xffff  }
0x3a: {  	v54 =	vor.u32 s26, v18;
	v36 =	vld.idx.msk [tilespmem:v49+s3+$0x0], $0xffff;
	v30 =	vmax.f32 v34, v30  }
0x3b: {  	v56 =	vor.u32 s26, v19;
	v55 =	vld.idx.msk [tilespmem:v50+s3+$0x0], $0xffff;
	v30 =	vmax.f32 v30, v31  }
0x3c: {  	v58 =	vor.u32 s26, v20;
	v31 =	vld.idx.msk [tilespmem:v51+s3+$0x0], $0xffff;
	v30 =	vmax.f32 v30, v32  }
0x3d: {  	v60 =	vor.u32 s26, v21;
	v57 =	vld.idx.msk [tilespmem:v52+s3+$0x0], $0xffff;
	v30 =	vmax.f32 v30, v33  }
0x3e: {  	v62 =	vor.u32 s26, v25;
	v59 =	vld.idx.msk [tilespmem:v53+s3+$0x0], $0xffff;
	v30 =	vmax.f32 v30, v35  }
0x3f: {  	v61 =	vld.idx.msk [tilespmem:v54+s3+$0x0], $0xffff;
	v30 =	vmax.f32 v30, v36  }
0x40: {  	v37 =	vld.idx.msk [tilespmem:v56+s3+$0x0], $0xffff;
	v30 =	vmax.f32 v30, v55  }
0x41: {  	v30 =	vmax.f32 v30, v31;
	v31 =	vld.idx.msk [tilespmem:v58+s3+$0x0], $0xffff  }
0x42: {  	v32 =	vld.idx.msk [tilespmem:v60+s3+$0x0], $0xffff;
	v30 =	vmax.f32 v30, v57  }
0x43: {  	v33 =	vld.idx.msk [tilespmem:v62+s3+$0x0], $0xffff;
	v30 =	vmax.f32 v30, v59  }
0x44: {  	s12 =	simm.s32 $0x200;
	v63 =	vmax.f32 v30, v61  }
0x45: {  	s19 =	simm.s32 $0x300;
	s13 =	simm.s32 $0x5080;
	v34 =	vor.u32 s12, v4;
	v30 =	vor.u32 s12, v8;
	v35 =	vmax.f32 v63, v37  }
.LBB2_2:
0x46: {  	p1 =	sne.s32 s19, $0x4F00;
	v34 =	vand.u32 v7, v34;
	v31 =	vmax.f32 v35, v31  }
0x47: {  	v35 =	vor.u32 s12, v9;
	v31 =	vmax.f32 v31, v32  }
0x48: {  	s13 =	sadd.s32 $0x10, s13;
	v32 =	vor.u32 s12, v10;
	v31 =	vmax.f32 v31, v33  }
0x49: {  	s1 =	simm.s32 $0x0;
	v33 =	vor.u32 s12, v11;
	[tilespmem:s13+$0x0] =	vst v31  }
0x4a: {  	v31 =	vor.u32 s12, v12;
	v30 =	vld.idx.msk [tilespmem:v30+s1+$0x0], $0xffff  }
0x4b: {  	v36 =	vor.u32 s12, v13;
	v34 =	vld.idx.msk [tilespmem:v34+s1+$0x0], $0xffff  }
0x4c: {  	v37 =	vor.u32 s12, v14;
	v35 =	vld.idx.msk [tilespmem:v35+s1+$0x0], $0xffff  }
0x4d: {  	v38 =	vor.u32 s12, v15;
	v32 =	vld.idx.msk [tilespmem:v32+s1+$0x0], $0xffff  }
0x4e: {  	v39 =	vor.u32 s12, v16;
	v33 =	vld.idx.msk [tilespmem:v33+s1+$0x0], $0xffff  }
0x4f: {  	v40 =	vor.u32 s12, v17;
	v31 =	vld.idx.msk [tilespmem:v31+s1+$0x0], $0xffff  }
0x50: {  	v41 =	vor.u32 s12, v18;
	v36 =	vld.idx.msk [tilespmem:v36+s1+$0x0], $0xffff  }
0x51: {  	v30 =	vmax.f32 v34, v30;
	v34 =	vld.idx.msk [tilespmem:v37+s1+$0x0], $0xffff;
	v37 =	vor.u32 s12, v19  }
0x52: {  	v30 =	vmax.f32 v30, v35;
	v35 =	vld.idx.msk [tilespmem:v38+s1+$0x0], $0xffff;
	v38 =	vor.u32 s12, v20  }
0x53: {  	v30 =	vmax.f32 v30, v32;
	v32 =	vor.u32 s12, v21;
	v39 =	vld.idx.msk [tilespmem:v39+s1+$0x0], $0xffff  }
0x54: {  	v30 =	vmax.f32 v30, v33;
	v33 =	vor.u32 s12, v25;
	s12 =	smov.u32 s19;
	v40 =	vld.idx.msk [tilespmem:v40+s1+$0x0], $0xffff  }
0x55: {  	v30 =	vmax.f32 v30, v31;
	v41 =	vld.idx.msk [tilespmem:v41+s1+$0x0], $0xffff  }
0x56: {  	v30 =	vmax.f32 v30, v36;
	v36 =	vld.idx.msk [tilespmem:v37+s1+$0x0], $0xffff  }
0x57: {  	v30 =	vmax.f32 v30, v34;
	v31 =	vld.idx.msk [tilespmem:v38+s1+$0x0], $0xffff  }
.Ltmp0:
0x58: {  	v30 =	vmax.f32 v30, v35;
	v32 =	vld.idx.msk [tilespmem:v32+s1+$0x0], $0xffff;
	(pc) =	sbr.rel @p1 .LBB2_2-.Ltmp0, $4  }
0x59: {  	v30 =	vmax.f32 v30, v39;
	v33 =	vld.idx.msk [tilespmem:v33+s1+$0x0], $0xffff  }
0x5a: {  	v30 =	vmax.f32 v30, v40  }
0x5b: {  	v35 =	vmax.f32 v30, v41  }
0x5c: {  	s19 =	sadd.s32 $0x100, s19;
	v34 =	vor.u32 s12, v4;
	v30 =	vor.u32 s12, v8;
	v35 =	vmax.f32 v35, v36  }
0x5d: {  	v34 =	vand.u32 v7, v34;
	v31 =	vmax.f32 v35, v31  }
0x5e: {  	v49 =	vor.u32 s12, v9;
	v31 =	vmax.f32 v31, v32  }
0x5f: {  	v50 =	vor.u32 s12, v10;
	s13 =	sadd.s32 $0x10, s13;
	v31 =	vmax.f32 v31, v33  }
0x60: {  	v51 =	vor.u32 s12, v11;
	[tilespmem:s13+$0x0] =	vst v31  }
0x61: {  	v31 =	vor.u32 s12, v12;
	v30 =	vld.idx.msk [tilespmem:v30+s1+$0x0], $0xffff  }
0x62: {  	v36 =	vor.u32 s12, v13;
	v34 =	vld.idx.msk [tilespmem:v34+s1+$0x0], $0xffff  }
0x63: {  	v37 =	vor.u32 s12, v14;
	v35 =	vld.idx.msk [tilespmem:v49+s1+$0x0], $0xffff  }
0x64: {  	v38 =	vor.u32 s12, v15;
	v32 =	vld.idx.msk [tilespmem:v50+s1+$0x0], $0xffff  }
0x65: {  	v39 =	vor.u32 s12, v16;
	v33 =	vld.idx.msk [tilespmem:v51+s1+$0x0], $0xffff  }
0x66: {  	v40 =	vor.u32 s12, v17;
	v31 =	vld.idx.msk [tilespmem:v31+s1+$0x0], $0xffff  }
0x67: {  	v41 =	vor.u32 s12, v18;
	v36 =	vld.idx.msk [tilespmem:v36+s1+$0x0], $0xffff;
	v30 =	vmax.f32 v34, v30  }
0x68: {  	v53 =	vor.u32 s12, v19;
	v52 =	vld.idx.msk [tilespmem:v37+s1+$0x0], $0xffff;
	v30 =	vmax.f32 v30, v35  }
0x69: {  	v55 =	vor.u32 s12, v20;
	v54 =	vld.idx.msk [tilespmem:v38+s1+$0x0], $0xffff;
	v30 =	vmax.f32 v30, v32  }
0x6a: {  	v57 =	vor.u32 s12, v21;
	v56 =	vld.idx.msk [tilespmem:v39+s1+$0x0], $0xffff;
	v30 =	vmax.f32 v30, v33  }
0x6b: {  	v59 =	vor.u32 s12, v25;
	v58 =	vld.idx.msk [tilespmem:v40+s1+$0x0], $0xffff;
	v30 =	vmax.f32 v30, v31  }
0x6c: {  	v31 =	vld.idx.msk [tilespmem:v41+s1+$0x0], $0xffff;
	v30 =	vmax.f32 v30, v36  }
0x6d: {  	v60 =	vld.idx.msk [tilespmem:v53+s1+$0x0], $0xffff;
	v30 =	vmax.f32 v30, v52  }
0x6e: {  	v61 =	vld.idx.msk [tilespmem:v55+s1+$0x0], $0xffff;
	v30 =	vmax.f32 v30, v54  }
0x6f: {  	v62 =	vld.idx.msk [tilespmem:v57+s1+$0x0], $0xffff;
	v30 =	vmax.f32 v30, v56  }
0x70: {  	v63 =	vld.idx.msk [tilespmem:v59+s1+$0x0], $0xffff;
	v30 =	vmax.f32 v30, v58  }
0x71: {  	p3 =	por $0x1, $0x1;
	v30 =	vmax.f32 v30, v31  }
.Ltmp1:
0x72: {  	v30 =	vmax.f32 v30, v60;
	(pc) =	sbr.rel @!p3 .LBB2_4-.Ltmp1, $4  }
0x73: {  	v30 =	vmax.f32 v30, v61  }
0x74: {  	v30 =	vmax.f32 v30, v62  }
0x75: {  	s19 =	simm.s32 $0x100;
	s13 =	sadd.s32 $0x10, s13;
	v30 =	vmax.f32 v30, v63  }
0x76: {  	p1 =	por $0x0, $0x0;
	p2 =	por $0x0, $0x0;
	s12 =	simm.s32 $0x5580;
	v34 =	vor.u32 s1, v4;
	[tilespmem:s13+$0x0] =	vst v30;
	v30 =	vor.u32 s1, v8  }
0x77: {  	v31 =	vand.u32 v7, v34  }
0x78: {  	v32 =	vor.u32 s1, v9  }
0x79: {  	v33 =	vor.u32 s1, v10  }
0x7a: {  	v54 =	vor.u32 s1, v11  }
0x7b: {  	v30 =	vld.idx.msk [tilespmem:v30+s16+$0x0], $0xffff;
	v35 =	vor.u32 s1, v12  }
0x7c: {  	v36 =	vor.u32 s1, v13;
	v31 =	vld.idx.msk [tilespmem:v31+s16+$0x0], $0xffff  }
0x7d: {  	v37 =	vor.u32 s1, v14;
	v32 =	vld.idx.msk [tilespmem:v32+s16+$0x0], $0xffff  }
0x7e: {  	v38 =	vor.u32 s1, v15;
	v33 =	vld.idx.msk [tilespmem:v33+s16+$0x0], $0xffff  }
0x7f: {  	v39 =	vor.u32 s1, v16;
	v34 =	vld.idx.msk [tilespmem:v54+s16+$0x0], $0xffff  }
0x80: {  	v40 =	vor.u32 s1, v17;
	v35 =	vld.idx.msk [tilespmem:v35+s16+$0x0], $0xffff  }
0x81: {  	v41 =	vor.u32 s1, v18;
	v36 =	vld.idx.msk [tilespmem:v36+s16+$0x0], $0xffff;
	v30 =	vmax.f32 v31, v30  }
0x82: {  	v55 =	vor.u32 s1, v19;
	v31 =	vld.idx.msk [tilespmem:v37+s16+$0x0], $0xffff;
	v30 =	vmax.f32 v30, v32  }
0x83: {  	v56 =	vld.idx.msk [tilespmem:v38+s16+$0x0], $0xffff;
	v30 =	vmax.f32 v30, v33  }
0x84: {  	v57 =	vld.idx.msk [tilespmem:v39+s16+$0x0], $0xffff;
	v30 =	vmax.f32 v30, v34  }
0x85: {  	v62 =	vor.u32 s1, v25;
	v59 =	vld.idx.msk [tilespmem:v40+s16+$0x0], $0xffff;
	v30 =	vmax.f32 v30, v35  }
0x86: {  	v60 =	vor.u32 s1, v21;
	v61 =	vld.idx.msk [tilespmem:v41+s16+$0x0], $0xffff;
	v30 =	vmax.f32 v30, v36  }
0x87: {  	v58 =	vor.u32 s1, v20;
	p3 =	por $0x1, $0x1;
	v37 =	vld.idx.msk [tilespmem:v55+s16+$0x0], $0xffff;
	v30 =	vmax.f32 v30, v31  }
.Ltmp2:
0x88: {  	v30 =	vmax.f32 v30, v56;
	(pc) =	sbr.rel @!p3 .LBB2_6-.Ltmp2, $4  }
0x89: {  	v30 =	vmax.f32 v30, v57  }
0x8a: {  	v32 =	vld.idx.msk [tilespmem:v62+s16+$0x0], $0xffff;
	v30 =	vmax.f32 v30, v59  }
0x8b: {  	v33 =	vld.idx.msk [tilespmem:v60+s16+$0x0], $0xffff;
	v63 =	vmax.f32 v30, v61  }
0x8c: {  	s13 =	simm.s32 $0x200;
	p1 =	por $0x1, $0x1;
	v34 =	vor.u32 s19, v4;
	v31 =	vld.idx.msk [tilespmem:v58+s16+$0x0], $0xffff;
	v30 =	vor.u32 s19, v8;
	v35 =	vmax.f32 v63, v37  }
0x8d: {  	_ =	sdelay $0x3  }
0x8e: {  	v34 =	vand.u32 v7, v34;
	v31 =	vmax.f32 v35, v31  }
0x8f: {  	v51 =	vor.u32 s19, v9;
	v31 =	vmax.f32 v31, v33  }
0x90: {  	v52 =	vor.u32 s19, v10;
	v31 =	vmax.f32 v31, v32  }
0x91: {  	v53 =	vor.u32 s19, v11;
	[tilespmem:s12+$0x0] =	vst v31  }
0x92: {  	v31 =	vor.u32 s19, v12;
	v30 =	vld.idx.msk [tilespmem:v30+s16+$0x0], $0xffff  }
0x93: {  	v36 =	vor.u32 s19, v13;
	v34 =	vld.idx.msk [tilespmem:v34+s16+$0x0], $0xffff  }
0x94: {  	v37 =	vor.u32 s19, v14;
	v35 =	vld.idx.msk [tilespmem:v51+s16+$0x0], $0xffff  }
0x95: {  	v38 =	vor.u32 s19, v15;
	v33 =	vld.idx.msk [tilespmem:v52+s16+$0x0], $0xffff  }
0x96: {  	v39 =	vor.u32 s19, v16;
	v32 =	vld.idx.msk [tilespmem:v53+s16+$0x0], $0xffff  }
0x97: {  	v40 =	vor.u32 s19, v17;
	v31 =	vld.idx.msk [tilespmem:v31+s16+$0x0], $0xffff  }
0x98: {  	v41 =	vor.u32 s19, v18;
	v36 =	vld.idx.msk [tilespmem:v36+s16+$0x0], $0xffff;
	v30 =	vmax.f32 v34, v30  }
0x99: {  	v55 =	vor.u32 s19, v19;
	v54 =	vld.idx.msk [tilespmem:v37+s16+$0x0], $0xffff;
	v30 =	vmax.f32 v30, v35  }
0x9a: {  	v58 =	vor.u32 s19, v20;
	v56 =	vld.idx.msk [tilespmem:v38+s16+$0x0], $0xffff;
	v30 =	vmax.f32 v30, v33  }
0x9b: {  	v60 =	vor.u32 s19, v21;
	v57 =	vld.idx.msk [tilespmem:v39+s16+$0x0], $0xffff;
	v30 =	vmax.f32 v30, v32  }
0x9c: {  	v62 =	vor.u32 s19, v25;
	v59 =	vld.idx.msk [tilespmem:v40+s16+$0x0], $0xffff;
	v30 =	vmax.f32 v30, v31  }
0x9d: {  	v61 =	vld.idx.msk [tilespmem:v41+s16+$0x0], $0xffff;
	v30 =	vmax.f32 v30, v36  }
0x9e: {  	p3 =	por $0x1, $0x1;
	v37 =	vld.idx.msk [tilespmem:v55+s16+$0x0], $0xffff;
	v30 =	vmax.f32 v30, v54  }
.Ltmp3:
0x9f: {  	v31 =	vld.idx.msk [tilespmem:v58+s16+$0x0], $0xffff;
	v30 =	vmax.f32 v30, v56;
	(pc) =	sbr.rel @!p3 .LBB2_8-.Ltmp3, $4  }
0xa0: {  	v33 =	vld.idx.msk [tilespmem:v60+s16+$0x0], $0xffff;
	v30 =	vmax.f32 v30, v57  }
0xa1: {  	v32 =	vld.idx.msk [tilespmem:v62+s16+$0x0], $0xffff;
	v30 =	vmax.f32 v30, v59  }
0xa2: {  	v63 =	vmax.f32 v30, v61  }
0xa3: {  	p2 =	por $0x1, $0x1;
	s22 =	simm.s32 $0x5580;
	s19 =	simm.s32 $0x300;
	v34 =	vor.u32 s13, v4;
	v30 =	vor.u32 s13, v8;
	v35 =	vmax.f32 v63, v37  }
.LBB2_9:
0xa4: {  	p3 =	sne.s32 s19, $0x400;
	v34 =	vand.u32 v7, v34;
	v31 =	vmax.f32 v35, v31  }
0xa5: {  	v35 =	vor.u32 s13, v9;
	v31 =	vmax.f32 v31, v33  }
0xa6: {  	s22 =	sadd.s32 $0x10, s22;
	v33 =	vor.u32 s13, v10;
	v31 =	vmax.f32 v31, v32  }
0xa7: {  	v32 =	vor.u32 s13, v11;
	[tilespmem:s22+$0x0] =	vst v31  }
0xa8: {  	v31 =	vor.u32 s13, v12;
	v30 =	vld.idx.msk [tilespmem:v30+s16+$0x0], $0xffff  }
0xa9: {  	v36 =	vor.u32 s13, v13;
	v34 =	vld.idx.msk [tilespmem:v34+s16+$0x0], $0xffff  }
0xaa: {  	v37 =	vor.u32 s13, v14;
	v35 =	vld.idx.msk [tilespmem:v35+s16+$0x0], $0xffff  }
0xab: {  	v38 =	vor.u32 s13, v15;
	v33 =	vld.idx.msk [tilespmem:v33+s16+$0x0], $0xffff  }
0xac: {  	v39 =	vor.u32 s13, v16;
	v32 =	vld.idx.msk [tilespmem:v32+s16+$0x0], $0xffff  }
0xad: {  	v40 =	vor.u32 s13, v17;
	v31 =	vld.idx.msk [tilespmem:v31+s16+$0x0], $0xffff  }
0xae: {  	v41 =	vor.u32 s13, v18;
	v36 =	vld.idx.msk [tilespmem:v36+s16+$0x0], $0xffff  }
0xaf: {  	v30 =	vmax.f32 v34, v30;
	v34 =	vld.idx.msk [tilespmem:v37+s16+$0x0], $0xffff;
	v37 =	vor.u32 s13, v19  }
0xb0: {  	v30 =	vmax.f32 v30, v35;
	v35 =	vld.idx.msk [tilespmem:v38+s16+$0x0], $0xffff;
	v38 =	vor.u32 s13, v20  }
0xb1: {  	v30 =	vmax.f32 v30, v33;
	v33 =	vor.u32 s13, v21;
	v39 =	vld.idx.msk [tilespmem:v39+s16+$0x0], $0xffff  }
0xb2: {  	v30 =	vmax.f32 v30, v32;
	v32 =	vor.u32 s13, v25;
	s13 =	smov.u32 s19;
	v40 =	vld.idx.msk [tilespmem:v40+s16+$0x0], $0xffff  }
0xb3: {  	v30 =	vmax.f32 v30, v31;
	v41 =	vld.idx.msk [tilespmem:v41+s16+$0x0], $0xffff  }
0xb4: {  	v30 =	vmax.f32 v30, v36;
	v36 =	vld.idx.msk [tilespmem:v37+s16+$0x0], $0xffff  }
0xb5: {  	v30 =	vmax.f32 v30, v34;
	v31 =	vld.idx.msk [tilespmem:v38+s16+$0x0], $0xffff  }
.Ltmp4:
0xb6: {  	v30 =	vmax.f32 v30, v35;
	v33 =	vld.idx.msk [tilespmem:v33+s16+$0x0], $0xffff;
	(pc) =	sbr.rel @p3 .LBB2_9-.Ltmp4, $4  }
0xb7: {  	v30 =	vmax.f32 v30, v39;
	v32 =	vld.idx.msk [tilespmem:v32+s16+$0x0], $0xffff  }
0xb8: {  	v30 =	vmax.f32 v30, v40  }
0xb9: {  	v35 =	vmax.f32 v30, v41  }
0xba: {  	s19 =	sadd.s32 $0x100, s19;
	v34 =	vor.u32 s13, v4;
	v30 =	vor.u32 s13, v8;
	v35 =	vmax.f32 v35, v36  }
0xbb: {  	s19 =	smov.u32 s13  }
.LBB2_11:
0xbc: {  	v34 =	vand.u32 v7, v34;
	v31 =	vmax.f32 @p1 v35, v31  }
0xbd: {  	v49 =	vor.u32 s19, v9;
	s13 =	sadd.s32 @p2 $0x10, s22;
	s22 =	simm.s32 $0x5580;
	v31 =	vmax.f32 @p1 v31, v33  }
0xbe: {  	v50 =	vor.u32 s19, v10;
	s22 =	smov.u32 @p2 s13;
	v31 =	vmax.f32 @p1 v31, v32  }
0xbf: {  	v51 =	vor.u32 s19, v11;
	[tilespmem:s22+$0x0] =	vst @p1 v31  }
0xc0: {  	v31 =	vor.u32 s19, v12;
	v30 =	vld.idx.msk [tilespmem:v30+s16+$0x0], $0xffff  }
0xc1: {  	v36 =	vor.u32 s19, v13;
	v34 =	vld.idx.msk [tilespmem:v34+s16+$0x0], $0xffff  }
0xc2: {  	v37 =	vor.u32 s19, v14;
	v35 =	vld.idx.msk [tilespmem:v49+s16+$0x0], $0xffff  }
0xc3: {  	v38 =	vor.u32 s19, v15;
	v33 =	vld.idx.msk [tilespmem:v50+s16+$0x0], $0xffff  }
0xc4: {  	v39 =	vor.u32 s19, v16;
	v32 =	vld.idx.msk [tilespmem:v51+s16+$0x0], $0xffff  }
0xc5: {  	v40 =	vor.u32 s19, v17;
	v31 =	vld.idx.msk [tilespmem:v31+s16+$0x0], $0xffff  }
0xc6: {  	v41 =	vor.u32 s19, v18;
	v36 =	vld.idx.msk [tilespmem:v36+s16+$0x0], $0xffff;
	v30 =	vmax.f32 v34, v30  }
0xc7: {  	v53 =	vor.u32 s19, v19;
	v52 =	vld.idx.msk [tilespmem:v37+s16+$0x0], $0xffff;
	v30 =	vmax.f32 v30, v35  }
0xc8: {  	v55 =	vor.u32 s19, v20;
	v54 =	vld.idx.msk [tilespmem:v38+s16+$0x0], $0xffff;
	v30 =	vmax.f32 v30, v33  }
0xc9: {  	v57 =	vor.u32 s19, v21;
	v56 =	vld.idx.msk [tilespmem:v39+s16+$0x0], $0xffff;
	v30 =	vmax.f32 v30, v32  }
0xca: {  	v59 =	vor.u32 s19, v25;
	v58 =	vld.idx.msk [tilespmem:v40+s16+$0x0], $0xffff;
	v30 =	vmax.f32 v30, v31  }
0xcb: {  	v31 =	vld.idx.msk [tilespmem:v41+s16+$0x0], $0xffff;
	v30 =	vmax.f32 v30, v36  }
0xcc: {  	v60 =	vld.idx.msk [tilespmem:v53+s16+$0x0], $0xffff;
	v30 =	vmax.f32 v30, v52  }
0xcd: {  	v61 =	vld.idx.msk [tilespmem:v55+s16+$0x0], $0xffff;
	v30 =	vmax.f32 v30, v54  }
0xce: {  	v62 =	vld.idx.msk [tilespmem:v57+s16+$0x0], $0xffff;
	v30 =	vmax.f32 v30, v56  }
0xcf: {  	v63 =	vld.idx.msk [tilespmem:v59+s16+$0x0], $0xffff;
	v30 =	vmax.f32 v30, v58  }
0xd0: {  	v30 =	vmax.f32 v30, v31  }
0xd1: {  	v30 =	vmax.f32 v30, v60  }
0xd2: {  	v30 =	vmax.f32 v30, v61  }
0xd3: {  	s13 =	sadd.s32 @p1 $0x10, s22;
	v30 =	vmax.f32 v30, v62  }
0xd4: {  	s12 =	smov.u32 @p1 s13;
	v30 =	vmax.f32 v30, v63  }
0xd5: {  	[tilespmem:s12+$0x0] =	vst v30  }
.LBB2_12:
0xd6: {  	v30 =	vld [tilespmem:$0x5580]  }
0xd7: {  	v31 =	vld [tilespmem:$0x5590]  }
0xd8: {  	v32 =	vld [tilespmem:$0x55A0]  }
0xd9: {  	v33 =	vld [tilespmem:$0x55B0]  }
0xda: {  	v34 =	vld [tilespmem:$0x55C0]  }
0xdb: {  	(xrf0) =	vmax.scan.msk.f32 $0xffff, v30  }
0xdc: {  	(xrf0) =	vmax.scan.msk.f32 $0xffff, v31  }
0xdd: {  	(xrf0) =	vmax.scan.msk.f32 $0xffff, v32  }
0xde: {  	(xrf0) =	vmax.scan.msk.f32 $0xffff, v33  }
0xdf: {  	(xrf0) =	vmax.scan.msk.f32 $0xffff, v34;
	_ =	sdelay $0x1  }
0xe0: {  	v35, _, _ =	vpop (xrf0)  }
0xe1: {  	(v2sf) =	vpush v35, $0xF;
	v53, _, _ =	vpop (xrf0)  }
0xe2: {  	(v2sf) =	vpush v53, $0xF;
	v54, _, _ =	vpop (xrf0)  }
0xe3: {  	(v2sf) =	vpush v54, $0xF;
	v55, _, _ =	vpop (xrf0)  }
0xe4: {  	(v2sf) =	vpush v55, $0xF;
	v56, _, _ =	vpop (xrf0)  }
0xe5: {  	(v2sf) =	vpush v56, $0xF;
	_ =	sdelay $0xa  }
0xe6: {  	s12 =	spop (v2sf)  }
0xe7: {  	s12 =	smax.f32 s12, $-4.000000000e+00;
	s13 =	spop (v2sf)  }
0xe8: {  	s12 =	smax.f32 s12, s13;
	s26 =	spop (v2sf)  }
0xe9: {  	s12 =	smax.f32 s12, s26;
	s19 =	spop (v2sf)  }
0xea: {  	s12 =	smax.f32 s12, s19;
	s22 =	spop (v2sf)  }
0xeb: {  	s12 =	smax.f32 s12, s22  }
0xec: {  	vm7 =	veq.f32 v30, s12  }
0xed: {  	v30 =	vnsel vm7, $0xC0000000, v26;
	vm7 =	veq.f32 v31, s12  }
0xee: {  	(xrf0) =	vmin.scan.msk.u32 $0xffff, v30;
	v30 =	vnsel vm7, $0xC0000000, v22  }
0xef: {  	vm7 =	veq.f32 v32, s12;
	(xrf0) =	vmin.scan.msk.u32 $0xffff, v30  }
0xf0: {  	v30 =	vnsel vm7, $0xC0000000, v23;
	vm7 =	veq.f32 v33, s12  }
0xf1: {  	(xrf0) =	vmin.scan.msk.u32 $0xffff, v30;
	v30 =	vnsel vm7, $0xC0000000, v24;
	_ =	sdelay $0x1  }
0xf2: {  	vm7 =	veq.f32 v34, s12;
	(xrf0) =	vmin.scan.msk.u32 $0xffff, v30  }
0xf3: {  	v31 =	vnsel vm7, $0xC0000000, v27;
	v30, _, _ =	vpop (xrf0)  }
0xf4: {  	(xrf0) =	vmin.scan.msk.u32 $0xffff, v31;
	(v2sf) =	vpush v30, $0xF;
	v30, _, _ =	vpop (xrf0)  }
0xf5: {  	(v2sf) =	vpush v30, $0xF  }
0xf6: {  	v30, _, _ =	vpop (xrf0)  }
0xf7: {  	(v2sf) =	vpush v30, $0xF  }
0xf8: {  	v30, _, _ =	vpop (xrf0)  }
0xf9: {  	(v2sf) =	vpush v30, $0xF  }
0xfa: {  	v30, _, _ =	vpop (xrf0)  }
0xfb: {  	(v2sf) =	vpush v30, $0xF;
	_ =	sdelay $0x7  }
0xfc: {  	s24 =	spop (v2sf)  }
0xfd: {  	s19 =	spop (v2sf)  }
0xfe: {  	s13 =	sxor.u32 $0x80000000, s24;
	s19 =	sxor.u32 $0x80000000, s19  }
0xff: {  	s22 =	spop (v2sf);
	p1 =	slt.s32 s13, s19  }
0x100: {  	s19 =	smov.u32 @p1 s13;
	s13 =	sxor.u32 $0x80000000, s22  }
0x101: {  	s26 =	spop (v2sf);
	p1 =	slt.s32 s19, s13  }
0x102: {  	s13 =	smov.u32 @p1 s19;
	s19 =	sxor.u32 $0x80000000, s26  }
0x103: {  	s24 =	spop (v2sf);
	p1 =	slt.s32 s13, s19  }
0x104: {  	s19 =	smov.u32 @p1 s13;
	s13 =	sxor.u32 $0x80000000, s24  }
0x105: {  	p1 =	slt.s32 s19, s13  }
0x106: {  	s13 =	smov.u32 @p1 s19  }
0x107: {  	p1 =	slt.s32 s13, $0x40000000  }
0x108: {  	s13 =	simm.s32 @!p1 $0x40000000  }
0x109: {  	s26 =	sshll.u32 s13, $0x4  }
0x10a: {  	v30 =	vor.u32 s26, v1;
	_ =	sdelay $0x4  }
0x10b: {  	v30 =	vld.idx.msk [tilespmem:v30+s16+$0x0], $0xffff;
	_ =	sdelay $0x4  }
0x10c: {  	vm7 =	veq.f32 v30, s12  }
0x10d: {  	v31 =	vnsel vm7, $0xC0000000, v26  }
0x10e: {  	(xrf0) =	vmin.scan.msk.u32 $0xffff, v31;
	_ =	sdelay $0x5  }
0x10f: {  	v31, _, _ =	vpop (xrf0)  }
0x110: {  	(v2sf) =	vpush v31, $0xF;
	_ =	sdelay $0xe  }
0x111: {  	s24 =	spop (v2sf)  }
0x112: {  	s22 =	sxor.u32 $0x80000000, s24  }
0x113: {  	s19 =	sadd.s32 s22, s26  }
0x114: {  	s24 =	sshll.u32 s19, $0x4  }
0x115: {  	v31 =	vor.u32 s24, v1;
	_ =	sdelay $0x4  }
0x116: {  	v31 =	vld.idx.msk [tilespmem:v31+s3+$0x0], $0xffff;
	_ =	sdelay $0x4  }
0x117: {  	vm7 =	veq.f32 v31, s12  }
0x118: {  	v57 =	vnsel vm7, $0xC0000000, v26  }
0x119: {  	(xrf0) =	vmin.scan.msk.u32 $0xffff, v57;
	_ =	sdelay $0x5  }
0x11a: {  	v32, _, _ =	vpop (xrf0)  }
0x11b: {  	(v2sf) =	vpush v32, $0xF;
	_ =	sdelay $0xe  }
0x11c: {  	s26 =	spop (v2sf)  }
0x11d: {  	s26 =	sxor.u32 $0x80000000, s26  }
0x11e: {  	v58 =	vmov s26  }
0x11f: {  	vm7 =	veq.s32 v58, v1  }
0x120: {  	v31 =	vsel vm7, $0xC0400000, v31  }
0x121: {  	(xrf0) =	vmax.scan.msk.f32 $0xffff, v31;
	_ =	sdelay $0x5  }
0x122: {  	v31, _, _ =	vpop (xrf0)  }
0x123: {  	v59 =	vmov s22;
	v31 =	vbroadcast v31, $0xF  }
0x124: {  	vm7 =	veq.s32 v59, v1  }
0x125: {  	v30 =	vsel vm7, v31, v30  }
0x126: {  	(xrf0) =	vmax.scan.msk.f32 $0xffff, v30  }
0x127: {  	s26 =	sadd.s32 s26, s24  }
0x128: {  	v30 =	vmov s26  }
0x129: {  	v60 =	vmov s19  }
0x12a: {  	v61 =	vmov s13  }
0x12b: {  	v62 =	vmov s1  }
0x12c: {  	p1 =	sne.s32 s1, $0x5F;
	v63, _, _ =	vpop (xrf0)  }
.Ltmp5:
0x12d: {  	[tilespmem:v30+s3+$0x0] =	vst.idx.msk $0x1, v28;
	v35 =	vbroadcast v63, $0xF;
	(pc) =	sbr.rel @p1 .LBB2_12-.Ltmp5, $4  }
0x12e: {  	s24 =	rddreg [dreg:$0x6];
	[tilespmem:v60+s16+$0x0] =	vst.idx.msk $0x1, v31  }
0x12f: {  	s26 =	rddreg [dreg:$0x7];
	[tilespmem:v61+s24+$0x0] =	vst.idx.msk $0x1, v35  }
0x130: {  	v31 =	vmov s12;
	[tilespmem:v62+s26+$0x0] =	vst.idx.msk $0x1, v30  }
0x131: {  	s1 =	sadd.s32 $0x1, s1;
	[tilespmem:v62+s17+$0x0] =	vst.idx.msk $0x1, v31  }
0x132: {  	v30 =	vld [tilespmem:$0x8680];
	_ =	sdelay $0x4  }
0x133: {  	v32 =	vld [tilespmem:$0x8690];
	v31 =	vadd.s32 v0, v30  }
0x134: {  	[tilespmem:$0x8780] =	vst v31;
	v31 =	vadd.s32 v2, v30  }
0x135: {  	[tilespmem:$0x8800] =	vst v31;
	v31 =	vadd.s32 v3, v30  }
0x136: {  	[tilespmem:$0x8880] =	vst v31;
	v31 =	vadd.s32 v5, v30  }
0x137: {  	v30 =	vadd.s32 v6, v30;
	[tilespmem:$0x8900] =	vst v31  }
0x138: {  	[tilespmem:$0x8980] =	vst v30;
	v30 =	vadd.s32 v0, v32;
	v31 =	vld [tilespmem:$0x86A0]  }
0x139: {  	[tilespmem:$0x8790] =	vst v30;
	v30 =	vadd.s32 v2, v32  }
0x13a: {  	[tilespmem:$0x8810] =	vst v30;
	v30 =	vadd.s32 v3, v32  }
0x13b: {  	[tilespmem:$0x8890] =	vst v30;
	v30 =	vadd.s32 v5, v32  }
0x13c: {  	[tilespmem:$0x8910] =	vst v30;
	v30 =	vadd.s32 v6, v32  }
0x13d: {  	v59 =	vld [tilespmem:$0x86B0];
	[tilespmem:$0x8990] =	vst v30;
	v30 =	vadd.s32 v0, v31  }
0x13e: {  	[tilespmem:$0x87A0] =	vst v30;
	v30 =	vadd.s32 v2, v31  }
0x13f: {  	[tilespmem:$0x8820] =	vst v30;
	v30 =	vadd.s32 v3, v31  }
0x140: {  	[tilespmem:$0x88A0] =	vst v30;
	v30 =	vadd.s32 v5, v31  }
0x141: {  	[tilespmem:$0x8920] =	vst v30;
	v30 =	vadd.s32 v6, v31  }
0x142: {  	v31 =	vld [tilespmem:$0x86C0];
	[tilespmem:$0x89A0] =	vst v30;
	v30 =	vadd.s32 v0, v59  }
0x143: {  	[tilespmem:$0x87B0] =	vst v30;
	v30 =	vadd.s32 v2, v59  }
0x144: {  	[tilespmem:$0x8830] =	vst v30;
	v30 =	vadd.s32 v3, v59  }
0x145: {  	[tilespmem:$0x88B0] =	vst v30;
	v30 =	vadd.s32 v5, v59  }
0x146: {  	[tilespmem:$0x8930] =	vst v30;
	v30 =	vadd.s32 v6, v59  }
0x147: {  	v60 =	vld [tilespmem:$0x86D0];
	[tilespmem:$0x89B0] =	vst v30;
	v30 =	vadd.s32 v0, v31  }
0x148: {  	[tilespmem:$0x87C0] =	vst v30;
	v30 =	vadd.s32 v2, v31  }
0x149: {  	[tilespmem:$0x8840] =	vst v30;
	v30 =	vadd.s32 v3, v31  }
0x14a: {  	[tilespmem:$0x88C0] =	vst v30;
	v30 =	vadd.s32 v5, v31  }
0x14b: {  	[tilespmem:$0x8940] =	vst v30;
	v30 =	vadd.s32 v6, v31  }
0x14c: {  	[tilespmem:$0x89C0] =	vst v30;
	v30 =	vadd.s32 v0, v60  }
0x14d: {  	[tilespmem:$0x87D0] =	vst v30;
	v30 =	vadd.s32 v2, v60  }
0x14e: {  	[tilespmem:$0x8850] =	vst v30;
	v30 =	vadd.s32 v3, v60  }
0x14f: {  	[tilespmem:$0x88D0] =	vst v30;
	v30 =	vadd.s32 v5, v60  }
0x150: {  	[tilespmem:$0x8950] =	vst v30;
	v30 =	vadd.s32 v6, v60  }
0x151: {  	s1 =	simm.s32 $0x8780;
	[tilespmem:$0x89D0] =	vst v30  }
0x152: {  	[tilespmem:s20], [sflag:$0x1] =	stream.indirect.gather [hbm4b:s4+s18], $0x1, s1, s18, $0xb8;
	[tilespmem:$0x8C80] =	vst v63  }
0x153: {  	_ =	swait.ge [sflag:s21], $0x60  }
0x154: {  	[sflag:s21] =	ssyncset.done $0x0  }
0x155: {  	s12 =	simm.s32 $0x8800;
	[sflag:s21] =	ssyncadd.s32 $0xFFFFFFA0  }
0x156: {  	[tilespmem:s23], [sflag:$0x1] =	stream.indirect.gather [hbm4b:s4+s18], $0x1, s12, s18, $0xb8;
	[tilespmem:$0x8C80] =	vst v63  }
0x157: {  	_ =	swait.ge [sflag:s21], $0x60  }
0x158: {  	[sflag:s21] =	ssyncset.done $0x0  }
0x159: {  	s13 =	simm.s32 $0x8880;
	[sflag:s21] =	ssyncadd.s32 $0xFFFFFFA0  }
0x15a: {  	[tilespmem:s25], [sflag:$0x1] =	stream.indirect.gather [hbm4b:s4+s18], $0x1, s13, s18, $0xb8;
	[tilespmem:$0x8C80] =	vst v63  }
0x15b: {  	_ =	swait.ge [sflag:s21], $0x60  }
0x15c: {  	[sflag:s21] =	ssyncset.done $0x0  }
0x15d: {  	s19 =	simm.s32 $0x8900;
	[sflag:s21] =	ssyncadd.s32 $0xFFFFFFA0  }
0x15e: {  	[tilespmem:s28], [sflag:$0x1] =	stream.indirect.gather [hbm4b:s4+s18], $0x1, s19, s18, $0xb8;
	[tilespmem:$0x8C80] =	vst v63  }
0x15f: {  	_ =	swait.ge [sflag:s21], $0x60  }
0x160: {  	[sflag:s21] =	ssyncset.done $0x0  }
0x161: {  	s22 =	simm.s32 $0x0;
	[sflag:s21] =	ssyncadd.s32 $0xFFFFFFA0  }
0x162: {  	v30 =	vmov s22;
	s24 =	rddreg [dreg:$0x2]  }
0x163: {  	[tilespmem:s30], [sflag:$0x1] =	stream.indirect.gather [hbm4b:s24+s18], $0x1, s29, s18, $0xb8;
	[tilespmem:$0x8C80] =	vst v63  }
0x164: {  	_ =	swait.ge [sflag:s21], $0x60  }
0x165: {  	[sflag:s21] =	ssyncset.done $0x0  }
0x166: {  	[sflag:s21] =	ssyncadd.s32 $0xFFFFFFA0  }
0x167: {  	v31 =	vld.idx.msk [tilespmem:v30+s30+$0x0], $0xffff;
	_ =	sdelay $0x4  }
0x168: {  	v31 =	vmul.u32 $0x5, v31;
	_ =	sdelay $0x1  }
0x169: {  	v61 =	vld.idx.msk [tilespmem:v30+s20+$0x0], $0xffff;
	v33 =	vadd.s32 v29, v31  }
0x16a: {  	v34 =	vld.idx.msk [tilespmem:v30+s17+$0x0], $0xffff;
	v31 =	vadd.s32 $0x4, v31  }
0x16b: {  	v35 =	vld.idx.msk [tilespmem:v30+s25+$0x0], $0xffff  }
0x16c: {  	v36 =	vld.idx.msk [tilespmem:v30+s28+$0x0], $0xffff  }
0x16d: {  	v37 =	vld.idx.msk [tilespmem:v30+s23+$0x0], $0xffff  }
0x16e: {  	v33 =	vld.idx.msk [tilespmem:v33+s15+$0x0], $0xffff  }
0x16f: {  	v31 =	vld.idx.msk [tilespmem:v31+s15+$0x0], $0xffff;
	_ =	sdelay $0x1  }
0x170: {  	v35 =	vsel vm1, v36, v35  }
0x171: {  	vm7 =	vge.f32 v34, $5.000000000e-01;
	v62 =	vsel vm2, v35, v37  }
0x172: {  	v63 =	vshll.u32 v30, $0x7;
	vm7 =	vmand vm0, vm7;
	v34 =	vsel vm3, v61, v62  }
0x173: {  	v32 =	vnsel vm7, $0x0, v31;
	v31 =	vsel vm4, v34, v33;
	v33 =	vor.u32 v1, v63;
	_ =	sdelay $0x2  }
0x174: {  	s26 =	simm.s32 $0x1;
	v34 =	vsel vm5, v31, v32  }
0x175: {  	s1 =	simm.s32 $0x2;
	v31 =	vmov s26;
	v34 =	vnsel vm6, $0x0, v34  }
.LBB2_14:
0x176: {  	p1 =	sne.s32 s1, $0x5F;
	[tilespmem:v33+s31+$0x0] =	vst.idx.msk $0xffff, v34  }
0x177: {  	[tilespmem:v30+s0+$0x0] =	vst.idx.msk $0x1, v32;
	v30 =	vmov v31  }
0x178: {  	v31 =	vld.idx.msk [tilespmem:v31+s30+$0x0], $0xffff;
	_ =	sdelay $0x5  }
0x179: {  	v31 =	vmul.u32 $0x5, v31;
	_ =	sdelay $0x1  }
0x17a: {  	v33 =	vadd.s32 v29, v31;
	v32 =	vld.idx.msk [tilespmem:v30+s20+$0x0], $0xffff  }
0x17b: {  	v31 =	vadd.s32 $0x4, v31;
	v34 =	vld.idx.msk [tilespmem:v30+s17+$0x0], $0xffff  }
0x17c: {  	v35 =	vld.idx.msk [tilespmem:v30+s25+$0x0], $0xffff  }
0x17d: {  	v36 =	vld.idx.msk [tilespmem:v30+s28+$0x0], $0xffff  }
0x17e: {  	v37 =	vld.idx.msk [tilespmem:v30+s23+$0x0], $0xffff  }
0x17f: {  	v38 =	vld.idx.msk [tilespmem:v33+s15+$0x0], $0xffff  }
0x180: {  	v39 =	vld.idx.msk [tilespmem:v31+s15+$0x0], $0xffff;
	_ =	sdelay $0x2  }
0x181: {  	v33 =	vshll.u32 v30, $0x7;
	v31 =	vsel vm1, v36, v35  }
.Ltmp6:
0x182: {  	vm7 =	vge.f32 v34, $5.000000000e-01;
	v33 =	vor.u32 v1, v33;
	v31 =	vsel vm2, v31, v37;
	(pc) =	sbr.rel @p1 .LBB2_14-.Ltmp6, $4  }
0x183: {  	vm7 =	vmand vm0, vm7;
	v34 =	vsel vm3, v32, v31  }
0x184: {  	v31 =	vmov s1;
	v32 =	vnsel vm7, $0x0, v39;
	v34 =	vsel vm4, v34, v38  }
0x185: {  	v34 =	vsel vm5, v34, v32  }
0x186: {  	s1 =	sadd.s32 $0x1, s1;
	v34 =	vnsel vm6, $0x0, v34  }
0x187: {  	_ =	sdelay $0x3  }
0x188: {  	[tilespmem:v33+s31+$0x0] =	vst.idx.msk $0xffff, v34  }
0x189: {  	[tilespmem:v30+s0+$0x0] =	vst.idx.msk $0x1, v32  }
0x18a: {  	v30 =	vld.idx.msk [tilespmem:v31+s30+$0x0], $0xffff;
	_ =	sdelay $0x4  }
0x18b: {  	v30 =	vmul.u32 $0x5, v30;
	_ =	sdelay $0x1  }
0x18c: {  	v32 =	vld.idx.msk [tilespmem:v31+s20+$0x0], $0xffff;
	v60 =	vadd.s32 v29, v30  }
0x18d: {  	v34 =	vld.idx.msk [tilespmem:v31+s17+$0x0], $0xffff;
	v30 =	vadd.s32 $0x4, v30  }
0x18e: {  	v35 =	vld.idx.msk [tilespmem:v31+s25+$0x0], $0xffff  }
0x18f: {  	v36 =	vld.idx.msk [tilespmem:v31+s28+$0x0], $0xffff  }
0x190: {  	v37 =	vld.idx.msk [tilespmem:v31+s23+$0x0], $0xffff  }
0x191: {  	v33 =	vld.idx.msk [tilespmem:v60+s15+$0x0], $0xffff  }
0x192: {  	v30 =	vld.idx.msk [tilespmem:v30+s15+$0x0], $0xffff;
	_ =	sdelay $0x1  }
0x193: {  	v61 =	vshll.u32 v31, $0x7;
	v35 =	vsel vm1, v36, v35  }
0x194: {  	v63 =	vor.u32 v1, v61;
	vm7 =	vge.f32 v34, $5.000000000e-01;
	v62 =	vsel vm2, v35, v37  }
0x195: {  	vm7 =	vmand vm0, vm7;
	v32 =	vsel vm3, v32, v62  }
0x196: {  	v30 =	vnsel vm7, $0x0, v30;
	v32 =	vsel vm4, v32, v33  }
0x197: {  	v32 =	vsel vm5, v32, v30  }
0x198: {  	v32 =	vnsel vm6, $0x0, v32  }
0x199: {  	[tilespmem:v63+s31+$0x0] =	vst.idx.msk $0xffff, v32  }
0x19a: {  	s1 =	simm.s32 @p0 $0x0;
	s12 =	simm.s32 @p0 $0x5600;
	[tilespmem:v31+s0+$0x0] =	vst.idx.msk $0x1, v30  }
0x19b: {  	[hbm4b:s8+s1] =	stream.linear.scatter @p0 [tilespmem:s12], [sflag:$0x2], $0x3000, $0x38;
	[tilespmem:$0x8C80] =	vst v63  }
0x19c: {  	s12 =	simm.s32 @p0 $0x2  }
0x19d: {  	_ =	swait.ge @p0 [sflag:s12], $0x3000  }
0x19e: {  	[sflag:s12] =	ssyncset.done @p0 $0x0  }
0x19f: {  	s13 =	simm.s32 @p0 $0x8600;
	[sflag:s12] =	ssyncadd.s32 @p0 $0xFFFFD000  }
0x1a0: {  	[hbm4b:s9+s1] =	stream.linear.scatter @p0 [tilespmem:s13], [sflag:$0x2], $0x60, $0x38;
	[tilespmem:$0x8C80] =	vst v63  }
0x1a1: {  	_ =	swait.ge @p0 [sflag:s12], $0x60  }
0x1a2: {  	[sflag:s12] =	ssyncset.done @p0 $0x0  }
0x1a3: {  	s1 =	simm.s32 @!p0 $0x0;
	[sflag:s12] =	ssyncadd.s32 @p0 $0xFFFFFFA0;
	s12 =	simm.s32 @!p0 $0x5600  }
0x1a4: {  	[hbm4b:s10+s1] =	stream.linear.scatter @!p0 [tilespmem:s12], [sflag:$0x2], $0x1000, $0x38;
	[tilespmem:$0x8C80] =	vst v63  }
0x1a5: {  	s12 =	simm.s32 @!p0 $0x2  }
0x1a6: {  	_ =	swait.ge @!p0 [sflag:s12], $0x1000  }
0x1a7: {  	s2 =	sadd.s32 $0x1, s2;
	[sflag:s12] =	ssyncset.done @!p0 $0x0  }
0x1a8: {  	p1 =	sne.s32 s2, s11;
	s13 =	simm.s32 @!p0 $0x8600;
	[sflag:s12] =	ssyncadd.s32 @!p0 $0xFFFFF000  }
0x1a9: {  	[hbm4b:s7+s1] =	stream.linear.scatter @!p0 [tilespmem:s13], [sflag:$0x2], $0x20, $0x38;
	[tilespmem:$0x8C80] =	vst v63  }
.Ltmp7:
0x1aa: {  	_ = 	snop;
	(pc) =	sbr.rel @p1 .LBB2_1-.Ltmp7, $4  }
.Ltmp8:
0x1ab: {  	_ = 	snop;
	(pc) =	sbr.rel @!p1 .LBB2_16-.Ltmp8, $4  }
0x1ac: {  	_ =	swait.ge @!p0 [sflag:s12], $0x20  }
0x1ad: {  	[sflag:s12] =	ssyncset.done @!p0 $0x0  }
0x1ae: {  	[sflag:s12] =	ssyncadd.s32 @!p0 $0xFFFFFFE0  }
0x1af: {  	_ = 	snop  }
.LBB2_4:
.Ltmp9:
0x1b0: {  	(pc) =	sbr.rel .LBB2_11-.Ltmp9, $2  }
0x1b1: {  	_ =	sdelay $0x2  }
0x1b2: {  	s19 =	simm.s32 $0x0;
	s22 =	simm.s32 $0x5580  }
.LBB2_6:
.Ltmp10:
0x1b3: {  	(pc) =	sbr.rel .LBB2_11-.Ltmp10, $2  }
0x1b4: {  	_ =	sdelay $0x2  }
0x1b5: {  	s22 =	simm.s32 $0x5580  }
.LBB2_8:
.Ltmp11:
0x1b6: {  	(pc) =	sbr.rel .LBB2_11-.Ltmp11, $2  }
0x1b7: {  	_ =	sdelay $0x2  }
0x1b8: {  	s19 =	simm.s32 $0x200;
	s22 =	simm.s32 $0x5580  }
.LBB2_16:
0x1b9: {  	_ =	sfence.sel $0x180000  }
0x1ba: {  	[bflag:$0x0] =	sbarrier.arrive $0xFFFF  }
0x1bb: {  	_ =	strace $0x90000047  }
0x1bc: {  	s0 =	stileid.u32;
	[bflag:$0x2] =	sbarrier.arrive $0xFFFF  }
0x1bd: {  	p0 =	sne.s32 s0, $0x0;
	s0 =	rddreg [dreg:$0x5]  }
0x1be: {  	s0 =	sadd.s32 @!p0 $0x100000, s0  }
0x1bf: {  	[sflag:s0] =	ssyncadd.tile.s32 @!p0 $0x1;
	_ =	shalt  }
.Lfunc_end2:
_tile_overlayer_lowered:
.L_overlay_start_2:
0x1c0: {  	(tag) =	ssettag $0x2  }
0x1c1: {  	s0 =	rddreg [dreg:$0x0];
	s2 =	stileid.u32  }
0x1c2: {  	s1 =	rddreg [dreg:$0x1];
	p0 =	sne.s32 s2, $0x0  }
0x1c3: {  	s3 =	rddreg [dreg:$0x2];
	[bflag:$0x3] =	sbarrier.arrive $0xFFFF;
	s2 =	simm.s32 @!p0 $0x1C02  }
0x1c4: {  	[timem:s3], [sflag:s2] =	dma.local @!p0 [hbm:s0], s1  }
0x1c5: {  	s0 =	simm.s32 @!p0 $0x2  }
0x1c6: {  	_ =	swait.ge @!p0 [sflag:s0], s1  }
0x1c7: {  	s1 =	ssub.s32 @!p0 $0x0, s1;
	[sflag:s0] =	ssyncset.done @!p0 $0x0  }
0x1c8: {  	[sflag:s0] =	ssyncadd.s32 @!p0 s1  }
0x1c9: {  	[bflag:$0x3] =	sbarrier.arrive $0xFFFF  }
0x1ca: {  	_ =	shalt  }

</sc_bundles>
